<compile_context>
chip_gen: v7x
topology: tpu7x:2x2x1
jax: 0.10.2.dev20260603
libtpu: 0.0.44.dev20260713+nightly
codegen_flags: <defaults>
</compile_context>

<pallas_src>
import math
import functools
import jax
import jax.numpy as jnp
from jax import lax
from jax.experimental import pallas as pl
from jax.experimental.pallas import tpu as pltpu
from jax.experimental.pallas import tpu_sc as plsc

B, N, NU, D = 32, 4096, 2048, 128
NUP = NU + 128
BB = 16
SQRT_D = math.sqrt(float(D))
CLIP = 10.0
I32MAX = 2**31 - 1
HI = jax.lax.Precision.HIGHEST

_SC_MESH = plsc.VectorSubcoreMesh(core_axis_name="c", subcore_axis_name="s")
L = 16


@functools.partial(
    pl.kernel,
    out_type=[jax.ShapeDtypeStruct((B, NUP), jnp.float32),
              jax.ShapeDtypeStruct((B, NUP), jnp.float32)],
    mesh=_SC_MESH,
    compiler_params=pltpu.CompilerParams(needs_layout_passes=False),
    scratch_types=[pltpu.VMEM((N * 2,), jnp.float32),
                   pltpu.VMEM((NUP,), jnp.int32),
                   pltpu.VMEM((NUP,), jnp.float32),
                   pltpu.VMEM((NUP,), jnp.float32)],
)
def _sc_gather(problems_hbm, idxp_hbm, gx_hbm, gy_hbm, pv, iv, xv, yv):
    b = lax.axis_index("s") * 2 + lax.axis_index("c")
    pltpu.sync_copy(problems_hbm.at[b], pv)
    pltpu.sync_copy(idxp_hbm.at[b], iv)

    def body(t, carry):
        ivec = iv[pl.ds(t * L, L)] * 2
        xv[pl.ds(t * L, L)] = plsc.load_gather(pv, [ivec])
        yv[pl.ds(t * L, L)] = plsc.load_gather(pv, [ivec + 1])
        return carry

    lax.fori_loop(0, NUP // L, body, 0)
    pltpu.sync_copy(xv, gx_hbm.at[b])
    pltpu.sync_copy(yv, gy_hbm.at[b])


@functools.partial(
    pl.kernel,
    out_type=jax.ShapeDtypeStruct((B, N), jnp.float32),
    mesh=_SC_MESH,
    compiler_params=pltpu.CompilerParams(needs_layout_passes=False),
    scratch_types=[pltpu.VMEM((NU + L,), jnp.int32),
                   pltpu.VMEM((NU,), jnp.float32),
                   pltpu.VMEM((N,), jnp.float32)],
)
def _sc_scatter(probs_hbm, idx_hbm, upper_hbm, iv, pv, ov):
    b = lax.axis_index("s") * 2 + lax.axis_index("c")
    pltpu.sync_copy(idx_hbm.at[b], iv.at[pl.ds(0, NU)])
    iv[pl.ds(NU, L)] = jnp.full((L,), -1, jnp.int32)
    pltpu.sync_copy(probs_hbm.at[b], pv)
    zf = jnp.zeros((L,), jnp.float32)
    lane = lax.iota(jnp.int32, L)

    def zbody(t, carry):
        ov[pl.ds(t * L, L)] = zf
        return carry

    lax.fori_loop(0, N // L, zbody, 0)

    def body(t, carry):
        cur = iv[pl.ds(t * L, L)]
        nxt = plsc.load_gather(iv, [lane + (t * L + 1)])
        plsc.store_scatter(ov, [cur], pv[pl.ds(t * L, L)], mask=cur != nxt)
        return carry

    lax.fori_loop(0, NU // L, body, 0)
    pltpu.sync_copy(ov, upper_hbm.at[b])


def _tc_body(gx_ref, gy_ref, cd_ref, nm_ref, idx_ref, We_ref, be_ref,
             Wqf_ref, Wql_ref, Wk_ref, Wv_ref, ls_ref, aa_ref, ac_ref,
             probs_ref, ts_ref, ss_ref):
    We = We_ref[...]
    bec = be_ref[...]
    Wk = Wk_ref[...]
    Wv = Wv_ref[...]
    Wq = Wqf_ref[...] + Wql_ref[...]
    lsv = ls_ref[...]
    aav = aa_ref[...]
    acv = ac_ref[...]

    Wke = jnp.dot(Wk, We, precision=HI, preferred_element_type=jnp.float32)
    bk = jnp.dot(Wk, bec, precision=HI, preferred_element_type=jnp.float32)
    Wve = jnp.dot(Wv, We, precision=HI, preferred_element_type=jnp.float32)
    bv = jnp.dot(Wv, bec, precision=HI, preferred_element_type=jnp.float32)
    Wx = We[:, 0:1]
    Wy = We[:, 1:2]

    for i in range(BB):
        gxr = gx_ref[i]
        gyr = gy_ref[i]
        cd = cd_ref[i]
        nm = nm_ref[i]

        eT = Wx * gxr + Wy * gyr + bec
        kT = Wke[:, 0:1] * gxr + Wke[:, 1:2] * gyr + bk
        vT = Wve[:, 0:1] * gxr + Wve[:, 1:2] * gyr + bv

        ecol = eT[:, NU:NU + 1]
        q = jnp.dot(Wq, ecol, precision=HI, preferred_element_type=jnp.float32)

        ekT = jnp.exp(kT[:, :NU])
        evT = ekT * vT[:, :NU]
        eb = jnp.exp(nm - (lsv * aav) * cd)
        num = lax.dot_general(evT, eb, (((1,), (1,)), ((), ())), precision=HI,
                              preferred_element_type=jnp.float32)
        den = lax.dot_general(ekT, eb, (((1,), (1,)), ((), ())), precision=HI,
                              preferred_element_type=jnp.float32)
        aafm = jax.nn.sigmoid(q) * num / den
        score = lax.dot_general(aafm, eT[:, :NU], (((0,), (0,)), ((), ())),
                                precision=HI,
                                preferred_element_type=jnp.float32)
        score = score * (1.0 / SQRT_D) - (lsv * acv) * cd
        score = CLIP * jnp.tanh(score) + nm
        pm = jnp.max(score, axis=1, keepdims=True)
        p = jnp.exp(score - pm)
        s = jnp.sum(p, axis=1, keepdims=True)
        probs = p / s
        probs_ref[i] = probs

        mx = jnp.max(probs, axis=1, keepdims=True)
        idxv = idx_ref[i]
        tsel = jnp.min(jnp.where(probs == mx, idxv, I32MAX), axis=1, keepdims=True)
        ts_ref[i] = tsel
        ss_ref[i] = mx


def _tc_call(gx, gy, cd, nm, idx, We, bec, Wqf, Wql, Wk, Wv, ls, aa, ac):
    rep = lambda shape: pl.BlockSpec(shape, lambda b: (0,) * len(shape))
    row = lambda k: pl.BlockSpec((BB, 1, k), lambda b: (b, 0, 0))
    return pl.pallas_call(
        _tc_body,
        grid=(B // BB,),
        in_specs=[
            row(NUP), row(NUP), row(NU), row(NU), row(NU),
            rep((D, 2)), rep((D, 1)), rep((D, D)), rep((D, D)),
            rep((D, D)), rep((D, D)), rep((1, 1)), rep((1, 1)), rep((1, 1)),
        ],
        out_specs=[row(NU), pl.BlockSpec((BB, 1, 1), lambda b: (b, 0, 0)),
                   pl.BlockSpec((BB, 1, 1), lambda b: (b, 0, 0))],
        out_shape=[
            jax.ShapeDtypeStruct((B, 1, NU), jnp.float32),
            jax.ShapeDtypeStruct((B, 1, 1), jnp.int32),
            jax.ShapeDtypeStruct((B, 1, 1), jnp.float32),
        ],
    )(gx, gy, cd, nm, idx, We, bec, Wqf, Wql, Wk, Wv, ls, aa, ac)


def kernel(problems, current_node, unvisited_index, cur_dist, ninf_mask, log_scale, W_embed, b_embed, Wq_first, Wq_last, Wk, Wv, alpha_attn, alpha_com):
    idx = unvisited_index
    idxp = jnp.concatenate(
        [idx, jnp.broadcast_to(current_node[:, None], (B, 128))], axis=1)

    gxf, gyf = _sc_gather(problems.reshape(B, N * 2), idxp)

    probs3, ts3, ss3 = _tc_call(
        gxf.reshape(B, 1, NUP), gyf.reshape(B, 1, NUP),
        cur_dist, ninf_mask, idx.reshape(B, 1, NU),
        W_embed, b_embed.reshape(D, 1), Wq_first, Wq_last, Wk, Wv,
        log_scale.reshape(1, 1), alpha_attn.reshape(1, 1), alpha_com.reshape(1, 1))
    probs = probs3[:, 0, :]
    tsel = ts3[:, 0, 0]
    ssel = ss3[:, 0, 0]

    upper = _sc_scatter(probs, idx)
    return (upper, tsel, ssel)

# --- scband reference (transcript-rebuilt; emitter-appended) ---
"""Pipeline reference for scband-tspupper-model-38946763440478 (READ-ONLY COPY).

The authoritative reference and input builder live on the scoring server;
editing this copy changes nothing except your own understanding.
"""

import math
import jax, jax.numpy as jnp
import numpy as np

B, N, NU, D = 32, 4096, 2048, 128
SQRT_D = math.sqrt(float(D))
CLIP = 10.0


def _gather(enc, idx):
    # enc: [B, N, D], idx: [B, n] -> [B, n, D]  (torch gather along dim=1)
    idx3 = jnp.broadcast_to(idx[:, :, None], (idx.shape[0], idx.shape[1], enc.shape[2]))
    return jnp.take_along_axis(enc, idx3, axis=1)


def setup_inputs(seed: int = 0):
    key = jax.random.key(seed)
    ks = jax.random.split(key, 10)
    problems = jax.random.uniform(ks[0], (B, N, 2), dtype=jnp.float32)
    current_node = jax.random.randint(ks[1], (B,), 0, N, dtype=jnp.int32)
    unvisited_index = jnp.sort(jax.random.randint(ks[2], (B, NU), 0, N, dtype=jnp.int32), axis=-1)
    cur_dist = jax.random.uniform(ks[3], (B, 1, NU), dtype=jnp.float32)
    ninf_mask = jnp.zeros((B, 1, NU), dtype=jnp.float32)
    log_scale = jnp.ones((1,), dtype=jnp.float32)
    W_embed = 0.1 * jax.random.normal(ks[4], (D, 2), dtype=jnp.float32)
    b_embed = 0.02 * jax.random.normal(ks[5], (D,), dtype=jnp.float32)
    Wq_first = 0.05 * jax.random.normal(ks[6], (D, D), dtype=jnp.float32)
    Wq_last = 0.05 * jax.random.normal(ks[7], (D, D), dtype=jnp.float32)
    Wk = 0.05 * jax.random.normal(ks[8], (D, D), dtype=jnp.float32)
    Wv = 0.05 * jax.random.normal(ks[9], (D, D), dtype=jnp.float32)
    alpha_attn = jnp.ones((1,), dtype=jnp.float32)
    alpha_com = jnp.ones((1,), dtype=jnp.float32)
    return {"problems": problems, "current_node": current_node, "unvisited_index": unvisited_index,
            "cur_dist": cur_dist, "ninf_mask": ninf_mask, "log_scale": log_scale,
            "W_embed": W_embed, "b_embed": b_embed, "Wq_first": Wq_first, "Wq_last": Wq_last,
            "Wk": Wk, "Wv": Wv, "alpha_attn": alpha_attn, "alpha_com": alpha_com}


def _forward(problems, cur_dist, ninf_mask, log_scale, W_embed, b_embed, Wq_first, Wq_last, Wk, Wv, alpha_attn, alpha_com, current_node, unvisited_index):
    # pre_forward: embedding + set_kv
    encoded = problems @ W_embed.T + b_embed            # [B, N, D]
    k_all = encoded @ Wk.T                              # [B, N, D]
    v_all = encoded @ Wv.T                              # [B, N, D]
    single_head_key = encoded
    # set_q1 (selected_count == 1): first node == current node at step 1
    enc_first = _gather(encoded, current_node[:, None])  # [B, 1, D]
    q_first = enc_first @ Wq_first.T
    # last-node query
    enc_last = _gather(encoded, current_node[:, None])   # [B, 1, D]
    q_last = enc_last @ Wq_last.T
    q = q_first + q_last                                 # [B, 1, D]
    k = _gather(k_all, unvisited_index)                  # [B, NU, D]
    v = _gather(v_all, unvisited_index)                  # [B, NU, D]
    # AAFM (AFT-full with adaptation bias), ICAM/UDC style
    bias_attn = -1.0 * log_scale * alpha_attn * cur_dist + ninf_mask  # [B, 1, NU]
    eb = jnp.exp(bias_attn)
    num = eb @ (jnp.exp(k) * v)                          # [B, 1, D]
    den = eb @ jnp.exp(k)                                # [B, 1, D]
    aafm_out = jax.nn.sigmoid(q) * (num / den)           # [B, 1, D]
    # compatibility (single-head score with adaptation bias + clipping)
    bias_com = -1.0 * log_scale * alpha_com * cur_dist   # [B, 1, NU]
    single_k = _gather(single_head_key, unvisited_index) # [B, NU, D]
    score = aafm_out @ jnp.swapaxes(single_k, 1, 2)      # [B, 1, NU]
    score = score / SQRT_D + bias_com
    score = CLIP * jnp.tanh(score) + ninf_mask
    probs = jax.nn.softmax(score, axis=-1)[:, 0, :]      # [B, NU]
    return probs


def reference(problems, current_node, unvisited_index, cur_dist, ninf_mask, log_scale, W_embed, b_embed, Wq_first, Wq_last, Wk, Wv, alpha_attn, alpha_com):
    probs = _forward(problems, cur_dist, ninf_mask, log_scale, W_embed, b_embed,
                     Wq_first, Wq_last, Wk, Wv, alpha_attn, alpha_com,
                     current_node, unvisited_index)
    # select_next_node, eval_type='argmax'
    selected = jnp.argmax(probs, axis=-1)                                    # [B]
    selected_score = jnp.take_along_axis(probs, selected[:, None], axis=1)[:, 0]
    batch_idx = jnp.arange(B)[:, None]
    upper_scores = jnp.zeros((B, N), dtype=probs.dtype).at[batch_idx, unvisited_index].set(probs)
    true_selected = jnp.take_along_axis(unvisited_index, selected[:, None], axis=1)[:, 0]
    return (upper_scores, true_selected, selected_score)

if __name__ == "__main__":
    import jax
    _d = setup_inputs()
    print(jax.jit(kernel)(*tuple(_d.values())))

</pallas_src>

<mosaic_0001>
#map = affine_map<(d0, d1) -> (0, 0)>
module attributes {stable_mosaic.version = 14 : i64} {
  func.func @_sc_gather(%arg0: i32, %arg1: i32, %arg2: memref<32x8192xf32, #tpu.memory_space<hbm>>, %arg3: memref<32x2176xi32, #tpu.memory_space<hbm>>, %arg4: memref<32x2176xf32, #tpu.memory_space<hbm>>, %arg5: memref<32x2176xf32, #tpu.memory_space<hbm>>, %arg6: memref<8192xf32, #tpu.memory_space<vmem>>, %arg7: memref<2176xi32, #tpu.memory_space<vmem>>, %arg8: memref<2176xf32, #tpu.memory_space<vmem>>, %arg9: memref<2176xf32, #tpu.memory_space<vmem>>) attributes {dimension_semantics = [#tpu.dimension_semantics<core_parallel>, #tpu.dimension_semantics<subcore_parallel>], iteration_bounds = array<i64: 2, 16>, scalar_prefetch = 0 : i64, scratch_operands = 4 : i64, tpu.core_type = #tpu.core_type<sc_vector_subcore>, window_params = [{transform_indices = #map}, {transform_indices = #map}, {transform_indices = #map}, {transform_indices = #map}]} {
    %mul3A = arith.constant 2 : i32
    %mul3A_0 = arith.muli %arg1, %mul3A : i32
    %add3A = arith.addi %mul3A_0, %arg0 : i32
    "tpu.region"() ({
      %run_scoped3A = tpu.sem_alloc : memref<!tpu.dma_semaphore, #tpu.memory_space<semaphore_mem>>
      %dma_start3A = arith.constant 0 : i32
      %dma_start3A_6 = tpu.memref_slice %arg2[%add3A, %dma_start3A] : memref<32x8192xf32, #tpu.memory_space<hbm>> -> memref<1x8192xf32, #tpu.memory_space<hbm>>
      %dma_start3A_7 = tpu.memref_squeeze %dma_start3A_6 : memref<1x8192xf32, #tpu.memory_space<hbm>> -> memref<8192xf32, #tpu.memory_space<hbm>>
      %dma_start3A_8 = arith.constant 0 : i32
      %dma_start3A_9 = tpu.memref_slice %arg2[%add3A, %dma_start3A_8] : memref<32x8192xf32, #tpu.memory_space<hbm>> -> memref<1x8192xf32, #tpu.memory_space<hbm>>
      %dma_start3A_10 = tpu.memref_squeeze %dma_start3A_9 : memref<1x8192xf32, #tpu.memory_space<hbm>> -> memref<8192xf32, #tpu.memory_space<hbm>>
      tpu.enqueue_dma source(%dma_start3A_10 : memref<8192xf32, #tpu.memory_space<hbm>>) target(%arg6 : memref<8192xf32, #tpu.memory_space<vmem>>) target_semaphore(%run_scoped3A : memref<!tpu.dma_semaphore, #tpu.memory_space<semaphore_mem>>)
      %dma_wait3A = arith.constant 0 : i32
      %dma_wait3A_11 = tpu.memref_slice %arg2[%add3A, %dma_wait3A] : memref<32x8192xf32, #tpu.memory_space<hbm>> -> memref<1x8192xf32, #tpu.memory_space<hbm>>
      %dma_wait3A_12 = tpu.memref_squeeze %dma_wait3A_11 : memref<1x8192xf32, #tpu.memory_space<hbm>> -> memref<8192xf32, #tpu.memory_space<hbm>>
      %dma_wait3A_13 = arith.constant 0 : i32
      %dma_wait3A_14 = tpu.memref_slice %arg2[%add3A, %dma_wait3A_13] : memref<32x8192xf32, #tpu.memory_space<hbm>> -> memref<1x8192xf32, #tpu.memory_space<hbm>>
      %dma_wait3A_15 = tpu.memref_squeeze %dma_wait3A_14 : memref<1x8192xf32, #tpu.memory_space<hbm>> -> memref<8192xf32, #tpu.memory_space<hbm>>
      tpu.wait_dma2 semaphore(%run_scoped3A : memref<!tpu.dma_semaphore, #tpu.memory_space<semaphore_mem>>) src(%dma_wait3A_15 : memref<8192xf32, #tpu.memory_space<hbm>>) dst(%arg6 : memref<8192xf32, #tpu.memory_space<vmem>>)
      tpu.yield
    }) : () -> ()
    "tpu.region"() ({
      %run_scoped3A = tpu.sem_alloc : memref<!tpu.dma_semaphore, #tpu.memory_space<semaphore_mem>>
      %dma_start3A = arith.constant 0 : i32
      %dma_start3A_6 = tpu.memref_slice %arg3[%add3A, %dma_start3A] : memref<32x2176xi32, #tpu.memory_space<hbm>> -> memref<1x2176xi32, #tpu.memory_space<hbm>>
      %dma_start3A_7 = tpu.memref_squeeze %dma_start3A_6 : memref<1x2176xi32, #tpu.memory_space<hbm>> -> memref<2176xi32, #tpu.memory_space<hbm>>
      %dma_start3A_8 = arith.constant 0 : i32
      %dma_start3A_9 = tpu.memref_slice %arg3[%add3A, %dma_start3A_8] : memref<32x2176xi32, #tpu.memory_space<hbm>> -> memref<1x2176xi32, #tpu.memory_space<hbm>>
      %dma_start3A_10 = tpu.memref_squeeze %dma_start3A_9 : memref<1x2176xi32, #tpu.memory_space<hbm>> -> memref<2176xi32, #tpu.memory_space<hbm>>
      tpu.enqueue_dma source(%dma_start3A_10 : memref<2176xi32, #tpu.memory_space<hbm>>) target(%arg7 : memref<2176xi32, #tpu.memory_space<vmem>>) target_semaphore(%run_scoped3A : memref<!tpu.dma_semaphore, #tpu.memory_space<semaphore_mem>>)
      %dma_wait3A = arith.constant 0 : i32
      %dma_wait3A_11 = tpu.memref_slice %arg3[%add3A, %dma_wait3A] : memref<32x2176xi32, #tpu.memory_space<hbm>> -> memref<1x2176xi32, #tpu.memory_space<hbm>>
      %dma_wait3A_12 = tpu.memref_squeeze %dma_wait3A_11 : memref<1x2176xi32, #tpu.memory_space<hbm>> -> memref<2176xi32, #tpu.memory_space<hbm>>
      %dma_wait3A_13 = arith.constant 0 : i32
      %dma_wait3A_14 = tpu.memref_slice %arg3[%add3A, %dma_wait3A_13] : memref<32x2176xi32, #tpu.memory_space<hbm>> -> memref<1x2176xi32, #tpu.memory_space<hbm>>
      %dma_wait3A_15 = tpu.memref_squeeze %dma_wait3A_14 : memref<1x2176xi32, #tpu.memory_space<hbm>> -> memref<2176xi32, #tpu.memory_space<hbm>>
      tpu.wait_dma2 semaphore(%run_scoped3A : memref<!tpu.dma_semaphore, #tpu.memory_space<semaphore_mem>>) src(%dma_wait3A_15 : memref<2176xi32, #tpu.memory_space<hbm>>) dst(%arg7 : memref<2176xi32, #tpu.memory_space<vmem>>)
      tpu.yield
    }) : () -> ()
    %scan3A = arith.constant 0 : i32
    %scan3A_1 = arith.constant 0 : i32
    %scan3A_2 = arith.constant 136 : i32
    %scan3A_3 = arith.addi %scan3A_1, %scan3A_2 : i32
    %scan3A_4 = arith.constant 1 : i32
    scf.for %scan3A_6 = %scan3A_1 to %scan3A_3 step %scan3A_4  : i32 {
      %mul3A_7 = arith.constant 16 : i32
      %mul3A_8 = arith.muli %scan3A_6, %mul3A_7 : i32
      %get3A = arith.index_cast %mul3A_8 : i32 to index
      %get3A_9 = tpu.vector_load %arg7[%get3A] {strides = array<i32>} : memref<2176xi32, #tpu.memory_space<vmem>>, vector<16xi32>,
      %mul3A_10 = arith.constant 2 : i32
      %mul3A_11 = vector.broadcast %mul3A_10 : i32 to vector<16xi32>
      %mul3A_12 = arith.muli %get3A_9, %mul3A_11 : vector<16xi32>
      %gather3A = tpu.vector_load_idx %arg6[%mul3A_12] : memref<8192xf32, #tpu.memory_space<vmem>>[vector<16xi32>], vector<16xf32>,
      %mul3A_13 = arith.constant 16 : i32
      %mul3A_14 = arith.muli %scan3A_6, %mul3A_13 : i32
      %swap3A = arith.index_cast %mul3A_14 : i32 to index
      %swap3A_15 = tpu.vector_load %arg8[%swap3A] {strides = array<i32>} : memref<2176xf32, #tpu.memory_space<vmem>>, vector<16xf32>,
      tpu.vector_store %arg8[%swap3A], %gather3A {strides = array<i32>} : memref<2176xf32, #tpu.memory_space<vmem>>, vector<16xf32>,
      %add3A_16 = arith.constant 1 : i32
      %add3A_17 = vector.broadcast %add3A_16 : i32 to vector<16xi32>
      %add3A_18 = arith.addi %mul3A_12, %add3A_17 : vector<16xi32>
      %gather3A_19 = tpu.vector_load_idx %arg6[%add3A_18] : memref<8192xf32, #tpu.memory_space<vmem>>[vector<16xi32>], vector<16xf32>,
      %mul3A_20 = arith.constant 16 : i32
      %mul3A_21 = arith.muli %scan3A_6, %mul3A_20 : i32
      %swap3A_22 = arith.index_cast %mul3A_21 : i32 to index
      %swap3A_23 = tpu.vector_load %arg9[%swap3A_22] {strides = array<i32>} : memref<2176xf32, #tpu.memory_space<vmem>>, vector<16xf32>,
      tpu.vector_store %arg9[%swap3A_22], %gather3A_19 {strides = array<i32>} : memref<2176xf32, #tpu.memory_space<vmem>>, vector<16xf32>,
    }
    %scan3A_5 = arith.constant 136 : i32
    "tpu.region"() ({
      %run_scoped3A = tpu.sem_alloc : memref<!tpu.dma_semaphore, #tpu.memory_space<semaphore_mem>>
      %dma_start3A = arith.constant 0 : i32
      %dma_start3A_6 = tpu.memref_slice %arg4[%add3A, %dma_start3A] : memref<32x2176xf32, #tpu.memory_space<hbm>> -> memref<1x2176xf32, #tpu.memory_space<hbm>>
      %dma_start3A_7 = tpu.memref_squeeze %dma_start3A_6 : memref<1x2176xf32, #tpu.memory_space<hbm>> -> memref<2176xf32, #tpu.memory_space<hbm>>
      %dma_start3A_8 = arith.constant 0 : i32
      %dma_start3A_9 = tpu.memref_slice %arg4[%add3A, %dma_start3A_8] : memref<32x2176xf32, #tpu.memory_space<hbm>> -> memref<1x2176xf32, #tpu.memory_space<hbm>>
      %dma_start3A_10 = tpu.memref_squeeze %dma_start3A_9 : memref<1x2176xf32, #tpu.memory_space<hbm>> -> memref<2176xf32, #tpu.memory_space<hbm>>
      tpu.enqueue_dma source(%arg8 : memref<2176xf32, #tpu.memory_space<vmem>>) target(%dma_start3A_10 : memref<2176xf32, #tpu.memory_space<hbm>>) target_semaphore(%run_scoped3A : memref<!tpu.dma_semaphore, #tpu.memory_space<semaphore_mem>>)
      %dma_wait3A = arith.constant 0 : i32
      %dma_wait3A_11 = tpu.memref_slice %arg4[%add3A, %dma_wait3A] : memref<32x2176xf32, #tpu.memory_space<hbm>> -> memref<1x2176xf32, #tpu.memory_space<hbm>>
      %dma_wait3A_12 = tpu.memref_squeeze %dma_wait3A_11 : memref<1x2176xf32, #tpu.memory_space<hbm>> -> memref<2176xf32, #tpu.memory_space<hbm>>
      %dma_wait3A_13 = arith.constant 0 : i32
      %dma_wait3A_14 = tpu.memref_slice %arg4[%add3A, %dma_wait3A_13] : memref<32x2176xf32, #tpu.memory_space<hbm>> -> memref<1x2176xf32, #tpu.memory_space<hbm>>
      %dma_wait3A_15 = tpu.memref_squeeze %dma_wait3A_14 : memref<1x2176xf32, #tpu.memory_space<hbm>> -> memref<2176xf32, #tpu.memory_space<hbm>>
      tpu.wait_dma2 semaphore(%run_scoped3A : memref<!tpu.dma_semaphore, #tpu.memory_space<semaphore_mem>>) src(%arg8 : memref<2176xf32, #tpu.memory_space<vmem>>) dst(%dma_wait3A_15 : memref<2176xf32, #tpu.memory_space<hbm>>)
      tpu.yield
    }) : () -> ()
    "tpu.region"() ({
      %run_scoped3A = tpu.sem_alloc : memref<!tpu.dma_semaphore, #tpu.memory_space<semaphore_mem>>
      %dma_start3A = arith.constant 0 : i32
      %dma_start3A_6 = tpu.memref_slice %arg5[%add3A, %dma_start3A] : memref<32x2176xf32, #tpu.memory_space<hbm>> -> memref<1x2176xf32, #tpu.memory_space<hbm>>
      %dma_start3A_7 = tpu.memref_squeeze %dma_start3A_6 : memref<1x2176xf32, #tpu.memory_space<hbm>> -> memref<2176xf32, #tpu.memory_space<hbm>>
      %dma_start3A_8 = arith.constant 0 : i32
      %dma_start3A_9 = tpu.memref_slice %arg5[%add3A, %dma_start3A_8] : memref<32x2176xf32, #tpu.memory_space<hbm>> -> memref<1x2176xf32, #tpu.memory_space<hbm>>
      %dma_start3A_10 = tpu.memref_squeeze %dma_start3A_9 : memref<1x2176xf32, #tpu.memory_space<hbm>> -> memref<2176xf32, #tpu.memory_space<hbm>>
      tpu.enqueue_dma source(%arg9 : memref<2176xf32, #tpu.memory_space<vmem>>) target(%dma_start3A_10 : memref<2176xf32, #tpu.memory_space<hbm>>) target_semaphore(%run_scoped3A : memref<!tpu.dma_semaphore, #tpu.memory_space<semaphore_mem>>)
      %dma_wait3A = arith.constant 0 : i32
      %dma_wait3A_11 = tpu.memref_slice %arg5[%add3A, %dma_wait3A] : memref<32x2176xf32, #tpu.memory_space<hbm>> -> memref<1x2176xf32, #tpu.memory_space<hbm>>
      %dma_wait3A_12 = tpu.memref_squeeze %dma_wait3A_11 : memref<1x2176xf32, #tpu.memory_space<hbm>> -> memref<2176xf32, #tpu.memory_space<hbm>>
      %dma_wait3A_13 = arith.constant 0 : i32
      %dma_wait3A_14 = tpu.memref_slice %arg5[%add3A, %dma_wait3A_13] : memref<32x2176xf32, #tpu.memory_space<hbm>> -> memref<1x2176xf32, #tpu.memory_space<hbm>>
      %dma_wait3A_15 = tpu.memref_squeeze %dma_wait3A_14 : memref<1x2176xf32, #tpu.memory_space<hbm>> -> memref<2176xf32, #tpu.memory_space<hbm>>
      tpu.wait_dma2 semaphore(%run_scoped3A : memref<!tpu.dma_semaphore, #tpu.memory_space<semaphore_mem>>) src(%arg9 : memref<2176xf32, #tpu.memory_space<vmem>>) dst(%dma_wait3A_15 : memref<2176xf32, #tpu.memory_space<hbm>>)
      tpu.yield
    }) : () -> ()
    return
  }
}

#map = affine_map<(d0, d1) -> (0, 0)>
module attributes {stable_mosaic.version = 14 : i64} {
  func.func @_sc_scatter(%arg0: i32, %arg1: i32, %arg2: memref<32x2048xf32, #tpu.memory_space<hbm>>, %arg3: memref<32x2048xi32, #tpu.memory_space<hbm>>, %arg4: memref<32x4096xf32, #tpu.memory_space<hbm>>, %arg5: memref<2064xi32, #tpu.memory_space<vmem>>, %arg6: memref<2048xf32, #tpu.memory_space<vmem>>, %arg7: memref<4096xf32, #tpu.memory_space<vmem>>) attributes {dimension_semantics = [#tpu.dimension_semantics<core_parallel>, #tpu.dimension_semantics<subcore_parallel>], iteration_bounds = array<i64: 2, 16>, scalar_prefetch = 0 : i64, scratch_operands = 3 : i64, tpu.core_type = #tpu.core_type<sc_vector_subcore>, window_params = [{transform_indices = #map}, {transform_indices = #map}, {transform_indices = #map}]} {
    %mul3A = arith.constant 2 : i32
    %mul3A_0 = arith.muli %arg1, %mul3A : i32
    %add3A = arith.addi %mul3A_0, %arg0 : i32
    "tpu.region"() ({
      %run_scoped3A = tpu.sem_alloc : memref<!tpu.dma_semaphore, #tpu.memory_space<semaphore_mem>>
      %dma_start3A = arith.constant 0 : i32
      %dma_start3A_16 = tpu.memref_slice %arg5[%dma_start3A] : memref<2064xi32, #tpu.memory_space<vmem>> -> memref<2048xi32, #tpu.memory_space<vmem>>
      %dma_start3A_17 = arith.constant 0 : i32
      %dma_start3A_18 = tpu.memref_slice %arg3[%add3A, %dma_start3A_17] : memref<32x2048xi32, #tpu.memory_space<hbm>> -> memref<1x2048xi32, #tpu.memory_space<hbm>>
      %dma_start3A_19 = tpu.memref_squeeze %dma_start3A_18 : memref<1x2048xi32, #tpu.memory_space<hbm>> -> memref<2048xi32, #tpu.memory_space<hbm>>
      %dma_start3A_20 = arith.constant 0 : i32
      %dma_start3A_21 = tpu.memref_slice %arg5[%dma_start3A_20] : memref<2064xi32, #tpu.memory_space<vmem>> -> memref<2048xi32, #tpu.memory_space<vmem>>
      %dma_start3A_22 = arith.constant 0 : i32
      %dma_start3A_23 = tpu.memref_slice %arg3[%add3A, %dma_start3A_22] : memref<32x2048xi32, #tpu.memory_space<hbm>> -> memref<1x2048xi32, #tpu.memory_space<hbm>>
      %dma_start3A_24 = tpu.memref_squeeze %dma_start3A_23 : memref<1x2048xi32, #tpu.memory_space<hbm>> -> memref<2048xi32, #tpu.memory_space<hbm>>
      tpu.enqueue_dma source(%dma_start3A_24 : memref<2048xi32, #tpu.memory_space<hbm>>) target(%dma_start3A_21 : memref<2048xi32, #tpu.memory_space<vmem>>) target_semaphore(%run_scoped3A : memref<!tpu.dma_semaphore, #tpu.memory_space<semaphore_mem>>)
      %dma_wait3A = arith.constant 0 : i32
      %dma_wait3A_25 = tpu.memref_slice %arg5[%dma_wait3A] : memref<2064xi32, #tpu.memory_space<vmem>> -> memref<2048xi32, #tpu.memory_space<vmem>>
      %dma_wait3A_26 = arith.constant 0 : i32
      %dma_wait3A_27 = tpu.memref_slice %arg3[%add3A, %dma_wait3A_26] : memref<32x2048xi32, #tpu.memory_space<hbm>> -> memref<1x2048xi32, #tpu.memory_space<hbm>>
      %dma_wait3A_28 = tpu.memref_squeeze %dma_wait3A_27 : memref<1x2048xi32, #tpu.memory_space<hbm>> -> memref<2048xi32, #tpu.memory_space<hbm>>
      %dma_wait3A_29 = arith.constant 0 : i32
      %dma_wait3A_30 = tpu.memref_slice %arg5[%dma_wait3A_29] : memref<2064xi32, #tpu.memory_space<vmem>> -> memref<2048xi32, #tpu.memory_space<vmem>>
      %dma_wait3A_31 = arith.constant 0 : i32
      %dma_wait3A_32 = tpu.memref_slice %arg3[%add3A, %dma_wait3A_31] : memref<32x2048xi32, #tpu.memory_space<hbm>> -> memref<1x2048xi32, #tpu.memory_space<hbm>>
      %dma_wait3A_33 = tpu.memref_squeeze %dma_wait3A_32 : memref<1x2048xi32, #tpu.memory_space<hbm>> -> memref<2048xi32, #tpu.memory_space<hbm>>
      tpu.wait_dma2 semaphore(%run_scoped3A : memref<!tpu.dma_semaphore, #tpu.memory_space<semaphore_mem>>) src(%dma_wait3A_33 : memref<2048xi32, #tpu.memory_space<hbm>>) dst(%dma_wait3A_30 : memref<2048xi32, #tpu.memory_space<vmem>>)
      tpu.yield
    }) : () -> ()
    %broadcast_in_dim3A = arith.constant -1 : i32
    %broadcast_in_dim3A_1 = vector.broadcast %broadcast_in_dim3A : i32 to vector<16xi32>
    %swap3A = arith.constant 2048 : index
    %swap3A_2 = tpu.vector_load %arg5[%swap3A] {strides = array<i32>} : memref<2064xi32, #tpu.memory_space<vmem>>, vector<16xi32>,
    tpu.vector_store %arg5[%swap3A], %broadcast_in_dim3A_1 {strides = array<i32>} : memref<2064xi32, #tpu.memory_space<vmem>>, vector<16xi32>,
    "tpu.region"() ({
      %run_scoped3A = tpu.sem_alloc : memref<!tpu.dma_semaphore, #tpu.memory_space<semaphore_mem>>
      %dma_start3A = arith.constant 0 : i32
      %dma_start3A_16 = tpu.memref_slice %arg2[%add3A, %dma_start3A] : memref<32x2048xf32, #tpu.memory_space<hbm>> -> memref<1x2048xf32, #tpu.memory_space<hbm>>
      %dma_start3A_17 = tpu.memref_squeeze %dma_start3A_16 : memref<1x2048xf32, #tpu.memory_space<hbm>> -> memref<2048xf32, #tpu.memory_space<hbm>>
      %dma_start3A_18 = arith.constant 0 : i32
      %dma_start3A_19 = tpu.memref_slice %arg2[%add3A, %dma_start3A_18] : memref<32x2048xf32, #tpu.memory_space<hbm>> -> memref<1x2048xf32, #tpu.memory_space<hbm>>
      %dma_start3A_20 = tpu.memref_squeeze %dma_start3A_19 : memref<1x2048xf32, #tpu.memory_space<hbm>> -> memref<2048xf32, #tpu.memory_space<hbm>>
      tpu.enqueue_dma source(%dma_start3A_20 : memref<2048xf32, #tpu.memory_space<hbm>>) target(%arg6 : memref<2048xf32, #tpu.memory_space<vmem>>) target_semaphore(%run_scoped3A : memref<!tpu.dma_semaphore, #tpu.memory_space<semaphore_mem>>)
      %dma_wait3A = arith.constant 0 : i32
      %dma_wait3A_21 = tpu.memref_slice %arg2[%add3A, %dma_wait3A] : memref<32x2048xf32, #tpu.memory_space<hbm>> -> memref<1x2048xf32, #tpu.memory_space<hbm>>
      %dma_wait3A_22 = tpu.memref_squeeze %dma_wait3A_21 : memref<1x2048xf32, #tpu.memory_space<hbm>> -> memref<2048xf32, #tpu.memory_space<hbm>>
      %dma_wait3A_23 = arith.constant 0 : i32
      %dma_wait3A_24 = tpu.memref_slice %arg2[%add3A, %dma_wait3A_23] : memref<32x2048xf32, #tpu.memory_space<hbm>> -> memref<1x2048xf32, #tpu.memory_space<hbm>>
      %dma_wait3A_25 = tpu.memref_squeeze %dma_wait3A_24 : memref<1x2048xf32, #tpu.memory_space<hbm>> -> memref<2048xf32, #tpu.memory_space<hbm>>
      tpu.wait_dma2 semaphore(%run_scoped3A : memref<!tpu.dma_semaphore, #tpu.memory_space<semaphore_mem>>) src(%dma_wait3A_25 : memref<2048xf32, #tpu.memory_space<hbm>>) dst(%arg6 : memref<2048xf32, #tpu.memory_space<vmem>>)
      tpu.yield
    }) : () -> ()
    %broadcast_in_dim3A_3 = arith.constant 0.000000e+00 : f32
    %broadcast_in_dim3A_4 = vector.broadcast %broadcast_in_dim3A_3 : f32 to vector<16xf32>
    %iota3A = tpu.iota {dimensions = array<i32: 0>} : vector<16xi32>
    %scan3A = arith.constant 0 : i32
    %scan3A_5 = arith.constant 0 : i32
    %scan3A_6 = arith.constant 256 : i32
    %scan3A_7 = arith.addi %scan3A_5, %scan3A_6 : i32
    %scan3A_8 = arith.constant 1 : i32
    scf.for %scan3A_16 = %scan3A_5 to %scan3A_7 step %scan3A_8  : i32 {
      %mul3A_17 = arith.constant 16 : i32
      %mul3A_18 = arith.muli %scan3A_16, %mul3A_17 : i32
      %swap3A_19 = arith.index_cast %mul3A_18 : i32 to index
      %swap3A_20 = tpu.vector_load %arg7[%swap3A_19] {strides = array<i32>} : memref<4096xf32, #tpu.memory_space<vmem>>, vector<16xf32>,
      tpu.vector_store %arg7[%swap3A_19], %broadcast_in_dim3A_4 {strides = array<i32>} : memref<4096xf32, #tpu.memory_space<vmem>>, vector<16xf32>,
    }
    %scan3A_9 = arith.constant 256 : i32
    %scan3A_10 = arith.constant 0 : i32
    %scan3A_11 = arith.constant 0 : i32
    %scan3A_12 = arith.constant 128 : i32
    %scan3A_13 = arith.addi %scan3A_11, %scan3A_12 : i32
    %scan3A_14 = arith.constant 1 : i32
    scf.for %scan3A_16 = %scan3A_11 to %scan3A_13 step %scan3A_14  : i32 {
      %mul3A_17 = arith.constant 16 : i32
      %mul3A_18 = arith.muli %scan3A_16, %mul3A_17 : i32
      %get3A = arith.index_cast %mul3A_18 : i32 to index
      %get3A_19 = tpu.vector_load %arg5[%get3A] {strides = array<i32>} : memref<2064xi32, #tpu.memory_space<vmem>>, vector<16xi32>,
      %mul3A_20 = arith.constant 16 : i32
      %mul3A_21 = arith.muli %scan3A_16, %mul3A_20 : i32
      %add3A_22 = arith.constant 1 : i32
      %add3A_23 = arith.addi %mul3A_21, %add3A_22 : i32
      %add3A_24 = vector.broadcast %add3A_23 : i32 to vector<16xi32>
      %add3A_25 = arith.addi %iota3A, %add3A_24 : vector<16xi32>
      %gather3A = tpu.vector_load_idx %arg5[%add3A_25] : memref<2064xi32, #tpu.memory_space<vmem>>[vector<16xi32>], vector<16xi32>,
      %mul3A_26 = arith.constant 16 : i32
      %mul3A_27 = arith.muli %scan3A_16, %mul3A_26 : i32
      %get3A_28 = arith.index_cast %mul3A_27 : i32 to index
      %get3A_29 = tpu.vector_load %arg6[%get3A_28] {strides = array<i32>} : memref<2048xf32, #tpu.memory_space<vmem>>, vector<16xf32>,
      %ne3A = arith.cmpi ne, %get3A_19, %gather3A : vector<16xi32>
      tpu.vector_store_idx %arg7[%get3A_19], %get3A_29 masked %ne3A : memref<4096xf32, #tpu.memory_space<vmem>>[vector<16xi32>], vector<16xf32>, vector<16xi1>
    }
    %scan3A_15 = arith.constant 128 : i32
    "tpu.region"() ({
      %run_scoped3A = tpu.sem_alloc : memref<!tpu.dma_semaphore, #tpu.memory_space<semaphore_mem>>
      %dma_start3A = arith.constant 0 : i32
      %dma_start3A_16 = tpu.memref_slice %arg4[%add3A, %dma_start3A] : memref<32x4096xf32, #tpu.memory_space<hbm>> -> memref<1x4096xf32, #tpu.memory_space<hbm>>
      %dma_start3A_17 = tpu.memref_squeeze %dma_start3A_16 : memref<1x4096xf32, #tpu.memory_space<hbm>> -> memref<4096xf32, #tpu.memory_space<hbm>>
      %dma_start3A_18 = arith.constant 0 : i32
      %dma_start3A_19 = tpu.memref_slice %arg4[%add3A, %dma_start3A_18] : memref<32x4096xf32, #tpu.memory_space<hbm>> -> memref<1x4096xf32, #tpu.memory_space<hbm>>
      %dma_start3A_20 = tpu.memref_squeeze %dma_start3A_19 : memref<1x4096xf32, #tpu.memory_space<hbm>> -> memref<4096xf32, #tpu.memory_space<hbm>>
      tpu.enqueue_dma source(%arg7 : memref<4096xf32, #tpu.memory_space<vmem>>) target(%dma_start3A_20 : memref<4096xf32, #tpu.memory_space<hbm>>) target_semaphore(%run_scoped3A : memref<!tpu.dma_semaphore, #tpu.memory_space<semaphore_mem>>)
      %dma_wait3A = arith.constant 0 : i32
      %dma_wait3A_21 = tpu.memref_slice %arg4[%add3A, %dma_wait3A] : memref<32x4096xf32, #tpu.memory_space<hbm>> -> memref<1x4096xf32, #tpu.memory_space<hbm>>
      %dma_wait3A_22 = tpu.memref_squeeze %dma_wait3A_21 : memref<1x4096xf32, #tpu.memory_space<hbm>> -> memref<4096xf32, #tpu.memory_space<hbm>>
      %dma_wait3A_23 = arith.constant 0 : i32
      %dma_wait3A_24 = tpu.memref_slice %arg4[%add3A, %dma_wait3A_23] : memref<32x4096xf32, #tpu.memory_space<hbm>> -> memref<1x4096xf32, #tpu.memory_space<hbm>>
      %dma_wait3A_25 = tpu.memref_squeeze %dma_wait3A_24 : memref<1x4096xf32, #tpu.memory_space<hbm>> -> memref<4096xf32, #tpu.memory_space<hbm>>
      tpu.wait_dma2 semaphore(%run_scoped3A : memref<!tpu.dma_semaphore, #tpu.memory_space<semaphore_mem>>) src(%arg7 : memref<4096xf32, #tpu.memory_space<vmem>>) dst(%dma_wait3A_25 : memref<4096xf32, #tpu.memory_space<hbm>>)
      tpu.yield
    }) : () -> ()
    return
  }
}

module attributes {stable_mosaic.version = 14 : i64} {
  func.func @_tc_body(%arg0: i32, %arg1: memref<16x1x2176xf32, #tpu.memory_space<vmem>>, %arg2: memref<16x1x2176xf32, #tpu.memory_space<vmem>>, %arg3: memref<16x1x2048xf32, #tpu.memory_space<vmem>>, %arg4: memref<16x1x2048xf32, #tpu.memory_space<vmem>>, %arg5: memref<16x1x2048xi32, #tpu.memory_space<vmem>>, %arg6: memref<128x2xf32, #tpu.memory_space<vmem>>, %arg7: memref<128x1xf32, #tpu.memory_space<vmem>>, %arg8: memref<128x128xf32, #tpu.memory_space<vmem>>, %arg9: memref<128x128xf32, #tpu.memory_space<vmem>>, %arg10: memref<128x128xf32, #tpu.memory_space<vmem>>, %arg11: memref<128x128xf32, #tpu.memory_space<vmem>>, %arg12: memref<1x1xf32, #tpu.memory_space<vmem>>, %arg13: memref<1x1xf32, #tpu.memory_space<vmem>>, %arg14: memref<1x1xf32, #tpu.memory_space<vmem>>, %arg15: memref<16x1x2048xf32, #tpu.memory_space<vmem>>, %arg16: memref<16x1x1xi32, #tpu.memory_space<vmem>>, %arg17: memref<16x1x1xf32, #tpu.memory_space<vmem>>) attributes {dimension_semantics = [#tpu.dimension_semantics<arbitrary>], iteration_bounds = array<i64: 2>, scalar_prefetch = 0 : i64, scratch_operands = 0 : i64, tpu.core_type = #tpu.core_type<tc>, window_params = [{transform_indices = @transform_0, window_bounds = array<i64: 16, 1, 2176>}, {transform_indices = @transform_1, window_bounds = array<i64: 16, 1, 2176>}, {transform_indices = @transform_2, window_bounds = array<i64: 16, 1, 2048>}, {transform_indices = @transform_3, window_bounds = array<i64: 16, 1, 2048>}, {transform_indices = @transform_4, window_bounds = array<i64: 16, 1, 2048>}, {pipeline_mode = #tpu.pipeline_mode<synchronous>, transform_indices = @transform_5, window_bounds = array<i64: 128, 2>}, {pipeline_mode = #tpu.pipeline_mode<synchronous>, transform_indices = @transform_6, window_bounds = array<i64: 128, 1>}, {pipeline_mode = #tpu.pipeline_mode<synchronous>, transform_indices = @transform_7, window_bounds = array<i64: 128, 128>}, {pipeline_mode = #tpu.pipeline_mode<synchronous>, transform_indices = @transform_8, window_bounds = array<i64: 128, 128>}, {pipeline_mode = #tpu.pipeline_mode<synchronous>, transform_indices = @transform_9, window_bounds = array<i64: 128, 128>}, {pipeline_mode = #tpu.pipeline_mode<synchronous>, transform_indices = @transform_10, window_bounds = array<i64: 128, 128>}, {pipeline_mode = #tpu.pipeline_mode<synchronous>, transform_indices = @transform_11, window_bounds = array<i64: 1, 1>}, {pipeline_mode = #tpu.pipeline_mode<synchronous>, transform_indices = @transform_12, window_bounds = array<i64: 1, 1>}, {pipeline_mode = #tpu.pipeline_mode<synchronous>, transform_indices = @transform_13, window_bounds = array<i64: 1, 1>}, {transform_indices = @transform_14, window_bounds = array<i64: 16, 1, 2048>}, {transform_indices = @transform_15, window_bounds = array<i64: 16, 1, 1>}, {transform_indices = @transform_16, window_bounds = array<i64: 16, 1, 1>}]} {
    %get3A = arith.constant 0 : index
    %get3A_0 = arith.constant 0 : index
    %get3A_1 = vector.load %arg6[%get3A, %get3A_0] : memref<128x2xf32, #tpu.memory_space<vmem>>, vector<128x2xf32>
    %get3A_2 = arith.constant 0 : index
    %get3A_3 = arith.constant 0 : index
    %get3A_4 = vector.load %arg7[%get3A_2, %get3A_3] : memref<128x1xf32, #tpu.memory_space<vmem>>, vector<128x1xf32>
    %get3A_5 = arith.constant 0 : index
    %get3A_6 = arith.constant 0 : index
    %get3A_7 = vector.load %arg10[%get3A_5, %get3A_6] : memref<128x128xf32, #tpu.memory_space<vmem>>, vector<128x128xf32>
    %get3A_8 = arith.constant 0 : index
    %get3A_9 = arith.constant 0 : index
    %get3A_10 = vector.load %arg11[%get3A_8, %get3A_9] : memref<128x128xf32, #tpu.memory_space<vmem>>, vector<128x128xf32>
    %get3A_11 = arith.constant 0 : index
    %get3A_12 = arith.constant 0 : index
    %get3A_13 = vector.load %arg8[%get3A_11, %get3A_12] : memref<128x128xf32, #tpu.memory_space<vmem>>, vector<128x128xf32>
    %get3A_14 = arith.constant 0 : index
    %get3A_15 = arith.constant 0 : index
    %get3A_16 = vector.load %arg9[%get3A_14, %get3A_15] : memref<128x128xf32, #tpu.memory_space<vmem>>, vector<128x128xf32>
    %add3A = arith.addf %get3A_13, %get3A_16 : vector<128x128xf32>
    %get3A_17 = arith.constant 0 : index
    %get3A_18 = arith.constant 0 : index
    %get3A_19 = vector.load %arg12[%get3A_17, %get3A_18] : memref<1x1xf32, #tpu.memory_space<vmem>>, vector<1x1xf32>
    %get3A_20 = arith.constant 0 : index
    %get3A_21 = arith.constant 0 : index
    %get3A_22 = vector.load %arg13[%get3A_20, %get3A_21] : memref<1x1xf32, #tpu.memory_space<vmem>>, vector<1x1xf32>
    %get3A_23 = arith.constant 0 : index
    %get3A_24 = arith.constant 0 : index
    %get3A_25 = vector.load %arg14[%get3A_23, %get3A_24] : memref<1x1xf32, #tpu.memory_space<vmem>>, vector<1x1xf32>
    %dot_general3A = arith.constant dense<0.000000e+00> : vector<128x2xf32>
    %dot_general3A_26 = tpu.matmul %get3A_7, %get3A_1, %dot_general3A {dimension_numbers = #tpu.dot_dimension_numbers<[1], [0], [0], [1], [0, 0, 1, 1], [], []>, precision = #tpu.contract_precision<fp32>, transpose_lhs_hint = false} : vector<128x128xf32>, vector<128x2xf32>, vector<128x2xf32> -> vector<128x2xf32>
    %dot_general3A_27 = arith.constant dense<0.000000e+00> : vector<128x1xf32>
    %dot_general3A_28 = tpu.matmul %get3A_7, %get3A_4, %dot_general3A_27 {dimension_numbers = #tpu.dot_dimension_numbers<[1], [0], [0], [1], [0, 0, 1, 1], [], []>, precision = #tpu.contract_precision<fp32>, transpose_lhs_hint = false} : vector<128x128xf32>, vector<128x1xf32>, vector<128x1xf32> -> vector<128x1xf32>
    %dot_general3A_29 = arith.constant dense<0.000000e+00> : vector<128x2xf32>
    %dot_general3A_30 = tpu.matmul %get3A_10, %get3A_1, %dot_general3A_29 {dimension_numbers = #tpu.dot_dimension_numbers<[1], [0], [0], [1], [0, 0, 1, 1], [], []>, precision = #tpu.contract_precision<fp32>, transpose_lhs_hint = false} : vector<128x128xf32>, vector<128x2xf32>, vector<128x2xf32> -> vector<128x2xf32>
    %dot_general3A_31 = arith.constant dense<0.000000e+00> : vector<128x1xf32>
    %dot_general3A_32 = tpu.matmul %get3A_10, %get3A_4, %dot_general3A_31 {dimension_numbers = #tpu.dot_dimension_numbers<[1], [0], [0], [1], [0, 0, 1, 1], [], []>, precision = #tpu.contract_precision<fp32>, transpose_lhs_hint = false} : vector<128x128xf32>, vector<128x1xf32>, vector<128x1xf32> -> vector<128x1xf32>
    %slice3A = vector.extract_strided_slice %get3A_1 {offsets = [0, 0], sizes = [128, 1], strides = [1, 1]} : vector<128x2xf32> to vector<128x1xf32>
    %slice3A_33 = vector.extract_strided_slice %get3A_1 {offsets = [0, 1], sizes = [128, 1], strides = [1, 1]} : vector<128x2xf32> to vector<128x1xf32>
    %get3A_34 = arith.constant 0 : index
    %get3A_35 = arith.constant 0 : index
    %get3A_36 = arith.constant 0 : index
    %get3A_37 = vector.load %arg1[%get3A_34, %get3A_35, %get3A_36] : memref<16x1x2176xf32, #tpu.memory_space<vmem>>, vector<1x1x2176xf32>
    %get3A_38 = vector.shape_cast %get3A_37 : vector<1x1x2176xf32> to vector<1x2176xf32>
    %get3A_39 = arith.constant 0 : index
    %get3A_40 = arith.constant 0 : index
    %get3A_41 = arith.constant 0 : index
    %get3A_42 = vector.load %arg2[%get3A_39, %get3A_40, %get3A_41] : memref<16x1x2176xf32, #tpu.memory_space<vmem>>, vector<1x1x2176xf32>
    %get3A_43 = vector.shape_cast %get3A_42 : vector<1x1x2176xf32> to vector<1x2176xf32>
    %get3A_44 = arith.constant 0 : index
    %get3A_45 = arith.constant 0 : index
    %get3A_46 = arith.constant 0 : index
    %get3A_47 = vector.load %arg3[%get3A_44, %get3A_45, %get3A_46] : memref<16x1x2048xf32, #tpu.memory_space<vmem>>, vector<1x1x2048xf32>
    %get3A_48 = vector.shape_cast %get3A_47 : vector<1x1x2048xf32> to vector<1x2048xf32>
    %get3A_49 = arith.constant 0 : index
    %get3A_50 = arith.constant 0 : index
    %get3A_51 = arith.constant 0 : index
    %get3A_52 = vector.load %arg4[%get3A_49, %get3A_50, %get3A_51] : memref<16x1x2048xf32, #tpu.memory_space<vmem>>, vector<1x1x2048xf32>
    %get3A_53 = vector.shape_cast %get3A_52 : vector<1x1x2048xf32> to vector<1x2048xf32>
    %mul3A = vector.broadcast %slice3A : vector<128x1xf32> to vector<128x2176xf32>
    %mul3A_54 = vector.broadcast %get3A_38 : vector<1x2176xf32> to vector<128x2176xf32>
    %mul3A_55 = arith.mulf %mul3A, %mul3A_54 : vector<128x2176xf32>
    %mul3A_56 = vector.broadcast %slice3A_33 : vector<128x1xf32> to vector<128x2176xf32>
    %mul3A_57 = vector.broadcast %get3A_43 : vector<1x2176xf32> to vector<128x2176xf32>
    %mul3A_58 = arith.mulf %mul3A_56, %mul3A_57 : vector<128x2176xf32>
    %add3A_59 = arith.addf %mul3A_55, %mul3A_58 : vector<128x2176xf32>
    %add3A_60 = vector.broadcast %get3A_4 : vector<128x1xf32> to vector<128x2176xf32>
    %add3A_61 = arith.addf %add3A_59, %add3A_60 : vector<128x2176xf32>
    %slice3A_62 = vector.extract_strided_slice %dot_general3A_26 {offsets = [0, 0], sizes = [128, 1], strides = [1, 1]} : vector<128x2xf32> to vector<128x1xf32>
    %mul3A_63 = vector.broadcast %slice3A_62 : vector<128x1xf32> to vector<128x2176xf32>
    %mul3A_64 = vector.broadcast %get3A_38 : vector<1x2176xf32> to vector<128x2176xf32>
    %mul3A_65 = arith.mulf %mul3A_63, %mul3A_64 : vector<128x2176xf32>
    %slice3A_66 = vector.extract_strided_slice %dot_general3A_26 {offsets = [0, 1], sizes = [128, 1], strides = [1, 1]} : vector<128x2xf32> to vector<128x1xf32>
    %mul3A_67 = vector.broadcast %slice3A_66 : vector<128x1xf32> to vector<128x2176xf32>
    %mul3A_68 = vector.broadcast %get3A_43 : vector<1x2176xf32> to vector<128x2176xf32>
    %mul3A_69 = arith.mulf %mul3A_67, %mul3A_68 : vector<128x2176xf32>
    %add3A_70 = arith.addf %mul3A_65, %mul3A_69 : vector<128x2176xf32>
    %add3A_71 = vector.broadcast %dot_general3A_28 : vector<128x1xf32> to vector<128x2176xf32>
    %add3A_72 = arith.addf %add3A_70, %add3A_71 : vector<128x2176xf32>
    %slice3A_73 = vector.extract_strided_slice %dot_general3A_30 {offsets = [0, 0], sizes = [128, 1], strides = [1, 1]} : vector<128x2xf32> to vector<128x1xf32>
    %mul3A_74 = vector.broadcast %slice3A_73 : vector<128x1xf32> to vector<128x2176xf32>
    %mul3A_75 = vector.broadcast %get3A_38 : vector<1x2176xf32> to vector<128x2176xf32>
    %mul3A_76 = arith.mulf %mul3A_74, %mul3A_75 : vector<128x2176xf32>
    %slice3A_77 = vector.extract_strided_slice %dot_general3A_30 {offsets = [0, 1], sizes = [128, 1], strides = [1, 1]} : vector<128x2xf32> to vector<128x1xf32>
    %mul3A_78 = vector.broadcast %slice3A_77 : vector<128x1xf32> to vector<128x2176xf32>
    %mul3A_79 = vector.broadcast %get3A_43 : vector<1x2176xf32> to vector<128x2176xf32>
    %mul3A_80 = arith.mulf %mul3A_78, %mul3A_79 : vector<128x2176xf32>
    %add3A_81 = arith.addf %mul3A_76, %mul3A_80 : vector<128x2176xf32>
    %add3A_82 = vector.broadcast %dot_general3A_32 : vector<128x1xf32> to vector<128x2176xf32>
    %add3A_83 = arith.addf %add3A_81, %add3A_82 : vector<128x2176xf32>
    %slice3A_84 = vector.extract_strided_slice %add3A_61 {offsets = [0, 2048], sizes = [128, 1], strides = [1, 1]} : vector<128x2176xf32> to vector<128x1xf32>
    %dot_general3A_85 = arith.constant dense<0.000000e+00> : vector<128x1xf32>
    %dot_general3A_86 = tpu.matmul %add3A, %slice3A_84, %dot_general3A_85 {dimension_numbers = #tpu.dot_dimension_numbers<[1], [0], [0], [1], [0, 0, 1, 1], [], []>, precision = #tpu.contract_precision<fp32>, transpose_lhs_hint = false} : vector<128x128xf32>, vector<128x1xf32>, vector<128x1xf32> -> vector<128x1xf32>
    %slice3A_87 = vector.extract_strided_slice %add3A_72 {offsets = [0, 0], sizes = [128, 2048], strides = [1, 1]} : vector<128x2176xf32> to vector<128x2048xf32>
    %exp3A = math.exp %slice3A_87 : vector<128x2048xf32>
    %slice3A_88 = vector.extract_strided_slice %add3A_83 {offsets = [0, 0], sizes = [128, 2048], strides = [1, 1]} : vector<128x2176xf32> to vector<128x2048xf32>
    %mul3A_89 = arith.mulf %exp3A, %slice3A_88 : vector<128x2048xf32>
    %mul3A_90 = arith.mulf %get3A_19, %get3A_22 : vector<1x1xf32>
    %mul3A_91 = vector.broadcast %mul3A_90 : vector<1x1xf32> to vector<1x2048xf32>
    %mul3A_92 = arith.mulf %mul3A_91, %get3A_48 : vector<1x2048xf32>
    %sub3A = arith.subf %get3A_53, %mul3A_92 : vector<1x2048xf32>
    %exp3A_93 = math.exp %sub3A : vector<1x2048xf32>
    %dot_general3A_94 = arith.constant dense<0.000000e+00> : vector<128x1xf32>
    %dot_general3A_95 = tpu.matmul %mul3A_89, %exp3A_93, %dot_general3A_94 {dimension_numbers = #tpu.dot_dimension_numbers<[1], [1], [0], [0], [0, 0, 1, 0], [], []>, precision = #tpu.contract_precision<fp32>, transpose_lhs_hint = false} : vector<128x2048xf32>, vector<1x2048xf32>, vector<128x1xf32> -> vector<128x1xf32>
    %dot_general3A_96 = arith.constant dense<0.000000e+00> : vector<128x1xf32>
    %dot_general3A_97 = tpu.matmul %exp3A, %exp3A_93, %dot_general3A_96 {dimension_numbers = #tpu.dot_dimension_numbers<[1], [1], [0], [0], [0, 0, 1, 0], [], []>, precision = #tpu.contract_precision<fp32>, transpose_lhs_hint = false} : vector<128x2048xf32>, vector<1x2048xf32>, vector<128x1xf32> -> vector<128x1xf32>
    %logistic3A = arith.negf %dot_general3A_86 : vector<128x1xf32>
    %logistic3A_98 = math.exp %logistic3A : vector<128x1xf32>
    %logistic3A_99 = arith.constant 1.000000e+00 : f32
    %logistic3A_100 = vector.broadcast %logistic3A_99 : f32 to vector<128x1xf32>
    %logistic3A_101 = arith.addf %logistic3A_100, %logistic3A_98 : vector<128x1xf32>
    %logistic3A_102 = arith.divf %logistic3A_100, %logistic3A_101 : vector<128x1xf32>
    %mul3A_103 = arith.mulf %logistic3A_102, %dot_general3A_95 : vector<128x1xf32>
    %div3A = arith.divf %mul3A_103, %dot_general3A_97 : vector<128x1xf32>
    %slice3A_104 = vector.extract_strided_slice %add3A_61 {offsets = [0, 0], sizes = [128, 2048], strides = [1, 1]} : vector<128x2176xf32> to vector<128x2048xf32>
    %dot_general3A_105 = arith.constant dense<0.000000e+00> : vector<1x2048xf32>
    %dot_general3A_106 = tpu.matmul %div3A, %slice3A_104, %dot_general3A_105 {dimension_numbers = #tpu.dot_dimension_numbers<[0], [0], [1], [1], [0, 1, 1, 1], [], []>, precision = #tpu.contract_precision<fp32>, transpose_lhs_hint = false} : vector<128x1xf32>, vector<128x2048xf32>, vector<1x2048xf32> -> vector<1x2048xf32>
    %mul3A_107 = arith.constant 0.0883883461 : f32
    %mul3A_108 = vector.broadcast %mul3A_107 : f32 to vector<1x2048xf32>
    %mul3A_109 = arith.mulf %dot_general3A_106, %mul3A_108 : vector<1x2048xf32>
    %mul3A_110 = arith.mulf %get3A_19, %get3A_25 : vector<1x1xf32>
    %mul3A_111 = vector.broadcast %mul3A_110 : vector<1x1xf32> to vector<1x2048xf32>
    %mul3A_112 = arith.mulf %mul3A_111, %get3A_48 : vector<1x2048xf32>
    %sub3A_113 = arith.subf %mul3A_109, %mul3A_112 : vector<1x2048xf32>
    %tanh3A = math.tanh %sub3A_113 : vector<1x2048xf32>
    %mul3A_114 = arith.constant 1.000000e+01 : f32
    %mul3A_115 = vector.broadcast %mul3A_114 : f32 to vector<1x2048xf32>
    %mul3A_116 = arith.mulf %mul3A_115, %tanh3A : vector<1x2048xf32>
    %add3A_117 = arith.addf %mul3A_116, %get3A_53 : vector<1x2048xf32>
    %reduce_max3A = arith.constant dense<0xFF800000> : vector<1xf32>
    %reduce_max3A_118 = vector.multi_reduction <maximumf>, %add3A_117, %reduce_max3A [1] : vector<1x2048xf32> to vector<1xf32>
    %broadcast_in_dim3A = vector.shape_cast %reduce_max3A_118 : vector<1xf32> to vector<1x1xf32>
    %sub3A_119 = vector.broadcast %broadcast_in_dim3A : vector<1x1xf32> to vector<1x2048xf32>
    %sub3A_120 = arith.subf %add3A_117, %sub3A_119 : vector<1x2048xf32>
    %exp3A_121 = math.exp %sub3A_120 : vector<1x2048xf32>
    %reduce_sum3A = arith.constant dense<0.000000e+00> : vector<1xf32>
    %reduce_sum3A_122 = vector.multi_reduction <add>, %exp3A_121, %reduce_sum3A [1] : vector<1x2048xf32> to vector<1xf32>
    %broadcast_in_dim3A_123 = vector.shape_cast %reduce_sum3A_122 : vector<1xf32> to vector<1x1xf32>
    %div3A_124 = vector.broadcast %broadcast_in_dim3A_123 : vector<1x1xf32> to vector<1x2048xf32>
    %div3A_125 = arith.divf %exp3A_121, %div3A_124 : vector<1x2048xf32>
    %swap3A = arith.constant 0 : index
    %swap3A_126 = arith.constant 0 : index
    %swap3A_127 = arith.constant 0 : index
    %swap3A_128 = vector.load %arg15[%swap3A, %swap3A_126, %swap3A_127] : memref<16x1x2048xf32, #tpu.memory_space<vmem>>, vector<1x1x2048xf32>
    %swap3A_129 = vector.shape_cast %swap3A_128 : vector<1x1x2048xf32> to vector<1x2048xf32>
    %swap3A_130 = vector.shape_cast %div3A_125 : vector<1x2048xf32> to vector<1x1x2048xf32>
    tpu.vector_store %arg15[%swap3A, %swap3A_126, %swap3A_127], %swap3A_130 {strides = array<i32>} : memref<16x1x2048xf32, #tpu.memory_space<vmem>>, vector<1x1x2048xf32>,
    %reduce_max3A_131 = arith.constant dense<0xFF800000> : vector<1xf32>
    %reduce_max3A_132 = vector.multi_reduction <maximumf>, %div3A_125, %reduce_max3A_131 [1] : vector<1x2048xf32> to vector<1xf32>
    %broadcast_in_dim3A_133 = vector.shape_cast %reduce_max3A_132 : vector<1xf32> to vector<1x1xf32>
    %get3A_134 = arith.constant 0 : index
    %get3A_135 = arith.constant 0 : index
    %get3A_136 = arith.constant 0 : index
    %get3A_137 = vector.load %arg5[%get3A_134, %get3A_135, %get3A_136] : memref<16x1x2048xi32, #tpu.memory_space<vmem>>, vector<1x1x2048xi32>
    %get3A_138 = vector.shape_cast %get3A_137 : vector<1x1x2048xi32> to vector<1x2048xi32>
    %eq3A = vector.broadcast %broadcast_in_dim3A_133 : vector<1x1xf32> to vector<1x2048xf32>
    %eq3A_139 = arith.cmpf oeq, %div3A_125, %eq3A : vector<1x2048xf32>
    %jit3A = arith.constant 2147483647 : i32
    %broadcast_in_dim3A_140 = vector.broadcast %jit3A : i32 to vector<1x2048xi32>
    %select_n3A = arith.select %eq3A_139, %get3A_138, %broadcast_in_dim3A_140 : vector<1x2048xi1>, vector<1x2048xi32>
    %reduce_min3A = arith.constant dense<2147483647> : vector<1xi32>
    %reduce_min3A_141 = vector.multi_reduction <minsi>, %select_n3A, %reduce_min3A [1] : vector<1x2048xi32> to vector<1xi32>
    %broadcast_in_dim3A_142 = vector.shape_cast %reduce_min3A_141 : vector<1xi32> to vector<1x1xi32>
    %swap3A_143 = arith.constant 0 : index
    %swap3A_144 = arith.constant 0 : index
    %swap3A_145 = arith.constant 0 : index
    %swap3A_146 = vector.load %arg16[%swap3A_143, %swap3A_144, %swap3A_145] : memref<16x1x1xi32, #tpu.memory_space<vmem>>, vector<1x1x1xi32>
    %swap3A_147 = vector.shape_cast %swap3A_146 : vector<1x1x1xi32> to vector<1x1xi32>
    %swap3A_148 = vector.shape_cast %broadcast_in_dim3A_142 : vector<1x1xi32> to vector<1x1x1xi32>
    tpu.vector_store %arg16[%swap3A_143, %swap3A_144, %swap3A_145], %swap3A_148 {strides = array<i32>} : memref<16x1x1xi32, #tpu.memory_space<vmem>>, vector<1x1x1xi32>,
    %swap3A_149 = arith.constant 0 : index
    %swap3A_150 = arith.constant 0 : index
    %swap3A_151 = arith.constant 0 : index
    %swap3A_152 = vector.load %arg17[%swap3A_149, %swap3A_150, %swap3A_151] : memref<16x1x1xf32, #tpu.memory_space<vmem>>, vector<1x1x1xf32>
    %swap3A_153 = vector.shape_cast %swap3A_152 : vector<1x1x1xf32> to vector<1x1xf32>
    %swap3A_154 = vector.shape_cast %broadcast_in_dim3A_133 : vector<1x1xf32> to vector<1x1x1xf32>
    tpu.vector_store %arg17[%swap3A_149, %swap3A_150, %swap3A_151], %swap3A_154 {strides = array<i32>} : memref<16x1x1xf32, #tpu.memory_space<vmem>>, vector<1x1x1xf32>,
    %get3A_155 = arith.constant 1 : index
    %get3A_156 = arith.constant 0 : index
    %get3A_157 = arith.constant 0 : index
    %get3A_158 = vector.load %arg1[%get3A_155, %get3A_156, %get3A_157] : memref<16x1x2176xf32, #tpu.memory_space<vmem>>, vector<1x1x2176xf32>
    %get3A_159 = vector.shape_cast %get3A_158 : vector<1x1x2176xf32> to vector<1x2176xf32>
    %get3A_160 = arith.constant 1 : index
    %get3A_161 = arith.constant 0 : index
    %get3A_162 = arith.constant 0 : index
    %get3A_163 = vector.load %arg2[%get3A_160, %get3A_161, %get3A_162] : memref<16x1x2176xf32, #tpu.memory_space<vmem>>, vector<1x1x2176xf32>
    %get3A_164 = vector.shape_cast %get3A_163 : vector<1x1x2176xf32> to vector<1x2176xf32>
    %get3A_165 = arith.constant 1 : index
    %get3A_166 = arith.constant 0 : index
    %get3A_167 = arith.constant 0 : index
    %get3A_168 = vector.load %arg3[%get3A_165, %get3A_166, %get3A_167] : memref<16x1x2048xf32, #tpu.memory_space<vmem>>, vector<1x1x2048xf32>
    %get3A_169 = vector.shape_cast %get3A_168 : vector<1x1x2048xf32> to vector<1x2048xf32>
    %get3A_170 = arith.constant 1 : index
    %get3A_171 = arith.constant 0 : index
    %get3A_172 = arith.constant 0 : index
    %get3A_173 = vector.load %arg4[%get3A_170, %get3A_171, %get3A_172] : memref<16x1x2048xf32, #tpu.memory_space<vmem>>, vector<1x1x2048xf32>
    %get3A_174 = vector.shape_cast %get3A_173 : vector<1x1x2048xf32> to vector<1x2048xf32>
    %mul3A_175 = vector.broadcast %slice3A : vector<128x1xf32> to vector<128x2176xf32>
    %mul3A_176 = vector.broadcast %get3A_159 : vector<1x2176xf32> to vector<128x2176xf32>
    %mul3A_177 = arith.mulf %mul3A_175, %mul3A_176 : vector<128x2176xf32>
    %mul3A_178 = vector.broadcast %slice3A_33 : vector<128x1xf32> to vector<128x2176xf32>
    %mul3A_179 = vector.broadcast %get3A_164 : vector<1x2176xf32> to vector<128x2176xf32>
    %mul3A_180 = arith.mulf %mul3A_178, %mul3A_179 : vector<128x2176xf32>
    %add3A_181 = arith.addf %mul3A_177, %mul3A_180 : vector<128x2176xf32>
    %add3A_182 = vector.broadcast %get3A_4 : vector<128x1xf32> to vector<128x2176xf32>
    %add3A_183 = arith.addf %add3A_181, %add3A_182 : vector<128x2176xf32>
    %slice3A_184 = vector.extract_strided_slice %dot_general3A_26 {offsets = [0, 0], sizes = [128, 1], strides = [1, 1]} : vector<128x2xf32> to vector<128x1xf32>
    %mul3A_185 = vector.broadcast %slice3A_184 : vector<128x1xf32> to vector<128x2176xf32>
    %mul3A_186 = vector.broadcast %get3A_159 : vector<1x2176xf32> to vector<128x2176xf32>
    %mul3A_187 = arith.mulf %mul3A_185, %mul3A_186 : vector<128x2176xf32>
    %slice3A_188 = vector.extract_strided_slice %dot_general3A_26 {offsets = [0, 1], sizes = [128, 1], strides = [1, 1]} : vector<128x2xf32> to vector<128x1xf32>
    %mul3A_189 = vector.broadcast %slice3A_188 : vector<128x1xf32> to vector<128x2176xf32>
    %mul3A_190 = vector.broadcast %get3A_164 : vector<1x2176xf32> to vector<128x2176xf32>
    %mul3A_191 = arith.mulf %mul3A_189, %mul3A_190 : vector<128x2176xf32>
    %add3A_192 = arith.addf %mul3A_187, %mul3A_191 : vector<128x2176xf32>
    %add3A_193 = vector.broadcast %dot_general3A_28 : vector<128x1xf32> to vector<128x2176xf32>
    %add3A_194 = arith.addf %add3A_192, %add3A_193 : vector<128x2176xf32>
    %slice3A_195 = vector.extract_strided_slice %dot_general3A_30 {offsets = [0, 0], sizes = [128, 1], strides = [1, 1]} : vector<128x2xf32> to vector<128x1xf32>
    %mul3A_196 = vector.broadcast %slice3A_195 : vector<128x1xf32> to vector<128x2176xf32>
    %mul3A_197 = vector.broadcast %get3A_159 : vector<1x2176xf32> to vector<128x2176xf32>
    %mul3A_198 = arith.mulf %mul3A_196, %mul3A_197 : vector<128x2176xf32>
    %slice3A_199 = vector.extract_strided_slice %dot_general3A_30 {offsets = [0, 1], sizes = [128, 1], strides = [1, 1]} : vector<128x2xf32> to vector<128x1xf32>
    %mul3A_200 = vector.broadcast %slice3A_199 : vector<128x1xf32> to vector<128x2176xf32>
    %mul3A_201 = vector.broadcast %get3A_164 : vector<1x2176xf32> to vector<128x2176xf32>
    %mul3A_202 = arith.mulf %mul3A_200, %mul3A_201 : vector<128x2176xf32>
    %add3A_203 = arith.addf %mul3A_198, %mul3A_202 : vector<128x2176xf32>
    %add3A_204 = vector.broadcast %dot_general3A_32 : vector<128x1xf32> to vector<128x2176xf32>
    %add3A_205 = arith.addf %add3A_203, %add3A_204 : vector<128x2176xf32>
    %slice3A_206 = vector.extract_strided_slice %add3A_183 {offsets = [0, 2048], sizes = [128, 1], strides = [1, 1]} : vector<128x2176xf32> to vector<128x1xf32>
    %dot_general3A_207 = arith.constant dense<0.000000e+00> : vector<128x1xf32>
    %dot_general3A_208 = tpu.matmul %add3A, %slice3A_206, %dot_general3A_207 {dimension_numbers = #tpu.dot_dimension_numbers<[1], [0], [0], [1], [0, 0, 1, 1], [], []>, precision = #tpu.contract_precision<fp32>, transpose_lhs_hint = false} : vector<128x128xf32>, vector<128x1xf32>, vector<128x1xf32> -> vector<128x1xf32>
    %slice3A_209 = vector.extract_strided_slice %add3A_194 {offsets = [0, 0], sizes = [128, 2048], strides = [1, 1]} : vector<128x2176xf32> to vector<128x2048xf32>
    %exp3A_210 = math.exp %slice3A_209 : vector<128x2048xf32>
    %slice3A_211 = vector.extract_strided_slice %add3A_205 {offsets = [0, 0], sizes = [128, 2048], strides = [1, 1]} : vector<128x2176xf32> to vector<128x2048xf32>
    %mul3A_212 = arith.mulf %exp3A_210, %slice3A_211 : vector<128x2048xf32>
    %mul3A_213 = arith.mulf %get3A_19, %get3A_22 : vector<1x1xf32>
    %mul3A_214 = vector.broadcast %mul3A_213 : vector<1x1xf32> to vector<1x2048xf32>
    %mul3A_215 = arith.mulf %mul3A_214, %get3A_169 : vector<1x2048xf32>
    %sub3A_216 = arith.subf %get3A_174, %mul3A_215 : vector<1x2048xf32>
    %exp3A_217 = math.exp %sub3A_216 : vector<1x2048xf32>
    %dot_general3A_218 = arith.constant dense<0.000000e+00> : vector<128x1xf32>
    %dot_general3A_219 = tpu.matmul %mul3A_212, %exp3A_217, %dot_general3A_218 {dimension_numbers = #tpu.dot_dimension_numbers<[1], [1], [0], [0], [0, 0, 1, 0], [], []>, precision = #tpu.contract_precision<fp32>, transpose_lhs_hint = false} : vector<128x2048xf32>, vector<1x2048xf32>, vector<128x1xf32> -> vector<128x1xf32>
    %dot_general3A_220 = arith.constant dense<0.000000e+00> : vector<128x1xf32>
    %dot_general3A_221 = tpu.matmul %exp3A_210, %exp3A_217, %dot_general3A_220 {dimension_numbers = #tpu.dot_dimension_numbers<[1], [1], [0], [0], [0, 0, 1, 0], [], []>, precision = #tpu.contract_precision<fp32>, transpose_lhs_hint = false} : vector<128x2048xf32>, vector<1x2048xf32>, vector<128x1xf32> -> vector<128x1xf32>
    %logistic3A_222 = arith.negf %dot_general3A_208 : vector<128x1xf32>
    %logistic3A_223 = math.exp %logistic3A_222 : vector<128x1xf32>
    %logistic3A_224 = arith.constant 1.000000e+00 : f32
    %logistic3A_225 = vector.broadcast %logistic3A_224 : f32 to vector<128x1xf32>
    %logistic3A_226 = arith.addf %logistic3A_225, %logistic3A_223 : vector<128x1xf32>
    %logistic3A_227 = arith.divf %logistic3A_225, %logistic3A_226 : vector<128x1xf32>
    %mul3A_228 = arith.mulf %logistic3A_227, %dot_general3A_219 : vector<128x1xf32>
    %div3A_229 = arith.divf %mul3A_228, %dot_general3A_221 : vector<128x1xf32>
    %slice3A_230 = vector.extract_strided_slice %add3A_183 {offsets = [0, 0], sizes = [128, 2048], strides = [1, 1]} : vector<128x2176xf32> to vector<128x2048xf32>
    %dot_general3A_231 = arith.constant dense<0.000000e+00> : vector<1x2048xf32>
    %dot_general3A_232 = tpu.matmul %div3A_229, %slice3A_230, %dot_general3A_231 {dimension_numbers = #tpu.dot_dimension_numbers<[0], [0], [1], [1], [0, 1, 1, 1], [], []>, precision = #tpu.contract_precision<fp32>, transpose_lhs_hint = false} : vector<128x1xf32>, vector<128x2048xf32>, vector<1x2048xf32> -> vector<1x2048xf32>
    %mul3A_233 = arith.constant 0.0883883461 : f32
    %mul3A_234 = vector.broadcast %mul3A_233 : f32 to vector<1x2048xf32>
    %mul3A_235 = arith.mulf %dot_general3A_232, %mul3A_234 : vector<1x2048xf32>
    %mul3A_236 = arith.mulf %get3A_19, %get3A_25 : vector<1x1xf32>
    %mul3A_237 = vector.broadcast %mul3A_236 : vector<1x1xf32> to vector<1x2048xf32>
    %mul3A_238 = arith.mulf %mul3A_237, %get3A_169 : vector<1x2048xf32>
    %sub3A_239 = arith.subf %mul3A_235, %mul3A_238 : vector<1x2048xf32>
    %tanh3A_240 = math.tanh %sub3A_239 : vector<1x2048xf32>
    %mul3A_241 = arith.constant 1.000000e+01 : f32
    %mul3A_242 = vector.broadcast %mul3A_241 : f32 to vector<1x2048xf32>
    %mul3A_243 = arith.mulf %mul3A_242, %tanh3A_240 : vector<1x2048xf32>
    %add3A_244 = arith.addf %mul3A_243, %get3A_174 : vector<1x2048xf32>
    %reduce_max3A_245 = arith.constant dense<0xFF800000> : vector<1xf32>
    %reduce_max3A_246 = vector.multi_reduction <maximumf>, %add3A_244, %reduce_max3A_245 [1] : vector<1x2048xf32> to vector<1xf32>
    %broadcast_in_dim3A_247 = vector.shape_cast %reduce_max3A_246 : vector<1xf32> to vector<1x1xf32>
    %sub3A_248 = vector.broadcast %broadcast_in_dim3A_247 : vector<1x1xf32> to vector<1x2048xf32>
    %sub3A_249 = arith.subf %add3A_244, %sub3A_248 : vector<1x2048xf32>
    %exp3A_250 = math.exp %sub3A_249 : vector<1x2048xf32>
    %reduce_sum3A_251 = arith.constant dense<0.000000e+00> : vector<1xf32>
    %reduce_sum3A_252 = vector.multi_reduction <add>, %exp3A_250, %reduce_sum3A_251 [1] : vector<1x2048xf32> to vector<1xf32>
    %broadcast_in_dim3A_253 = vector.shape_cast %reduce_sum3A_252 : vector<1xf32> to vector<1x1xf32>
    %div3A_254 = vector.broadcast %broadcast_in_dim3A_253 : vector<1x1xf32> to vector<1x2048xf32>
    %div3A_255 = arith.divf %exp3A_250, %div3A_254 : vector<1x2048xf32>
    %swap3A_256 = arith.constant 1 : index
    %swap3A_257 = arith.constant 0 : index
    %swap3A_258 = arith.constant 0 : index
    %swap3A_259 = vector.load %arg15[%swap3A_256, %swap3A_257, %swap3A_258] : memref<16x1x2048xf32, #tpu.memory_space<vmem>>, vector<1x1x2048xf32>
    %swap3A_260 = vector.shape_cast %swap3A_259 : vector<1x1x2048xf32> to vector<1x2048xf32>
    %swap3A_261 = vector.shape_cast %div3A_255 : vector<1x2048xf32> to vector<1x1x2048xf32>
    tpu.vector_store %arg15[%swap3A_256, %swap3A_257, %swap3A_258], %swap3A_261 {strides = array<i32>} : memref<16x1x2048xf32, #tpu.memory_space<vmem>>, vector<1x1x2048xf32>,
    %reduce_max3A_262 = arith.constant dense<0xFF800000> : vector<1xf32>
    %reduce_max3A_263 = vector.multi_reduction <maximumf>, %div3A_255, %reduce_max3A_262 [1] : vector<1x2048xf32> to vector<1xf32>
    %broadcast_in_dim3A_264 = vector.shape_cast %reduce_max3A_263 : vector<1xf32> to vector<1x1xf32>
    %get3A_265 = arith.constant 1 : index
    %get3A_266 = arith.constant 0 : index
    %get3A_267 = arith.constant 0 : index
    %get3A_268 = vector.load %arg5[%get3A_265, %get3A_266, %get3A_267] : memref<16x1x2048xi32, #tpu.memory_space<vmem>>, vector<1x1x2048xi32>
    %get3A_269 = vector.shape_cast %get3A_268 : vector<1x1x2048xi32> to vector<1x2048xi32>
    %eq3A_270 = vector.broadcast %broadcast_in_dim3A_264 : vector<1x1xf32> to vector<1x2048xf32>
    %eq3A_271 = arith.cmpf oeq, %div3A_255, %eq3A_270 : vector<1x2048xf32>
    %jit3A_272 = arith.constant 2147483647 : i32
    %broadcast_in_dim3A_273 = vector.broadcast %jit3A_272 : i32 to vector<1x2048xi32>
    %select_n3A_274 = arith.select %eq3A_271, %get3A_269, %broadcast_in_dim3A_273 : vector<1x2048xi1>, vector<1x2048xi32>
    %reduce_min3A_275 = arith.constant dense<2147483647> : vector<1xi32>
    %reduce_min3A_276 = vector.multi_reduction <minsi>, %select_n3A_274, %reduce_min3A_275 [1] : vector<1x2048xi32> to vector<1xi32>
    %broadcast_in_dim3A_277 = vector.shape_cast %reduce_min3A_276 : vector<1xi32> to vector<1x1xi32>
    %swap3A_278 = arith.constant 1 : index
    %swap3A_279 = arith.constant 0 : index
    %swap3A_280 = arith.constant 0 : index
    %swap3A_281 = vector.load %arg16[%swap3A_278, %swap3A_279, %swap3A_280] : memref<16x1x1xi32, #tpu.memory_space<vmem>>, vector<1x1x1xi32>
    %swap3A_282 = vector.shape_cast %swap3A_281 : vector<1x1x1xi32> to vector<1x1xi32>
    %swap3A_283 = vector.shape_cast %broadcast_in_dim3A_277 : vector<1x1xi32> to vector<1x1x1xi32>
    tpu.vector_store %arg16[%swap3A_278, %swap3A_279, %swap3A_280], %swap3A_283 {strides = array<i32>} : memref<16x1x1xi32, #tpu.memory_space<vmem>>, vector<1x1x1xi32>,
    %swap3A_284 = arith.constant 1 : index
    %swap3A_285 = arith.constant 0 : index
    %swap3A_286 = arith.constant 0 : index
    %swap3A_287 = vector.load %arg17[%swap3A_284, %swap3A_285, %swap3A_286] : memref<16x1x1xf32, #tpu.memory_space<vmem>>, vector<1x1x1xf32>
    %swap3A_288 = vector.shape_cast %swap3A_287 : vector<1x1x1xf32> to vector<1x1xf32>
    %swap3A_289 = vector.shape_cast %broadcast_in_dim3A_264 : vector<1x1xf32> to vector<1x1x1xf32>
    tpu.vector_store %arg17[%swap3A_284, %swap3A_285, %swap3A_286], %swap3A_289 {strides = array<i32>} : memref<16x1x1xf32, #tpu.memory_space<vmem>>, vector<1x1x1xf32>,
    %get3A_290 = arith.constant 2 : index
    %get3A_291 = arith.constant 0 : index
    %get3A_292 = arith.constant 0 : index
    %get3A_293 = vector.load %arg1[%get3A_290, %get3A_291, %get3A_292] : memref<16x1x2176xf32, #tpu.memory_space<vmem>>, vector<1x1x2176xf32>
    %get3A_294 = vector.shape_cast %get3A_293 : vector<1x1x2176xf32> to vector<1x2176xf32>
    %get3A_295 = arith.constant 2 : index
    %get3A_296 = arith.constant 0 : index
    %get3A_297 = arith.constant 0 : index
    %get3A_298 = vector.load %arg2[%get3A_295, %get3A_296, %get3A_297] : memref<16x1x2176xf32, #tpu.memory_space<vmem>>, vector<1x1x2176xf32>
    %get3A_299 = vector.shape_cast %get3A_298 : vector<1x1x2176xf32> to vector<1x2176xf32>
    %get3A_300 = arith.constant 2 : index
    %get3A_301 = arith.constant 0 : index
    %get3A_302 = arith.constant 0 : index
    %get3A_303 = vector.load %arg3[%get3A_300, %get3A_301, %get3A_302] : memref<16x1x2048xf32, #tpu.memory_space<vmem>>, vector<1x1x2048xf32>
    %get3A_304 = vector.shape_cast %get3A_303 : vector<1x1x2048xf32> to vector<1x2048xf32>
    %get3A_305 = arith.constant 2 : index
    %get3A_306 = arith.constant 0 : index
    %get3A_307 = arith.constant 0 : index
    %get3A_308 = vector.load %arg4[%get3A_305, %get3A_306, %get3A_307] : memref<16x1x2048xf32, #tpu.memory_space<vmem>>, vector<1x1x2048xf32>
    %get3A_309 = vector.shape_cast %get3A_308 : vector<1x1x2048xf32> to vector<1x2048xf32>
    %mul3A_310 = vector.broadcast %slice3A : vector<128x1xf32> to vector<128x2176xf32>
    %mul3A_311 = vector.broadcast %get3A_294 : vector<1x2176xf32> to vector<128x2176xf32>
    %mul3A_312 = arith.mulf %mul3A_310, %mul3A_311 : vector<128x2176xf32>
    %mul3A_313 = vector.broadcast %slice3A_33 : vector<128x1xf32> to vector<128x2176xf32>
    %mul3A_314 = vector.broadcast %get3A_299 : vector<1x2176xf32> to vector<128x2176xf32>
    %mul3A_315 = arith.mulf %mul3A_313, %mul3A_314 : vector<128x2176xf32>
    %add3A_316 = arith.addf %mul3A_312, %mul3A_315 : vector<128x2176xf32>
    %add3A_317 = vector.broadcast %get3A_4 : vector<128x1xf32> to vector<128x2176xf32>
    %add3A_318 = arith.addf %add3A_316, %add3A_317 : vector<128x2176xf32>
    %slice3A_319 = vector.extract_strided_slice %dot_general3A_26 {offsets = [0, 0], sizes = [128, 1], strides = [1, 1]} : vector<128x2xf32> to vector<128x1xf32>
    %mul3A_320 = vector.broadcast %slice3A_319 : vector<128x1xf32> to vector<128x2176xf32>
    %mul3A_321 = vector.broadcast %get3A_294 : vector<1x2176xf32> to vector<128x2176xf32>
    %mul3A_322 = arith.mulf %mul3A_320, %mul3A_321 : vector<128x2176xf32>
    %slice3A_323 = vector.extract_strided_slice %dot_general3A_26 {offsets = [0, 1], sizes = [128, 1], strides = [1, 1]} : vector<128x2xf32> to vector<128x1xf32>
    %mul3A_324 = vector.broadcast %slice3A_323 : vector<128x1xf32> to vector<128x2176xf32>
    %mul3A_325 = vector.broadcast %get3A_299 : vector<1x2176xf32> to vector<128x2176xf32>
    %mul3A_326 = arith.mulf %mul3A_324, %mul3A_325 : vector<128x2176xf32>
    %add3A_327 = arith.addf %mul3A_322, %mul3A_326 : vector<128x2176xf32>
    %add3A_328 = vector.broadcast %dot_general3A_28 : vector<128x1xf32> to vector<128x2176xf32>
    %add3A_329 = arith.addf %add3A_327, %add3A_328 : vector<128x2176xf32>
    %slice3A_330 = vector.extract_strided_slice %dot_general3A_30 {offsets = [0, 0], sizes = [128, 1], strides = [1, 1]} : vector<128x2xf32> to vector<128x1xf32>
    %mul3A_331 = vector.broadcast %slice3A_330 : vector<128x1xf32> to vector<128x2176xf32>
    %mul3A_332 = vector.broadcast %get3A_294 : vector<1x2176xf32> to vector<128x2176xf32>
    %mul3A_333 = arith.mulf %mul3A_331, %mul3A_332 : vector<128x2176xf32>
    %slice3A_334 = vector.extract_strided_slice %dot_general3A_30 {offsets = [0, 1], sizes = [128, 1], strides = [1, 1]} : vector<128x2xf32> to vector<128x1xf32>
    %mul3A_335 = vector.broadcast %slice3A_334 : vector<128x1xf32> to vector<128x2176xf32>
    %mul3A_336 = vector.broadcast %get3A_299 : vector<1x2176xf32> to vector<128x2176xf32>
    %mul3A_337 = arith.mulf %mul3A_335, %mul3A_336 : vector<128x2176xf32>
    %add3A_338 = arith.addf %mul3A_333, %mul3A_337 : vector<128x2176xf32>
    %add3A_339 = vector.broadcast %dot_general3A_32 : vector<128x1xf32> to vector<128x2176xf32>
    %add3A_340 = arith.addf %add3A_338, %add3A_339 : vector<128x2176xf32>
    %slice3A_341 = vector.extract_strided_slice %add3A_318 {offsets = [0, 2048], sizes = [128, 1], strides = [1, 1]} : vector<128x2176xf32> to vector<128x1xf32>
    %dot_general3A_342 = arith.constant dense<0.000000e+00> : vector<128x1xf32>
    %dot_general3A_343 = tpu.matmul %add3A, %slice3A_341, %dot_general3A_342 {dimension_numbers = #tpu.dot_dimension_numbers<[1], [0], [0], [1], [0, 0, 1, 1], [], []>, precision = #tpu.contract_precision<fp32>, transpose_lhs_hint = false} : vector<128x128xf32>, vector<128x1xf32>, vector<128x1xf32> -> vector<128x1xf32>
    %slice3A_344 = vector.extract_strided_slice %add3A_329 {offsets = [0, 0], sizes = [128, 2048], strides = [1, 1]} : vector<128x2176xf32> to vector<128x2048xf32>
    %exp3A_345 = math.exp %slice3A_344 : vector<128x2048xf32>
    %slice3A_346 = vector.extract_strided_slice %add3A_340 {offsets = [0, 0], sizes = [128, 2048], strides = [1, 1]} : vector<128x2176xf32> to vector<128x2048xf32>
    %mul3A_347 = arith.mulf %exp3A_345, %slice3A_346 : vector<128x2048xf32>
    %mul3A_348 = arith.mulf %get3A_19, %get3A_22 : vector<1x1xf32>
    %mul3A_349 = vector.broadcast %mul3A_348 : vector<1x1xf32> to vector<1x2048xf32>
    %mul3A_350 = arith.mulf %mul3A_349, %get3A_304 : vector<1x2048xf32>
    %sub3A_351 = arith.subf %get3A_309, %mul3A_350 : vector<1x2048xf32>
    %exp3A_352 = math.exp %sub3A_351 : vector<1x2048xf32>
    %dot_general3A_353 = arith.constant dense<0.000000e+00> : vector<128x1xf32>
    %dot_general3A_354 = tpu.matmul %mul3A_347, %exp3A_352, %dot_general3A_353 {dimension_numbers = #tpu.dot_dimension_numbers<[1], [1], [0], [0], [0, 0, 1, 0], [], []>, precision = #tpu.contract_precision<fp32>, transpose_lhs_hint = false} : vector<128x2048xf32>, vector<1x2048xf32>, vector<128x1xf32> -> vector<128x1xf32>
    %dot_general3A_355 = arith.constant dense<0.000000e+00> : vector<128x1xf32>
    %dot_general3A_356 = tpu.matmul %exp3A_345, %exp3A_352, %dot_general3A_355 {dimension_numbers = #tpu.dot_dimension_numbers<[1], [1], [0], [0], [0, 0, 1, 0], [], []>, precision = #tpu.contract_precision<fp32>, transpose_lhs_hint = false} : vector<128x2048xf32>, vector<1x2048xf32>, vector<128x1xf32> -> vector<128x1xf32>
    %logistic3A_357 = arith.negf %dot_general3A_343 : vector<128x1xf32>
    %logistic3A_358 = math.exp %logistic3A_357 : vector<128x1xf32>
    %logistic3A_359 = arith.constant 1.000000e+00 : f32
    %logistic3A_360 = vector.broadcast %logistic3A_359 : f32 to vector<128x1xf32>
    %logistic3A_361 = arith.addf %logistic3A_360, %logistic3A_358 : vector<128x1xf32>
    %logistic3A_362 = arith.divf %logistic3A_360, %logistic3A_361 : vector<128x1xf32>
    %mul3A_363 = arith.mulf %logistic3A_362, %dot_general3A_354 : vector<128x1xf32>
    %div3A_364 = arith.divf %mul3A_363, %dot_general3A_356 : vector<128x1xf32>
    %slice3A_365 = vector.extract_strided_slice %add3A_318 {offsets = [0, 0], sizes = [128, 2048], strides = [1, 1]} : vector<128x2176xf32> to vector<128x2048xf32>
    %dot_general3A_366 = arith.constant dense<0.000000e+00> : vector<1x2048xf32>
    %dot_general3A_367 = tpu.matmul %div3A_364, %slice3A_365, %dot_general3A_366 {dimension_numbers = #tpu.dot_dimension_numbers<[0], [0], [1], [1], [0, 1, 1, 1], [], []>, precision = #tpu.contract_precision<fp32>, transpose_lhs_hint = false} : vector<128x1xf32>, vector<128x2048xf32>, vector<1x2048xf32> -> vector<1x2048xf32>
    %mul3A_368 = arith.constant 0.0883883461 : f32
    %mul3A_369 = vector.broadcast %mul3A_368 : f32 to vector<1x2048xf32>
    %mul3A_370 = arith.mulf %dot_general3A_367, %mul3A_369 : vector<1x2048xf32>
    %mul3A_371 = arith.mulf %get3A_19, %get3A_25 : vector<1x1xf32>
    %mul3A_372 = vector.broadcast %mul3A_371 : vector<1x1xf32> to vector<1x2048xf32>
    %mul3A_373 = arith.mulf %mul3A_372, %get3A_304 : vector<1x2048xf32>
    %sub3A_374 = arith.subf %mul3A_370, %mul3A_373 : vector<1x2048xf32>
    %tanh3A_375 = math.tanh %sub3A_374 : vector<1x2048xf32>
    %mul3A_376 = arith.constant 1.000000e+01 : f32
    %mul3A_377 = vector.broadcast %mul3A_376 : f32 to vector<1x2048xf32>
    %mul3A_378 = arith.mulf %mul3A_377, %tanh3A_375 : vector<1x2048xf32>
    %add3A_379 = arith.addf %mul3A_378, %get3A_309 : vector<1x2048xf32>
    %reduce_max3A_380 = arith.constant dense<0xFF800000> : vector<1xf32>
    %reduce_max3A_381 = vector.multi_reduction <maximumf>, %add3A_379, %reduce_max3A_380 [1] : vector<1x2048xf32> to vector<1xf32>
    %broadcast_in_dim3A_382 = vector.shape_cast %reduce_max3A_381 : vector<1xf32> to vector<1x1xf32>
    %sub3A_383 = vector.broadcast %broadcast_in_dim3A_382 : vector<1x1xf32> to vector<1x2048xf32>
    %sub3A_384 = arith.subf %add3A_379, %sub3A_383 : vector<1x2048xf32>
    %exp3A_385 = math.exp %sub3A_384 : vector<1x2048xf32>
    %reduce_sum3A_386 = arith.constant dense<0.000000e+00> : vector<1xf32>
    %reduce_sum3A_387 = vector.multi_reduction <add>, %exp3A_385, %reduce_sum3A_386 [1] : vector<1x2048xf32> to vector<1xf32>
    %broadcast_in_dim3A_388 = vector.shape_cast %reduce_sum3A_387 : vector<1xf32> to vector<1x1xf32>
    %div3A_389 = vector.broadcast %broadcast_in_dim3A_388 : vector<1x1xf32> to vector<1x2048xf32>
    %div3A_390 = arith.divf %exp3A_385, %div3A_389 : vector<1x2048xf32>
    %swap3A_391 = arith.constant 2 : index
    %swap3A_392 = arith.constant 0 : index
    %swap3A_393 = arith.constant 0 : index
    %swap3A_394 = vector.load %arg15[%swap3A_391, %swap3A_392, %swap3A_393] : memref<16x1x2048xf32, #tpu.memory_space<vmem>>, vector<1x1x2048xf32>
    %swap3A_395 = vector.shape_cast %swap3A_394 : vector<1x1x2048xf32> to vector<1x2048xf32>
    %swap3A_396 = vector.shape_cast %div3A_390 : vector<1x2048xf32> to vector<1x1x2048xf32>
    tpu.vector_store %arg15[%swap3A_391, %swap3A_392, %swap3A_393], %swap3A_396 {strides = array<i32>} : memref<16x1x2048xf32, #tpu.memory_space<vmem>>, vector<1x1x2048xf32>,
    %reduce_max3A_397 = arith.constant dense<0xFF800000> : vector<1xf32>
    %reduce_max3A_398 = vector.multi_reduction <maximumf>, %div3A_390, %reduce_max3A_397 [1] : vector<1x2048xf32> to vector<1xf32>
    %broadcast_in_dim3A_399 = vector.shape_cast %reduce_max3A_398 : vector<1xf32> to vector<1x1xf32>
    %get3A_400 = arith.constant 2 : index
    %get3A_401 = arith.constant 0 : index
    %get3A_402 = arith.constant 0 : index
    %get3A_403 = vector.load %arg5[%get3A_400, %get3A_401, %get3A_402] : memref<16x1x2048xi32, #tpu.memory_space<vmem>>, vector<1x1x2048xi32>
    %get3A_404 = vector.shape_cast %get3A_403 : vector<1x1x2048xi32> to vector<1x2048xi32>
    %eq3A_405 = vector.broadcast %broadcast_in_dim3A_399 : vector<1x1xf32> to vector<1x2048xf32>
    %eq3A_406 = arith.cmpf oeq, %div3A_390, %eq3A_405 : vector<1x2048xf32>
    %jit3A_407 = arith.constant 2147483647 : i32
    %broadcast_in_dim3A_408 = vector.broadcast %jit3A_407 : i32 to vector<1x2048xi32>
    %select_n3A_409 = arith.select %eq3A_406, %get3A_404, %broadcast_in_dim3A_408 : vector<1x2048xi1>, vector<1x2048xi32>
    %reduce_min3A_410 = arith.constant dense<2147483647> : vector<1xi32>
    %reduce_min3A_411 = vector.multi_reduction <minsi>, %select_n3A_409, %reduce_min3A_410 [1] : vector<1x2048xi32> to vector<1xi32>
    %broadcast_in_dim3A_412 = vector.shape_cast %reduce_min3A_411 : vector<1xi32> to vector<1x1xi32>
    %swap3A_413 = arith.constant 2 : index
    %swap3A_414 = arith.constant 0 : index
    %swap3A_415 = arith.constant 0 : index
    %swap3A_416 = vector.load %arg16[%swap3A_413, %swap3A_414, %swap3A_415] : memref<16x1x1xi32, #tpu.memory_space<vmem>>, vector<1x1x1xi32>
    %swap3A_417 = vector.shape_cast %swap3A_416 : vector<1x1x1xi32> to vector<1x1xi32>
    %swap3A_418 = vector.shape_cast %broadcast_in_dim3A_412 : vector<1x1xi32> to vector<1x1x1xi32>
    tpu.vector_store %arg16[%swap3A_413, %swap3A_414, %swap3A_415], %swap3A_418 {strides = array<i32>} : memref<16x1x1xi32, #tpu.memory_space<vmem>>, vector<1x1x1xi32>,
    %swap3A_419 = arith.constant 2 : index
    %swap3A_420 = arith.constant 0 : index
    %swap3A_421 = arith.constant 0 : index
    %swap3A_422 = vector.load %arg17[%swap3A_419, %swap3A_420, %swap3A_421] : memref<16x1x1xf32, #tpu.memory_space<vmem>>, vector<1x1x1xf32>
    %swap3A_423 = vector.shape_cast %swap3A_422 : vector<1x1x1xf32> to vector<1x1xf32>
    %swap3A_424 = vector.shape_cast %broadcast_in_dim3A_399 : vector<1x1xf32> to vector<1x1x1xf32>
    tpu.vector_store %arg17[%swap3A_419, %swap3A_420, %swap3A_421], %swap3A_424 {strides = array<i32>} : memref<16x1x1xf32, #tpu.memory_space<vmem>>, vector<1x1x1xf32>,
    %get3A_425 = arith.constant 3 : index
    %get3A_426 = arith.constant 0 : index
    %get3A_427 = arith.constant 0 : index
    %get3A_428 = vector.load %arg1[%get3A_425, %get3A_426, %get3A_427] : memref<16x1x2176xf32, #tpu.memory_space<vmem>>, vector<1x1x2176xf32>
    %get3A_429 = vector.shape_cast %get3A_428 : vector<1x1x2176xf32> to vector<1x2176xf32>
    %get3A_430 = arith.constant 3 : index
    %get3A_431 = arith.constant 0 : index
    %get3A_432 = arith.constant 0 : index
    %get3A_433 = vector.load %arg2[%get3A_430, %get3A_431, %get3A_432] : memref<16x1x2176xf32, #tpu.memory_space<vmem>>, vector<1x1x2176xf32>
    %get3A_434 = vector.shape_cast %get3A_433 : vector<1x1x2176xf32> to vector<1x2176xf32>
    %get3A_435 = arith.constant 3 : index
    %get3A_436 = arith.constant 0 : index
    %get3A_437 = arith.constant 0 : index
    %get3A_438 = vector.load %arg3[%get3A_435, %get3A_436, %get3A_437] : memref<16x1x2048xf32, #tpu.memory_space<vmem>>, vector<1x1x2048xf32>
    %get3A_439 = vector.shape_cast %get3A_438 : vector<1x1x2048xf32> to vector<1x2048xf32>
    %get3A_440 = arith.constant 3 : index
    %get3A_441 = arith.constant 0 : index
    %get3A_442 = arith.constant 0 : index
    %get3A_443 = vector.load %arg4[%get3A_440, %get3A_441, %get3A_442] : memref<16x1x2048xf32, #tpu.memory_space<vmem>>, vector<1x1x2048xf32>
    %get3A_444 = vector.shape_cast %get3A_443 : vector<1x1x2048xf32> to vector<1x2048xf32>
    %mul3A_445 = vector.broadcast %slice3A : vector<128x1xf32> to vector<128x2176xf32>
    %mul3A_446 = vector.broadcast %get3A_429 : vector<1x2176xf32> to vector<128x2176xf32>
    %mul3A_447 = arith.mulf %mul3A_445, %mul3A_446 : vector<128x2176xf32>
    %mul3A_448 = vector.broadcast %slice3A_33 : vector<128x1xf32> to vector<128x2176xf32>
    %mul3A_449 = vector.broadcast %get3A_434 : vector<1x2176xf32> to vector<128x2176xf32>
    %mul3A_450 = arith.mulf %mul3A_448, %mul3A_449 : vector<128x2176xf32>
    %add3A_451 = arith.addf %mul3A_447, %mul3A_450 : vector<128x2176xf32>
    %add3A_452 = vector.broadcast %get3A_4 : vector<128x1xf32> to vector<128x2176xf32>
    %add3A_453 = arith.addf %add3A_451, %add3A_452 : vector<128x2176xf32>
    %slice3A_454 = vector.extract_strided_slice %dot_general3A_26 {offsets = [0, 0], sizes = [128, 1], strides = [1, 1]} : vector<128x2xf32> to vector<128x1xf32>
    %mul3A_455 = vector.broadcast %slice3A_454 : vector<128x1xf32> to vector<128x2176xf32>
    %mul3A_456 = vector.broadcast %get3A_429 : vector<1x2176xf32> to vector<128x2176xf32>
    %mul3A_457 = arith.mulf %mul3A_455, %mul3A_456 : vector<128x2176xf32>
    %slice3A_458 = vector.extract_strided_slice %dot_general3A_26 {offsets = [0, 1], sizes = [128, 1], strides = [1, 1]} : vector<128x2xf32> to vector<128x1xf32>
    %mul3A_459 = vector.broadcast %slice3A_458 : vector<128x1xf32> to vector<128x2176xf32>
    %mul3A_460 = vector.broadcast %get3A_434 : vector<1x2176xf32> to vector<128x2176xf32>
    %mul3A_461 = arith.mulf %mul3A_459, %mul3A_460 : vector<128x2176xf32>
    %add3A_462 = arith.addf %mul3A_457, %mul3A_461 : vector<128x2176xf32>
    %add3A_463 = vector.broadcast %dot_general3A_28 : vector<128x1xf32> to vector<128x2176xf32>
    %add3A_464 = arith.addf %add3A_462, %add3A_463 : vector<128x2176xf32>
    %slice3A_465 = vector.extract_strided_slice %dot_general3A_30 {offsets = [0, 0], sizes = [128, 1], strides = [1, 1]} : vector<128x2xf32> to vector<128x1xf32>
    %mul3A_466 = vector.broadcast %slice3A_465 : vector<128x1xf32> to vector<128x2176xf32>
    %mul3A_467 = vector.broadcast %get3A_429 : vector<1x2176xf32> to vector<128x2176xf32>
    %mul3A_468 = arith.mulf %mul3A_466, %mul3A_467 : vector<128x2176xf32>
    %slice3A_469 = vector.extract_strided_slice %dot_general3A_30 {offsets = [0, 1], sizes = [128, 1], strides = [1, 1]} : vector<128x2xf32> to vector<128x1xf32>
    %mul3A_470 = vector.broadcast %slice3A_469 : vector<128x1xf32> to vector<128x2176xf32>
    %mul3A_471 = vector.broadcast %get3A_434 : vector<1x2176xf32> to vector<128x2176xf32>
    %mul3A_472 = arith.mulf %mul3A_470, %mul3A_471 : vector<128x2176xf32>
    %add3A_473 = arith.addf %mul3A_468, %mul3A_472 : vector<128x2176xf32>
    %add3A_474 = vector.broadcast %dot_general3A_32 : vector<128x1xf32> to vector<128x2176xf32>
    %add3A_475 = arith.addf %add3A_473, %add3A_474 : vector<128x2176xf32>
    %slice3A_476 = vector.extract_strided_slice %add3A_453 {offsets = [0, 2048], sizes = [128, 1], strides = [1, 1]} : vector<128x2176xf32> to vector<128x1xf32>
    %dot_general3A_477 = arith.constant dense<0.000000e+00> : vector<128x1xf32>
    %dot_general3A_478 = tpu.matmul %add3A, %slice3A_476, %dot_general3A_477 {dimension_numbers = #tpu.dot_dimension_numbers<[1], [0], [0], [1], [0, 0, 1, 1], [], []>, precision = #tpu.contract_precision<fp32>, transpose_lhs_hint = false} : vector<128x128xf32>, vector<128x1xf32>, vector<128x1xf32> -> vector<128x1xf32>
    %slice3A_479 = vector.extract_strided_slice %add3A_464 {offsets = [0, 0], sizes = [128, 2048], strides = [1, 1]} : vector<128x2176xf32> to vector<128x2048xf32>
    %exp3A_480 = math.exp %slice3A_479 : vector<128x2048xf32>
    %slice3A_481 = vector.extract_strided_slice %add3A_475 {offsets = [0, 0], sizes = [128, 2048], strides = [1, 1]} : vector<128x2176xf32> to vector<128x2048xf32>
    %mul3A_482 = arith.mulf %exp3A_480, %slice3A_481 : vector<128x2048xf32>
    %mul3A_483 = arith.mulf %get3A_19, %get3A_22 : vector<1x1xf32>
    %mul3A_484 = vector.broadcast %mul3A_483 : vector<1x1xf32> to vector<1x2048xf32>
    %mul3A_485 = arith.mulf %mul3A_484, %get3A_439 : vector<1x2048xf32>
    %sub3A_486 = arith.subf %get3A_444, %mul3A_485 : vector<1x2048xf32>
    %exp3A_487 = math.exp %sub3A_486 : vector<1x2048xf32>
    %dot_general3A_488 = arith.constant dense<0.000000e+00> : vector<128x1xf32>
    %dot_general3A_489 = tpu.matmul %mul3A_482, %exp3A_487, %dot_general3A_488 {dimension_numbers = #tpu.dot_dimension_numbers<[1], [1], [0], [0], [0, 0, 1, 0], [], []>, precision = #tpu.contract_precision<fp32>, transpose_lhs_hint = false} : vector<128x2048xf32>, vector<1x2048xf32>, vector<128x1xf32> -> vector<128x1xf32>
    %dot_general3A_490 = arith.constant dense<0.000000e+00> : vector<128x1xf32>
    %dot_general3A_491 = tpu.matmul %exp3A_480, %exp3A_487, %dot_general3A_490 {dimension_numbers = #tpu.dot_dimension_numbers<[1], [1], [0], [0], [0, 0, 1, 0], [], []>, precision = #tpu.contract_precision<fp32>, transpose_lhs_hint = false} : vector<128x2048xf32>, vector<1x2048xf32>, vector<128x1xf32> -> vector<128x1xf32>
    %logistic3A_492 = arith.negf %dot_general3A_478 : vector<128x1xf32>
    %logistic3A_493 = math.exp %logistic3A_492 : vector<128x1xf32>
    %logistic3A_494 = arith.constant 1.000000e+00 : f32
    %logistic3A_495 = vector.broadcast %logistic3A_494 : f32 to vector<128x1xf32>
    %logistic3A_496 = arith.addf %logistic3A_495, %logistic3A_493 : vector<128x1xf32>
    %logistic3A_497 = arith.divf %logistic3A_495, %logistic3A_496 : vector<128x1xf32>
    %mul3A_498 = arith.mulf %logistic3A_497, %dot_general3A_489 : vector<128x1xf32>
    %div3A_499 = arith.divf %mul3A_498, %dot_general3A_491 : vector<128x1xf32>
    %slice3A_500 = vector.extract_strided_slice %add3A_453 {offsets = [0, 0], sizes = [128, 2048], strides = [1, 1]} : vector<128x2176xf32> to vector<128x2048xf32>
    %dot_general3A_501 = arith.constant dense<0.000000e+00> : vector<1x2048xf32>
    %dot_general3A_502 = tpu.matmul %div3A_499, %slice3A_500, %dot_general3A_501 {dimension_numbers = #tpu.dot_dimension_numbers<[0], [0], [1], [1], [0, 1, 1, 1], [], []>, precision = #tpu.contract_precision<fp32>, transpose_lhs_hint = false} : vector<128x1xf32>, vector<128x2048xf32>, vector<1x2048xf32> -> vector<1x2048xf32>
    %mul3A_503 = arith.constant 0.0883883461 : f32
    %mul3A_504 = vector.broadcast %mul3A_503 : f32 to vector<1x2048xf32>
    %mul3A_505 = arith.mulf %dot_general3A_502, %mul3A_504 : vector<1x2048xf32>
    %mul3A_506 = arith.mulf %get3A_19, %get3A_25 : vector<1x1xf32>
    %mul3A_507 = vector.broadcast %mul3A_506 : vector<1x1xf32> to vector<1x2048xf32>
    %mul3A_508 = arith.mulf %mul3A_507, %get3A_439 : vector<1x2048xf32>
    %sub3A_509 = arith.subf %mul3A_505, %mul3A_508 : vector<1x2048xf32>
    %tanh3A_510 = math.tanh %sub3A_509 : vector<1x2048xf32>
    %mul3A_511 = arith.constant 1.000000e+01 : f32
    %mul3A_512 = vector.broadcast %mul3A_511 : f32 to vector<1x2048xf32>
    %mul3A_513 = arith.mulf %mul3A_512, %tanh3A_510 : vector<1x2048xf32>
    %add3A_514 = arith.addf %mul3A_513, %get3A_444 : vector<1x2048xf32>
    %reduce_max3A_515 = arith.constant dense<0xFF800000> : vector<1xf32>
    %reduce_max3A_516 = vector.multi_reduction <maximumf>, %add3A_514, %reduce_max3A_515 [1] : vector<1x2048xf32> to vector<1xf32>
    %broadcast_in_dim3A_517 = vector.shape_cast %reduce_max3A_516 : vector<1xf32> to vector<1x1xf32>
    %sub3A_518 = vector.broadcast %broadcast_in_dim3A_517 : vector<1x1xf32> to vector<1x2048xf32>
    %sub3A_519 = arith.subf %add3A_514, %sub3A_518 : vector<1x2048xf32>
    %exp3A_520 = math.exp %sub3A_519 : vector<1x2048xf32>
    %reduce_sum3A_521 = arith.constant dense<0.000000e+00> : vector<1xf32>
    %reduce_sum3A_522 = vector.multi_reduction <add>, %exp3A_520, %reduce_sum3A_521 [1] : vector<1x2048xf32> to vector<1xf32>
    %broadcast_in_dim3A_523 = vector.shape_cast %reduce_sum3A_522 : vector<1xf32> to vector<1x1xf32>
    %div3A_524 = vector.broadcast %broadcast_in_dim3A_523 : vector<1x1xf32> to vector<1x2048xf32>
    %div3A_525 = arith.divf %exp3A_520, %div3A_524 : vector<1x2048xf32>
    %swap3A_526 = arith.constant 3 : index
    %swap3A_527 = arith.constant 0 : index
    %swap3A_528 = arith.constant 0 : index
    %swap3A_529 = vector.load %arg15[%swap3A_526, %swap3A_527, %swap3A_528] : memref<16x1x2048xf32, #tpu.memory_space<vmem>>, vector<1x1x2048xf32>
    %swap3A_530 = vector.shape_cast %swap3A_529 : vector<1x1x2048xf32> to vector<1x2048xf32>
    %swap3A_531 = vector.shape_cast %div3A_525 : vector<1x2048xf32> to vector<1x1x2048xf32>
    tpu.vector_store %arg15[%swap3A_526, %swap3A_527, %swap3A_528], %swap3A_531 {strides = array<i32>} : memref<16x1x2048xf32, #tpu.memory_space<vmem>>, vector<1x1x2048xf32>,
    %reduce_max3A_532 = arith.constant dense<0xFF800000> : vector<1xf32>
    %reduce_max3A_533 = vector.multi_reduction <maximumf>, %div3A_525, %reduce_max3A_532 [1] : vector<1x2048xf32> to vector<1xf32>
    %broadcast_in_dim3A_534 = vector.shape_cast %reduce_max3A_533 : vector<1xf32> to vector<1x1xf32>
    %get3A_535 = arith.constant 3 : index
    %get3A_536 = arith.constant 0 : index
    %get3A_537 = arith.constant 0 : index
    %get3A_538 = vector.load %arg5[%get3A_535, %get3A_536, %get3A_537] : memref<16x1x2048xi32, #tpu.memory_space<vmem>>, vector<1x1x2048xi32>
    %get3A_539 = vector.shape_cast %get3A_538 : vector<1x1x2048xi32> to vector<1x2048xi32>
    %eq3A_540 = vector.broadcast %broadcast_in_dim3A_534 : vector<1x1xf32> to vector<1x2048xf32>
    %eq3A_541 = arith.cmpf oeq, %div3A_525, %eq3A_540 : vector<1x2048xf32>
    %jit3A_542 = arith.constant 2147483647 : i32
    %broadcast_in_dim3A_543 = vector.broadcast %jit3A_542 : i32 to vector<1x2048xi32>
    %select_n3A_544 = arith.select %eq3A_541, %get3A_539, %broadcast_in_dim3A_543 : vector<1x2048xi1>, vector<1x2048xi32>
    %reduce_min3A_545 = arith.constant dense<2147483647> : vector<1xi32>
    %reduce_min3A_546 = vector.multi_reduction <minsi>, %select_n3A_544, %reduce_min3A_545 [1] : vector<1x2048xi32> to vector<1xi32>
    %broadcast_in_dim3A_547 = vector.shape_cast %reduce_min3A_546 : vector<1xi32> to vector<1x1xi32>
    %swap3A_548 = arith.constant 3 : index
    %swap3A_549 = arith.constant 0 : index
    %swap3A_550 = arith.constant 0 : index
    %swap3A_551 = vector.load %arg16[%swap3A_548, %swap3A_549, %swap3A_550] : memref<16x1x1xi32, #tpu.memory_space<vmem>>, vector<1x1x1xi32>
    %swap3A_552 = vector.shape_cast %swap3A_551 : vector<1x1x1xi32> to vector<1x1xi32>
    %swap3A_553 = vector.shape_cast %broadcast_in_dim3A_547 : vector<1x1xi32> to vector<1x1x1xi32>
    tpu.vector_store %arg16[%swap3A_548, %swap3A_549, %swap3A_550], %swap3A_553 {strides = array<i32>} : memref<16x1x1xi32, #tpu.memory_space<vmem>>, vector<1x1x1xi32>,
    %swap3A_554 = arith.constant 3 : index
    %swap3A_555 = arith.constant 0 : index
    %swap3A_556 = arith.constant 0 : index
    %swap3A_557 = vector.load %arg17[%swap3A_554, %swap3A_555, %swap3A_556] : memref<16x1x1xf32, #tpu.memory_space<vmem>>, vector<1x1x1xf32>
    %swap3A_558 = vector.shape_cast %swap3A_557 : vector<1x1x1xf32> to vector<1x1xf32>
    %swap3A_559 = vector.shape_cast %broadcast_in_dim3A_534 : vector<1x1xf32> to vector<1x1x1xf32>
    tpu.vector_store %arg17[%swap3A_554, %swap3A_555, %swap3A_556], %swap3A_559 {strides = array<i32>} : memref<16x1x1xf32, #tpu.memory_space<vmem>>, vector<1x1x1xf32>,
    %get3A_560 = arith.constant 4 : index
    %get3A_561 = arith.constant 0 : index
    %get3A_562 = arith.constant 0 : index
    %get3A_563 = vector.load %arg1[%get3A_560, %get3A_561, %get3A_562] : memref<16x1x2176xf32, #tpu.memory_space<vmem>>, vector<1x1x2176xf32>
    %get3A_564 = vector.shape_cast %get3A_563 : vector<1x1x2176xf32> to vector<1x2176xf32>
    %get3A_565 = arith.constant 4 : index
    %get3A_566 = arith.constant 0 : index
    %get3A_567 = arith.constant 0 : index
    %get3A_568 = vector.load %arg2[%get3A_565, %get3A_566, %get3A_567] : memref<16x1x2176xf32, #tpu.memory_space<vmem>>, vector<1x1x2176xf32>
    %get3A_569 = vector.shape_cast %get3A_568 : vector<1x1x2176xf32> to vector<1x2176xf32>
    %get3A_570 = arith.constant 4 : index
    %get3A_571 = arith.constant 0 : index
    %get3A_572 = arith.constant 0 : index
    %get3A_573 = vector.load %arg3[%get3A_570, %get3A_571, %get3A_572] : memref<16x1x2048xf32, #tpu.memory_space<vmem>>, vector<1x1x2048xf32>
    %get3A_574 = vector.shape_cast %get3A_573 : vector<1x1x2048xf32> to vector<1x2048xf32>
    %get3A_575 = arith.constant 4 : index
    %get3A_576 = arith.constant 0 : index
    %get3A_577 = arith.constant 0 : index
    %get3A_578 = vector.load %arg4[%get3A_575, %get3A_576, %get3A_577] : memref<16x1x2048xf32, #tpu.memory_space<vmem>>, vector<1x1x2048xf32>
    %get3A_579 = vector.shape_cast %get3A_578 : vector<1x1x2048xf32> to vector<1x2048xf32>
    %mul3A_580 = vector.broadcast %slice3A : vector<128x1xf32> to vector<128x2176xf32>
    %mul3A_581 = vector.broadcast %get3A_564 : vector<1x2176xf32> to vector<128x2176xf32>
    %mul3A_582 = arith.mulf %mul3A_580, %mul3A_581 : vector<128x2176xf32>
    %mul3A_583 = vector.broadcast %slice3A_33 : vector<128x1xf32> to vector<128x2176xf32>
    %mul3A_584 = vector.broadcast %get3A_569 : vector<1x2176xf32> to vector<128x2176xf32>
    %mul3A_585 = arith.mulf %mul3A_583, %mul3A_584 : vector<128x2176xf32>
    %add3A_586 = arith.addf %mul3A_582, %mul3A_585 : vector<128x2176xf32>
    %add3A_587 = vector.broadcast %get3A_4 : vector<128x1xf32> to vector<128x2176xf32>
    %add3A_588 = arith.addf %add3A_586, %add3A_587 : vector<128x2176xf32>
    %slice3A_589 = vector.extract_strided_slice %dot_general3A_26 {offsets = [0, 0], sizes = [128, 1], strides = [1, 1]} : vector<128x2xf32> to vector<128x1xf32>
    %mul3A_590 = vector.broadcast %slice3A_589 : vector<128x1xf32> to vector<128x2176xf32>
    %mul3A_591 = vector.broadcast %get3A_564 : vector<1x2176xf32> to vector<128x2176xf32>
    %mul3A_592 = arith.mulf %mul3A_590, %mul3A_591 : vector<128x2176xf32>
    %slice3A_593 = vector.extract_strided_slice %dot_general3A_26 {offsets = [0, 1], sizes = [128, 1], strides = [1, 1]} : vector<128x2xf32> to vector<128x1xf32>
    %mul3A_594 = vector.broadcast %slice3A_593 : vector<128x1xf32> to vector<128x2176xf32>
    %mul3A_595 = vector.broadcast %get3A_569 : vector<1x2176xf32> to vector<128x2176xf32>
    %mul3A_596 = arith.mulf %mul3A_594, %mul3A_595 : vector<128x2176xf32>
    %add3A_597 = arith.addf %mul3A_592, %mul3A_596 : vector<128x2176xf32>
    %add3A_598 = vector.broadcast %dot_general3A_28 : vector<128x1xf32> to vector<128x2176xf32>
    %add3A_599 = arith.addf %add3A_597, %add3A_598 : vector<128x2176xf32>
    %slice3A_600 = vector.extract_strided_slice %dot_general3A_30 {offsets = [0, 0], sizes = [128, 1], strides = [1, 1]} : vector<128x2xf32> to vector<128x1xf32>
    %mul3A_601 = vector.broadcast %slice3A_600 : vector<128x1xf32> to vector<128x2176xf32>
    %mul3A_602 = vector.broadcast %get3A_564 : vector<1x2176xf32> to vector<128x2176xf32>
    %mul3A_603 = arith.mulf %mul3A_601, %mul3A_602 : vector<128x2176xf32>
    %slice3A_604 = vector.extract_strided_slice %dot_general3A_30 {offsets = [0, 1], sizes = [128, 1], strides = [1, 1]} : vector<128x2xf32> to vector<128x1xf32>
    %mul3A_605 = vector.broadcast %slice3A_604 : vector<128x1xf32> to vector<128x2176xf32>
    %mul3A_606 = vector.broadcast %get3A_569 : vector<1x2176xf32> to vector<128x2176xf32>
    %mul3A_607 = arith.mulf %mul3A_605, %mul3A_606 : vector<128x2176xf32>
    %add3A_608 = arith.addf %mul3A_603, %mul3A_607 : vector<128x2176xf32>
    %add3A_609 = vector.broadcast %dot_general3A_32 : vector<128x1xf32> to vector<128x2176xf32>
    %add3A_610 = arith.addf %add3A_608, %add3A_609 : vector<128x2176xf32>
    %slice3A_611 = vector.extract_strided_slice %add3A_588 {offsets = [0, 2048], sizes = [128, 1], strides = [1, 1]} : vector<128x2176xf32> to vector<128x1xf32>
    %dot_general3A_612 = arith.constant dense<0.000000e+00> : vector<128x1xf32>
    %dot_general3A_613 = tpu.matmul %add3A, %slice3A_611, %dot_general3A_612 {dimension_numbers = #tpu.dot_dimension_numbers<[1], [0], [0], [1], [0, 0, 1, 1], [], []>, precision = #tpu.contract_precision<fp32>, transpose_lhs_hint = false} : vector<128x128xf32>, vector<128x1xf32>, vector<128x1xf32> -> vector<128x1xf32>
    %slice3A_614 = vector.extract_strided_slice %add3A_599 {offsets = [0, 0], sizes = [128, 2048], strides = [1, 1]} : vector<128x2176xf32> to vector<128x2048xf32>
    %exp3A_615 = math.exp %slice3A_614 : vector<128x2048xf32>
    %slice3A_616 = vector.extract_strided_slice %add3A_610 {offsets = [0, 0], sizes = [128, 2048], strides = [1, 1]} : vector<128x2176xf32> to vector<128x2048xf32>
    %mul3A_617 = arith.mulf %exp3A_615, %slice3A_616 : vector<128x2048xf32>
    %mul3A_618 = arith.mulf %get3A_19, %get3A_22 : vector<1x1xf32>
    %mul3A_619 = vector.broadcast %mul3A_618 : vector<1x1xf32> to vector<1x2048xf32>
    %mul3A_620 = arith.mulf %mul3A_619, %get3A_574 : vector<1x2048xf32>
    %sub3A_621 = arith.subf %get3A_579, %mul3A_620 : vector<1x2048xf32>
    %exp3A_622 = math.exp %sub3A_621 : vector<1x2048xf32>
    %dot_general3A_623 = arith.constant dense<0.000000e+00> : vector<128x1xf32>
    %dot_general3A_624 = tpu.matmul %mul3A_617, %exp3A_622, %dot_general3A_623 {dimension_numbers = #tpu.dot_dimension_numbers<[1], [1], [0], [0], [0, 0, 1, 0], [], []>, precision = #tpu.contract_precision<fp32>, transpose_lhs_hint = false} : vector<128x2048xf32>, vector<1x2048xf32>, vector<128x1xf32> -> vector<128x1xf32>
    %dot_general3A_625 = arith.constant dense<0.000000e+00> : vector<128x1xf32>
    %dot_general3A_626 = tpu.matmul %exp3A_615, %exp3A_622, %dot_general3A_625 {dimension_numbers = #tpu.dot_dimension_numbers<[1], [1], [0], [0], [0, 0, 1, 0], [], []>, precision = #tpu.contract_precision<fp32>, transpose_lhs_hint = false} : vector<128x2048xf32>, vector<1x2048xf32>, vector<128x1xf32> -> vector<128x1xf32>
    %logistic3A_627 = arith.negf %dot_general3A_613 : vector<128x1xf32>
    %logistic3A_628 = math.exp %logistic3A_627 : vector<128x1xf32>
    %logistic3A_629 = arith.constant 1.000000e+00 : f32
    %logistic3A_630 = vector.broadcast %logistic3A_629 : f32 to vector<128x1xf32>
    %logistic3A_631 = arith.addf %logistic3A_630, %logistic3A_628 : vector<128x1xf32>
    %logistic3A_632 = arith.divf %logistic3A_630, %logistic3A_631 : vector<128x1xf32>
    %mul3A_633 = arith.mulf %logistic3A_632, %dot_general3A_624 : vector<128x1xf32>
    %div3A_634 = arith.divf %mul3A_633, %dot_general3A_626 : vector<128x1xf32>
    %slice3A_635 = vector.extract_strided_slice %add3A_588 {offsets = [0, 0], sizes = [128, 2048], strides = [1, 1]} : vector<128x2176xf32> to vector<128x2048xf32>
    %dot_general3A_636 = arith.constant dense<0.000000e+00> : vector<1x2048xf32>
    %dot_general3A_637 = tpu.matmul %div3A_634, %slice3A_635, %dot_general3A_636 {dimension_numbers = #tpu.dot_dimension_numbers<[0], [0], [1], [1], [0, 1, 1, 1], [], []>, precision = #tpu.contract_precision<fp32>, transpose_lhs_hint = false} : vector<128x1xf32>, vector<128x2048xf32>, vector<1x2048xf32> -> vector<1x2048xf32>
    %mul3A_638 = arith.constant 0.0883883461 : f32
    %mul3A_639 = vector.broadcast %mul3A_638 : f32 to vector<1x2048xf32>
    %mul3A_640 = arith.mulf %dot_general3A_637, %mul3A_639 : vector<1x2048xf32>
    %mul3A_641 = arith.mulf %get3A_19, %get3A_25 : vector<1x1xf32>
    %mul3A_642 = vector.broadcast %mul3A_641 : vector<1x1xf32> to vector<1x2048xf32>
    %mul3A_643 = arith.mulf %mul3A_642, %get3A_574 : vector<1x2048xf32>
    %sub3A_644 = arith.subf %mul3A_640, %mul3A_643 : vector<1x2048xf32>
    %tanh3A_645 = math.tanh %sub3A_644 : vector<1x2048xf32>
    %mul3A_646 = arith.constant 1.000000e+01 : f32
    %mul3A_647 = vector.broadcast %mul3A_646 : f32 to vector<1x2048xf32>
    %mul3A_648 = arith.mulf %mul3A_647, %tanh3A_645 : vector<1x2048xf32>
    %add3A_649 = arith.addf %mul3A_648, %get3A_579 : vector<1x2048xf32>
    %reduce_max3A_650 = arith.constant dense<0xFF800000> : vector<1xf32>
    %reduce_max3A_651 = vector.multi_reduction <maximumf>, %add3A_649, %reduce_max3A_650 [1] : vector<1x2048xf32> to vector<1xf32>
    %broadcast_in_dim3A_652 = vector.shape_cast %reduce_max3A_651 : vector<1xf32> to vector<1x1xf32>
    %sub3A_653 = vector.broadcast %broadcast_in_dim3A_652 : vector<1x1xf32> to vector<1x2048xf32>
    %sub3A_654 = arith.subf %add3A_649, %sub3A_653 : vector<1x2048xf32>
    %exp3A_655 = math.exp %sub3A_654 : vector<1x2048xf32>
    %reduce_sum3A_656 = arith.constant dense<0.000000e+00> : vector<1xf32>
    %reduce_sum3A_657 = vector.multi_reduction <add>, %exp3A_655, %reduce_sum3A_656 [1] : vector<1x2048xf32> to vector<1xf32>
    %broadcast_in_dim3A_658 = vector.shape_cast %reduce_sum3A_657 : vector<1xf32> to vector<1x1xf32>
    %div3A_659 = vector.broadcast %broadcast_in_dim3A_658 : vector<1x1xf32> to vector<1x2048xf32>
    %div3A_660 = arith.divf %exp3A_655, %div3A_659 : vector<1x2048xf32>
    %swap3A_661 = arith.constant 4 : index
    %swap3A_662 = arith.constant 0 : index
    %swap3A_663 = arith.constant 0 : index
    %swap3A_664 = vector.load %arg15[%swap3A_661, %swap3A_662, %swap3A_663] : memref<16x1x2048xf32, #tpu.memory_space<vmem>>, vector<1x1x2048xf32>
    %swap3A_665 = vector.shape_cast %swap3A_664 : vector<1x1x2048xf32> to vector<1x2048xf32>
    %swap3A_666 = vector.shape_cast %div3A_660 : vector<1x2048xf32> to vector<1x1x2048xf32>
    tpu.vector_store %arg15[%swap3A_661, %swap3A_662, %swap3A_663], %swap3A_666 {strides = array<i32>} : memref<16x1x2048xf32, #tpu.memory_space<vmem>>, vector<1x1x2048xf32>,
    %reduce_max3A_667 = arith.constant dense<0xFF800000> : vector<1xf32>
    %reduce_max3A_668 = vector.multi_reduction <maximumf>, %div3A_660, %reduce_max3A_667 [1] : vector<1x2048xf32> to vector<1xf32>
    %broadcast_in_dim3A_669 = vector.shape_cast %reduce_max3A_668 : vector<1xf32> to vector<1x1xf32>
    %get3A_670 = arith.constant 4 : index
    %get3A_671 = arith.constant 0 : index
    %get3A_672 = arith.constant 0 : index
    %get3A_673 = vector.load %arg5[%get3A_670, %get3A_671, %get3A_672] : memref<16x1x2048xi32, #tpu.memory_space<vmem>>, vector<1x1x2048xi32>
    %get3A_674 = vector.shape_cast %get3A_673 : vector<1x1x2048xi32> to vector<1x2048xi32>
    %eq3A_675 = vector.broadcast %broadcast_in_dim3A_669 : vector<1x1xf32> to vector<1x2048xf32>
    %eq3A_676 = arith.cmpf oeq, %div3A_660, %eq3A_675 : vector<1x2048xf32>
    %jit3A_677 = arith.constant 2147483647 : i32
    %broadcast_in_dim3A_678 = vector.broadcast %jit3A_677 : i32 to vector<1x2048xi32>
    %select_n3A_679 = arith.select %eq3A_676, %get3A_674, %broadcast_in_dim3A_678 : vector<1x2048xi1>, vector<1x2048xi32>
    %reduce_min3A_680 = arith.constant dense<2147483647> : vector<1xi32>
    %reduce_min3A_681 = vector.multi_reduction <minsi>, %select_n3A_679, %reduce_min3A_680 [1] : vector<1x2048xi32> to vector<1xi32>
    %broadcast_in_dim3A_682 = vector.shape_cast %reduce_min3A_681 : vector<1xi32> to vector<1x1xi32>
    %swap3A_683 = arith.constant 4 : index
    %swap3A_684 = arith.constant 0 : index
    %swap3A_685 = arith.constant 0 : index
    %swap3A_686 = vector.load %arg16[%swap3A_683, %swap3A_684, %swap3A_685] : memref<16x1x1xi32, #tpu.memory_space<vmem>>, vector<1x1x1xi32>
    %swap3A_687 = vector.shape_cast %swap3A_686 : vector<1x1x1xi32> to vector<1x1xi32>
    %swap3A_688 = vector.shape_cast %broadcast_in_dim3A_682 : vector<1x1xi32> to vector<1x1x1xi32>
    tpu.vector_store %arg16[%swap3A_683, %swap3A_684, %swap3A_685], %swap3A_688 {strides = array<i32>} : memref<16x1x1xi32, #tpu.memory_space<vmem>>, vector<1x1x1xi32>,
    %swap3A_689 = arith.constant 4 : index
    %swap3A_690 = arith.constant 0 : index
    %swap3A_691 = arith.constant 0 : index
    %swap3A_692 = vector.load %arg17[%swap3A_689, %swap3A_690, %swap3A_691] : memref<16x1x1xf32, #tpu.memory_space<vmem>>, vector<1x1x1xf32>
    %swap3A_693 = vector.shape_cast %swap3A_692 : vector<1x1x1xf32> to vector<1x1xf32>
    %swap3A_694 = vector.shape_cast %broadcast_in_dim3A_669 : vector<1x1xf32> to vector<1x1x1xf32>
    tpu.vector_store %arg17[%swap3A_689, %swap3A_690, %swap3A_691], %swap3A_694 {strides = array<i32>} : memref<16x1x1xf32, #tpu.memory_space<vmem>>, vector<1x1x1xf32>,
    %get3A_695 = arith.constant 5 : index
    %get3A_696 = arith.constant 0 : index
    %get3A_697 = arith.constant 0 : index
    %get3A_698 = vector.load %arg1[%get3A_695, %get3A_696, %get3A_697] : memref<16x1x2176xf32, #tpu.memory_space<vmem>>, vector<1x1x2176xf32>
    %get3A_699 = vector.shape_cast %get3A_698 : vector<1x1x2176xf32> to vector<1x2176xf32>
    %get3A_700 = arith.constant 5 : index
    %get3A_701 = arith.constant 0 : index
    %get3A_702 = arith.constant 0 : index
    %get3A_703 = vector.load %arg2[%get3A_700, %get3A_701, %get3A_702] : memref<16x1x2176xf32, #tpu.memory_space<vmem>>, vector<1x1x2176xf32>
    %get3A_704 = vector.shape_cast %get3A_703 : vector<1x1x2176xf32> to vector<1x2176xf32>
    %get3A_705 = arith.constant 5 : index
    %get3A_706 = arith.constant 0 : index
    %get3A_707 = arith.constant 0 : index
    %get3A_708 = vector.load %arg3[%get3A_705, %get3A_706, %get3A_707] : memref<16x1x2048xf32, #tpu.memory_space<vmem>>, vector<1x1x2048xf32>
    %get3A_709 = vector.shape_cast %get3A_708 : vector<1x1x2048xf32> to vector<1x2048xf32>
    %get3A_710 = arith.constant 5 : index
    %get3A_711 = arith.constant 0 : index
    %get3A_712 = arith.constant 0 : index
    %get3A_713 = vector.load %arg4[%get3A_710, %get3A_711, %get3A_712] : memref<16x1x2048xf32, #tpu.memory_space<vmem>>, vector<1x1x2048xf32>
    %get3A_714 = vector.shape_cast %get3A_713 : vector<1x1x2048xf32> to vector<1x2048xf32>
    %mul3A_715 = vector.broadcast %slice3A : vector<128x1xf32> to vector<128x2176xf32>
    %mul3A_716 = vector.broadcast %get3A_699 : vector<1x2176xf32> to vector<128x2176xf32>
    %mul3A_717 = arith.mulf %mul3A_715, %mul3A_716 : vector<128x2176xf32>
    %mul3A_718 = vector.broadcast %slice3A_33 : vector<128x1xf32> to vector<128x2176xf32>
    %mul3A_719 = vector.broadcast %get3A_704 : vector<1x2176xf32> to vector<128x2176xf32>
    %mul3A_720 = arith.mulf %mul3A_718, %mul3A_719 : vector<128x2176xf32>
    %add3A_721 = arith.addf %mul3A_717, %mul3A_720 : vector<128x2176xf32>
    %add3A_722 = vector.broadcast %get3A_4 : vector<128x1xf32> to vector<128x2176xf32>
    %add3A_723 = arith.addf %add3A_721, %add3A_722 : vector<128x2176xf32>
    %slice3A_724 = vector.extract_strided_slice %dot_general3A_26 {offsets = [0, 0], sizes = [128, 1], strides = [1, 1]} : vector<128x2xf32> to vector<128x1xf32>
    %mul3A_725 = vector.broadcast %slice3A_724 : vector<128x1xf32> to vector<128x2176xf32>
    %mul3A_726 = vector.broadcast %get3A_699 : vector<1x2176xf32> to vector<128x2176xf32>
    %mul3A_727 = arith.mulf %mul3A_725, %mul3A_726 : vector<128x2176xf32>
    %slice3A_728 = vector.extract_strided_slice %dot_general3A_26 {offsets = [0, 1], sizes = [128, 1], strides = [1, 1]} : vector<128x2xf32> to vector<128x1xf32>
    %mul3A_729 = vector.broadcast %slice3A_728 : vector<128x1xf32> to vector<128x2176xf32>
    %mul3A_730 = vector.broadcast %get3A_704 : vector<1x2176xf32> to vector<128x2176xf32>
    %mul3A_731 = arith.mulf %mul3A_729, %mul3A_730 : vector<128x2176xf32>
    %add3A_732 = arith.addf %mul3A_727, %mul3A_731 : vector<128x2176xf32>
    %add3A_733 = vector.broadcast %dot_general3A_28 : vector<128x1xf32> to vector<128x2176xf32>
    %add3A_734 = arith.addf %add3A_732, %add3A_733 : vector<128x2176xf32>
    %slice3A_735 = vector.extract_strided_slice %dot_general3A_30 {offsets = [0, 0], sizes = [128, 1], strides = [1, 1]} : vector<128x2xf32> to vector<128x1xf32>
    %mul3A_736 = vector.broadcast %slice3A_735 : vector<128x1xf32> to vector<128x2176xf32>
    %mul3A_737 = vector.broadcast %get3A_699 : vector<1x2176xf32> to vector<128x2176xf32>
    %mul3A_738 = arith.mulf %mul3A_736, %mul3A_737 : vector<128x2176xf32>
    %slice3A_739 = vector.extract_strided_slice %dot_general3A_30 {offsets = [0, 1], sizes = [128, 1], strides = [1, 1]} : vector<128x2xf32> to vector<128x1xf32>
    %mul3A_740 = vector.broadcast %slice3A_739 : vector<128x1xf32> to vector<128x2176xf32>
    %mul3A_741 = vector.broadcast %get3A_704 : vector<1x2176xf32> to vector<128x2176xf32>
    %mul3A_742 = arith.mulf %mul3A_740, %mul3A_741 : vector<128x2176xf32>
    %add3A_743 = arith.addf %mul3A_738, %mul3A_742 : vector<128x2176xf32>
    %add3A_744 = vector.broadcast %dot_general3A_32 : vector<128x1xf32> to vector<128x2176xf32>
    %add3A_745 = arith.addf %add3A_743, %add3A_744 : vector<128x2176xf32>
    %slice3A_746 = vector.extract_strided_slice %add3A_723 {offsets = [0, 2048], sizes = [128, 1], strides = [1, 1]} : vector<128x2176xf32> to vector<128x1xf32>
    %dot_general3A_747 = arith.constant dense<0.000000e+00> : vector<128x1xf32>
    %dot_general3A_748 = tpu.matmul %add3A, %slice3A_746, %dot_general3A_747 {dimension_numbers = #tpu.dot_dimension_numbers<[1], [0], [0], [1], [0, 0, 1, 1], [], []>, precision = #tpu.contract_precision<fp32>, transpose_lhs_hint = false} : vector<128x128xf32>, vector<128x1xf32>, vector<128x1xf32> -> vector<128x1xf32>
    %slice3A_749 = vector.extract_strided_slice %add3A_734 {offsets = [0, 0], sizes = [128, 2048], strides = [1, 1]} : vector<128x2176xf32> to vector<128x2048xf32>
    %exp3A_750 = math.exp %slice3A_749 : vector<128x2048xf32>
    %slice3A_751 = vector.extract_strided_slice %add3A_745 {offsets = [0, 0], sizes = [128, 2048], strides = [1, 1]} : vector<128x2176xf32> to vector<128x2048xf32>
    %mul3A_752 = arith.mulf %exp3A_750, %slice3A_751 : vector<128x2048xf32>
    %mul3A_753 = arith.mulf %get3A_19, %get3A_22 : vector<1x1xf32>
    %mul3A_754 = vector.broadcast %mul3A_753 : vector<1x1xf32> to vector<1x2048xf32>
    %mul3A_755 = arith.mulf %mul3A_754, %get3A_709 : vector<1x2048xf32>
    %sub3A_756 = arith.subf %get3A_714, %mul3A_755 : vector<1x2048xf32>
    %exp3A_757 = math.exp %sub3A_756 : vector<1x2048xf32>
    %dot_general3A_758 = arith.constant dense<0.000000e+00> : vector<128x1xf32>
    %dot_general3A_759 = tpu.matmul %mul3A_752, %exp3A_757, %dot_general3A_758 {dimension_numbers = #tpu.dot_dimension_numbers<[1], [1], [0], [0], [0, 0, 1, 0], [], []>, precision = #tpu.contract_precision<fp32>, transpose_lhs_hint = false} : vector<128x2048xf32>, vector<1x2048xf32>, vector<128x1xf32> -> vector<128x1xf32>
    %dot_general3A_760 = arith.constant dense<0.000000e+00> : vector<128x1xf32>
    %dot_general3A_761 = tpu.matmul %exp3A_750, %exp3A_757, %dot_general3A_760 {dimension_numbers = #tpu.dot_dimension_numbers<[1], [1], [0], [0], [0, 0, 1, 0], [], []>, precision = #tpu.contract_precision<fp32>, transpose_lhs_hint = false} : vector<128x2048xf32>, vector<1x2048xf32>, vector<128x1xf32> -> vector<128x1xf32>
    %logistic3A_762 = arith.negf %dot_general3A_748 : vector<128x1xf32>
    %logistic3A_763 = math.exp %logistic3A_762 : vector<128x1xf32>
    %logistic3A_764 = arith.constant 1.000000e+00 : f32
    %logistic3A_765 = vector.broadcast %logistic3A_764 : f32 to vector<128x1xf32>
    %logistic3A_766 = arith.addf %logistic3A_765, %logistic3A_763 : vector<128x1xf32>
    %logistic3A_767 = arith.divf %logistic3A_765, %logistic3A_766 : vector<128x1xf32>
    %mul3A_768 = arith.mulf %logistic3A_767, %dot_general3A_759 : vector<128x1xf32>
    %div3A_769 = arith.divf %mul3A_768, %dot_general3A_761 : vector<128x1xf32>
    %slice3A_770 = vector.extract_strided_slice %add3A_723 {offsets = [0, 0], sizes = [128, 2048], strides = [1, 1]} : vector<128x2176xf32> to vector<128x2048xf32>
    %dot_general3A_771 = arith.constant dense<0.000000e+00> : vector<1x2048xf32>
    %dot_general3A_772 = tpu.matmul %div3A_769, %slice3A_770, %dot_general3A_771 {dimension_numbers = #tpu.dot_dimension_numbers<[0], [0], [1], [1], [0, 1, 1, 1], [], []>, precision = #tpu.contract_precision<fp32>, transpose_lhs_hint = false} : vector<128x1xf32>, vector<128x2048xf32>, vector<1x2048xf32> -> vector<1x2048xf32>
    %mul3A_773 = arith.constant 0.0883883461 : f32
    %mul3A_774 = vector.broadcast %mul3A_773 : f32 to vector<1x2048xf32>
    %mul3A_775 = arith.mulf %dot_general3A_772, %mul3A_774 : vector<1x2048xf32>
    %mul3A_776 = arith.mulf %get3A_19, %get3A_25 : vector<1x1xf32>
    %mul3A_777 = vector.broadcast %mul3A_776 : vector<1x1xf32> to vector<1x2048xf32>
    %mul3A_778 = arith.mulf %mul3A_777, %get3A_709 : vector<1x2048xf32>
    %sub3A_779 = arith.subf %mul3A_775, %mul3A_778 : vector<1x2048xf32>
    %tanh3A_780 = math.tanh %sub3A_779 : vector<1x2048xf32>
    %mul3A_781 = arith.constant 1.000000e+01 : f32
    %mul3A_782 = vector.broadcast %mul3A_781 : f32 to vector<1x2048xf32>
    %mul3A_783 = arith.mulf %mul3A_782, %tanh3A_780 : vector<1x2048xf32>
    %add3A_784 = arith.addf %mul3A_783, %get3A_714 : vector<1x2048xf32>
    %reduce_max3A_785 = arith.constant dense<0xFF800000> : vector<1xf32>
    %reduce_max3A_786 = vector.multi_reduction <maximumf>, %add3A_784, %reduce_max3A_785 [1] : vector<1x2048xf32> to vector<1xf32>
    %broadcast_in_dim3A_787 = vector.shape_cast %reduce_max3A_786 : vector<1xf32> to vector<1x1xf32>
    %sub3A_788 = vector.broadcast %broadcast_in_dim3A_787 : vector<1x1xf32> to vector<1x2048xf32>
    %sub3A_789 = arith.subf %add3A_784, %sub3A_788 : vector<1x2048xf32>
    %exp3A_790 = math.exp %sub3A_789 : vector<1x2048xf32>
    %reduce_sum3A_791 = arith.constant dense<0.000000e+00> : vector<1xf32>
    %reduce_sum3A_792 = vector.multi_reduction <add>, %exp3A_790, %reduce_sum3A_791 [1] : vector<1x2048xf32> to vector<1xf32>
    %broadcast_in_dim3A_793 = vector.shape_cast %reduce_sum3A_792 : vector<1xf32> to vector<1x1xf32>
    %div3A_794 = vector.broadcast %broadcast_in_dim3A_793 : vector<1x1xf32> to vector<1x2048xf32>
    %div3A_795 = arith.divf %exp3A_790, %div3A_794 : vector<1x2048xf32>
    %swap3A_796 = arith.constant 5 : index
    %swap3A_797 = arith.constant 0 : index
    %swap3A_798 = arith.constant 0 : index
    %swap3A_799 = vector.load %arg15[%swap3A_796, %swap3A_797, %swap3A_798] : memref<16x1x2048xf32, #tpu.memory_space<vmem>>, vector<1x1x2048xf32>
    %swap3A_800 = vector.shape_cast %swap3A_799 : vector<1x1x2048xf32> to vector<1x2048xf32>
    %swap3A_801 = vector.shape_cast %div3A_795 : vector<1x2048xf32> to vector<1x1x2048xf32>
    tpu.vector_store %arg15[%swap3A_796, %swap3A_797, %swap3A_798], %swap3A_801 {strides = array<i32>} : memref<16x1x2048xf32, #tpu.memory_space<vmem>>, vector<1x1x2048xf32>,
    %reduce_max3A_802 = arith.constant dense<0xFF800000> : vector<1xf32>
    %reduce_max3A_803 = vector.multi_reduction <maximumf>, %div3A_795, %reduce_max3A_802 [1] : vector<1x2048xf32> to vector<1xf32>
    %broadcast_in_dim3A_804 = vector.shape_cast %reduce_max3A_803 : vector<1xf32> to vector<1x1xf32>
    %get3A_805 = arith.constant 5 : index
    %get3A_806 = arith.constant 0 : index
    %get3A_807 = arith.constant 0 : index
    %get3A_808 = vector.load %arg5[%get3A_805, %get3A_806, %get3A_807] : memref<16x1x2048xi32, #tpu.memory_space<vmem>>, vector<1x1x2048xi32>
    %get3A_809 = vector.shape_cast %get3A_808 : vector<1x1x2048xi32> to vector<1x2048xi32>
    %eq3A_810 = vector.broadcast %broadcast_in_dim3A_804 : vector<1x1xf32> to vector<1x2048xf32>
    %eq3A_811 = arith.cmpf oeq, %div3A_795, %eq3A_810 : vector<1x2048xf32>
    %jit3A_812 = arith.constant 2147483647 : i32
    %broadcast_in_dim3A_813 = vector.broadcast %jit3A_812 : i32 to vector<1x2048xi32>
    %select_n3A_814 = arith.select %eq3A_811, %get3A_809, %broadcast_in_dim3A_813 : vector<1x2048xi1>, vector<1x2048xi32>
    %reduce_min3A_815 = arith.constant dense<2147483647> : vector<1xi32>
    %reduce_min3A_816 = vector.multi_reduction <minsi>, %select_n3A_814, %reduce_min3A_815 [1] : vector<1x2048xi32> to vector<1xi32>
    %broadcast_in_dim3A_817 = vector.shape_cast %reduce_min3A_816 : vector<1xi32> to vector<1x1xi32>
    %swap3A_818 = arith.constant 5 : index
    %swap3A_819 = arith.constant 0 : index
    %swap3A_820 = arith.constant 0 : index
    %swap3A_821 = vector.load %arg16[%swap3A_818, %swap3A_819, %swap3A_820] : memref<16x1x1xi32, #tpu.memory_space<vmem>>, vector<1x1x1xi32>
    %swap3A_822 = vector.shape_cast %swap3A_821 : vector<1x1x1xi32> to vector<1x1xi32>
    %swap3A_823 = vector.shape_cast %broadcast_in_dim3A_817 : vector<1x1xi32> to vector<1x1x1xi32>
    tpu.vector_store %arg16[%swap3A_818, %swap3A_819, %swap3A_820], %swap3A_823 {strides = array<i32>} : memref<16x1x1xi32, #tpu.memory_space<vmem>>, vector<1x1x1xi32>,
    %swap3A_824 = arith.constant 5 : index
    %swap3A_825 = arith.constant 0 : index
    %swap3A_826 = arith.constant 0 : index
    %swap3A_827 = vector.load %arg17[%swap3A_824, %swap3A_825, %swap3A_826] : memref<16x1x1xf32, #tpu.memory_space<vmem>>, vector<1x1x1xf32>
    %swap3A_828 = vector.shape_cast %swap3A_827 : vector<1x1x1xf32> to vector<1x1xf32>
    %swap3A_829 = vector.shape_cast %broadcast_in_dim3A_804 : vector<1x1xf32> to vector<1x1x1xf32>
    tpu.vector_store %arg17[%swap3A_824, %swap3A_825, %swap3A_826], %swap3A_829 {strides = array<i32>} : memref<16x1x1xf32, #tpu.memory_space<vmem>>, vector<1x1x1xf32>,
    %get3A_830 = arith.constant 6 : index
    %get3A_831 = arith.constant 0 : index
    %get3A_832 = arith.constant 0 : index
    %get3A_833 = vector.load %arg1[%get3A_830, %get3A_831, %get3A_832] : memref<16x1x2176xf32, #tpu.memory_space<vmem>>, vector<1x1x2176xf32>
    %get3A_834 = vector.shape_cast %get3A_833 : vector<1x1x2176xf32> to vector<1x2176xf32>
    %get3A_835 = arith.constant 6 : index
    %get3A_836 = arith.constant 0 : index
    %get3A_837 = arith.constant 0 : index
    %get3A_838 = vector.load %arg2[%get3A_835, %get3A_836, %get3A_837] : memref<16x1x2176xf32, #tpu.memory_space<vmem>>, vector<1x1x2176xf32>
    %get3A_839 = vector.shape_cast %get3A_838 : vector<1x1x2176xf32> to vector<1x2176xf32>
    %get3A_840 = arith.constant 6 : index
    %get3A_841 = arith.constant 0 : index
    %get3A_842 = arith.constant 0 : index
    %get3A_843 = vector.load %arg3[%get3A_840, %get3A_841, %get3A_842] : memref<16x1x2048xf32, #tpu.memory_space<vmem>>, vector<1x1x2048xf32>
    %get3A_844 = vector.shape_cast %get3A_843 : vector<1x1x2048xf32> to vector<1x2048xf32>
    %get3A_845 = arith.constant 6 : index
    %get3A_846 = arith.constant 0 : index
    %get3A_847 = arith.constant 0 : index
    %get3A_848 = vector.load %arg4[%get3A_845, %get3A_846, %get3A_847] : memref<16x1x2048xf32, #tpu.memory_space<vmem>>, vector<1x1x2048xf32>
    %get3A_849 = vector.shape_cast %get3A_848 : vector<1x1x2048xf32> to vector<1x2048xf32>
    %mul3A_850 = vector.broadcast %slice3A : vector<128x1xf32> to vector<128x2176xf32>
    %mul3A_851 = vector.broadcast %get3A_834 : vector<1x2176xf32> to vector<128x2176xf32>
    %mul3A_852 = arith.mulf %mul3A_850, %mul3A_851 : vector<128x2176xf32>
    %mul3A_853 = vector.broadcast %slice3A_33 : vector<128x1xf32> to vector<128x2176xf32>
    %mul3A_854 = vector.broadcast %get3A_839 : vector<1x2176xf32> to vector<128x2176xf32>
    %mul3A_855 = arith.mulf %mul3A_853, %mul3A_854 : vector<128x2176xf32>
    %add3A_856 = arith.addf %mul3A_852, %mul3A_855 : vector<128x2176xf32>
    %add3A_857 = vector.broadcast %get3A_4 : vector<128x1xf32> to vector<128x2176xf32>
    %add3A_858 = arith.addf %add3A_856, %add3A_857 : vector<128x2176xf32>
    %slice3A_859 = vector.extract_strided_slice %dot_general3A_26 {offsets = [0, 0], sizes = [128, 1], strides = [1, 1]} : vector<128x2xf32> to vector<128x1xf32>
    %mul3A_860 = vector.broadcast %slice3A_859 : vector<128x1xf32> to vector<128x2176xf32>
    %mul3A_861 = vector.broadcast %get3A_834 : vector<1x2176xf32> to vector<128x2176xf32>
    %mul3A_862 = arith.mulf %mul3A_860, %mul3A_861 : vector<128x2176xf32>
    %slice3A_863 = vector.extract_strided_slice %dot_general3A_26 {offsets = [0, 1], sizes = [128, 1], strides = [1, 1]} : vector<128x2xf32> to vector<128x1xf32>
    %mul3A_864 = vector.broadcast %slice3A_863 : vector<128x1xf32> to vector<128x2176xf32>
    %mul3A_865 = vector.broadcast %get3A_839 : vector<1x2176xf32> to vector<128x2176xf32>
    %mul3A_866 = arith.mulf %mul3A_864, %mul3A_865 : vector<128x2176xf32>
    %add3A_867 = arith.addf %mul3A_862, %mul3A_866 : vector<128x2176xf32>
    %add3A_868 = vector.broadcast %dot_general3A_28 : vector<128x1xf32> to vector<128x2176xf32>
    %add3A_869 = arith.addf %add3A_867, %add3A_868 : vector<128x2176xf32>
    %slice3A_870 = vector.extract_strided_slice %dot_general3A_30 {offsets = [0, 0], sizes = [128, 1], strides = [1, 1]} : vector<128x2xf32> to vector<128x1xf32>
    %mul3A_871 = vector.broadcast %slice3A_870 : vector<128x1xf32> to vector<128x2176xf32>
    %mul3A_872 = vector.broadcast %get3A_834 : vector<1x2176xf32> to vector<128x2176xf32>
    %mul3A_873 = arith.mulf %mul3A_871, %mul3A_872 : vector<128x2176xf32>
    %slice3A_874 = vector.extract_strided_slice %dot_general3A_30 {offsets = [0, 1], sizes = [128, 1], strides = [1, 1]} : vector<128x2xf32> to vector<128x1xf32>
    %mul3A_875 = vector.broadcast %slice3A_874 : vector<128x1xf32> to vector<128x2176xf32>
    %mul3A_876 = vector.broadcast %get3A_839 : vector<1x2176xf32> to vector<128x2176xf32>
    %mul3A_877 = arith.mulf %mul3A_875, %mul3A_876 : vector<128x2176xf32>
    %add3A_878 = arith.addf %mul3A_873, %mul3A_877 : vector<128x2176xf32>
    %add3A_879 = vector.broadcast %dot_general3A_32 : vector<128x1xf32> to vector<128x2176xf32>
    %add3A_880 = arith.addf %add3A_878, %add3A_879 : vector<128x2176xf32>
    %slice3A_881 = vector.extract_strided_slice %add3A_858 {offsets = [0, 2048], sizes = [128, 1], strides = [1, 1]} : vector<128x2176xf32> to vector<128x1xf32>
    %dot_general3A_882 = arith.constant dense<0.000000e+00> : vector<128x1xf32>
    %dot_general3A_883 = tpu.matmul %add3A, %slice3A_881, %dot_general3A_882 {dimension_numbers = #tpu.dot_dimension_numbers<[1], [0], [0], [1], [0, 0, 1, 1], [], []>, precision = #tpu.contract_precision<fp32>, transpose_lhs_hint = false} : vector<128x128xf32>, vector<128x1xf32>, vector<128x1xf32> -> vector<128x1xf32>
    %slice3A_884 = vector.extract_strided_slice %add3A_869 {offsets = [0, 0], sizes = [128, 2048], strides = [1, 1]} : vector<128x2176xf32> to vector<128x2048xf32>
    %exp3A_885 = math.exp %slice3A_884 : vector<128x2048xf32>
    %slice3A_886 = vector.extract_strided_slice %add3A_880 {offsets = [0, 0], sizes = [128, 2048], strides = [1, 1]} : vector<128x2176xf32> to vector<128x2048xf32>
    %mul3A_887 = arith.mulf %exp3A_885, %slice3A_886 : vector<128x2048xf32>
    %mul3A_888 = arith.mulf %get3A_19, %get3A_22 : vector<1x1xf32>
    %mul3A_889 = vector.broadcast %mul3A_888 : vector<1x1xf32> to vector<1x2048xf32>
    %mul3A_890 = arith.mulf %mul3A_889, %get3A_844 : vector<1x2048xf32>
    %sub3A_891 = arith.subf %get3A_849, %mul3A_890 : vector<1x2048xf32>
    %exp3A_892 = math.exp %sub3A_891 : vector<1x2048xf32>
    %dot_general3A_893 = arith.constant dense<0.000000e+00> : vector<128x1xf32>
    %dot_general3A_894 = tpu.matmul %mul3A_887, %exp3A_892, %dot_general3A_893 {dimension_numbers = #tpu.dot_dimension_numbers<[1], [1], [0], [0], [0, 0, 1, 0], [], []>, precision = #tpu.contract_precision<fp32>, transpose_lhs_hint = false} : vector<128x2048xf32>, vector<1x2048xf32>, vector<128x1xf32> -> vector<128x1xf32>
    %dot_general3A_895 = arith.constant dense<0.000000e+00> : vector<128x1xf32>
    %dot_general3A_896 = tpu.matmul %exp3A_885, %exp3A_892, %dot_general3A_895 {dimension_numbers = #tpu.dot_dimension_numbers<[1], [1], [0], [0], [0, 0, 1, 0], [], []>, precision = #tpu.contract_precision<fp32>, transpose_lhs_hint = false} : vector<128x2048xf32>, vector<1x2048xf32>, vector<128x1xf32> -> vector<128x1xf32>
    %logistic3A_897 = arith.negf %dot_general3A_883 : vector<128x1xf32>
    %logistic3A_898 = math.exp %logistic3A_897 : vector<128x1xf32>
    %logistic3A_899 = arith.constant 1.000000e+00 : f32
    %logistic3A_900 = vector.broadcast %logistic3A_899 : f32 to vector<128x1xf32>
    %logistic3A_901 = arith.addf %logistic3A_900, %logistic3A_898 : vector<128x1xf32>
    %logistic3A_902 = arith.divf %logistic3A_900, %logistic3A_901 : vector<128x1xf32>
    %mul3A_903 = arith.mulf %logistic3A_902, %dot_general3A_894 : vector<128x1xf32>
    %div3A_904 = arith.divf %mul3A_903, %dot_general3A_896 : vector<128x1xf32>
    %slice3A_905 = vector.extract_strided_slice %add3A_858 {offsets = [0, 0], sizes = [128, 2048], strides = [1, 1]} : vector<128x2176xf32> to vector<128x2048xf32>
    %dot_general3A_906 = arith.constant dense<0.000000e+00> : vector<1x2048xf32>
    %dot_general3A_907 = tpu.matmul %div3A_904, %slice3A_905, %dot_general3A_906 {dimension_numbers = #tpu.dot_dimension_numbers<[0], [0], [1], [1], [0, 1, 1, 1], [], []>, precision = #tpu.contract_precision<fp32>, transpose_lhs_hint = false} : vector<128x1xf32>, vector<128x2048xf32>, vector<1x2048xf32> -> vector<1x2048xf32>
    %mul3A_908 = arith.constant 0.0883883461 : f32
    %mul3A_909 = vector.broadcast %mul3A_908 : f32 to vector<1x2048xf32>
    %mul3A_910 = arith.mulf %dot_general3A_907, %mul3A_909 : vector<1x2048xf32>
    %mul3A_911 = arith.mulf %get3A_19, %get3A_25 : vector<1x1xf32>
    %mul3A_912 = vector.broadcast %mul3A_911 : vector<1x1xf32> to vector<1x2048xf32>
    %mul3A_913 = arith.mulf %mul3A_912, %get3A_844 : vector<1x2048xf32>
    %sub3A_914 = arith.subf %mul3A_910, %mul3A_913 : vector<1x2048xf32>
    %tanh3A_915 = math.tanh %sub3A_914 : vector<1x2048xf32>
    %mul3A_916 = arith.constant 1.000000e+01 : f32
    %mul3A_917 = vector.broadcast %mul3A_916 : f32 to vector<1x2048xf32>
    %mul3A_918 = arith.mulf %mul3A_917, %tanh3A_915 : vector<1x2048xf32>
    %add3A_919 = arith.addf %mul3A_918, %get3A_849 : vector<1x2048xf32>
    %reduce_max3A_920 = arith.constant dense<0xFF800000> : vector<1xf32>
    %reduce_max3A_921 = vector.multi_reduction <maximumf>, %add3A_919, %reduce_max3A_920 [1] : vector<1x2048xf32> to vector<1xf32>
    %broadcast_in_dim3A_922 = vector.shape_cast %reduce_max3A_921 : vector<1xf32> to vector<1x1xf32>
    %sub3A_923 = vector.broadcast %broadcast_in_dim3A_922 : vector<1x1xf32> to vector<1x2048xf32>
    %sub3A_924 = arith.subf %add3A_919, %sub3A_923 : vector<1x2048xf32>
    %exp3A_925 = math.exp %sub3A_924 : vector<1x2048xf32>
    %reduce_sum3A_926 = arith.constant dense<0.000000e+00> : vector<1xf32>
    %reduce_sum3A_927 = vector.multi_reduction <add>, %exp3A_925, %reduce_sum3A_926 [1] : vector<1x2048xf32> to vector<1xf32>
    %broadcast_in_dim3A_928 = vector.shape_cast %reduce_sum3A_927 : vector<1xf32> to vector<1x1xf32>
    %div3A_929 = vector.broadcast %broadcast_in_dim3A_928 : vector<1x1xf32> to vector<1x2048xf32>
    %div3A_930 = arith.divf %exp3A_925, %div3A_929 : vector<1x2048xf32>
    %swap3A_931 = arith.constant 6 : index
    %swap3A_932 = arith.constant 0 : index
    %swap3A_933 = arith.constant 0 : index
    %swap3A_934 = vector.load %arg15[%swap3A_931, %swap3A_932, %swap3A_933] : memref<16x1x2048xf32, #tpu.memory_space<vmem>>, vector<1x1x2048xf32>
    %swap3A_935 = vector.shape_cast %swap3A_934 : vector<1x1x2048xf32> to vector<1x2048xf32>
    %swap3A_936 = vector.shape_cast %div3A_930 : vector<1x2048xf32> to vector<1x1x2048xf32>
    tpu.vector_store %arg15[%swap3A_931, %swap3A_932, %swap3A_933], %swap3A_936 {strides = array<i32>} : memref<16x1x2048xf32, #tpu.memory_space<vmem>>, vector<1x1x2048xf32>,
    %reduce_max3A_937 = arith.constant dense<0xFF800000> : vector<1xf32>
    %reduce_max3A_938 = vector.multi_reduction <maximumf>, %div3A_930, %reduce_max3A_937 [1] : vector<1x2048xf32> to vector<1xf32>
    %broadcast_in_dim3A_939 = vector.shape_cast %reduce_max3A_938 : vector<1xf32> to vector<1x1xf32>
    %get3A_940 = arith.constant 6 : index
    %get3A_941 = arith.constant 0 : index
    %get3A_942 = arith.constant 0 : index
    %get3A_943 = vector.load %arg5[%get3A_940, %get3A_941, %get3A_942] : memref<16x1x2048xi32, #tpu.memory_space<vmem>>, vector<1x1x2048xi32>
    %get3A_944 = vector.shape_cast %get3A_943 : vector<1x1x2048xi32> to vector<1x2048xi32>
    %eq3A_945 = vector.broadcast %broadcast_in_dim3A_939 : vector<1x1xf32> to vector<1x2048xf32>
    %eq3A_946 = arith.cmpf oeq, %div3A_930, %eq3A_945 : vector<1x2048xf32>
    %jit3A_947 = arith.constant 2147483647 : i32
    %broadcast_in_dim3A_948 = vector.broadcast %jit3A_947 : i32 to vector<1x2048xi32>
    %select_n3A_949 = arith.select %eq3A_946, %get3A_944, %broadcast_in_dim3A_948 : vector<1x2048xi1>, vector<1x2048xi32>
    %reduce_min3A_950 = arith.constant dense<2147483647> : vector<1xi32>
    %reduce_min3A_951 = vector.multi_reduction <minsi>, %select_n3A_949, %reduce_min3A_950 [1] : vector<1x2048xi32> to vector<1xi32>
    %broadcast_in_dim3A_952 = vector.shape_cast %reduce_min3A_951 : vector<1xi32> to vector<1x1xi32>
    %swap3A_953 = arith.constant 6 : index
    %swap3A_954 = arith.constant 0 : index
    %swap3A_955 = arith.constant 0 : index
    %swap3A_956 = vector.load %arg16[%swap3A_953, %swap3A_954, %swap3A_955] : memref<16x1x1xi32, #tpu.memory_space<vmem>>, vector<1x1x1xi32>
    %swap3A_957 = vector.shape_cast %swap3A_956 : vector<1x1x1xi32> to vector<1x1xi32>
    %swap3A_958 = vector.shape_cast %broadcast_in_dim3A_952 : vector<1x1xi32> to vector<1x1x1xi32>
    tpu.vector_store %arg16[%swap3A_953, %swap3A_954, %swap3A_955], %swap3A_958 {strides = array<i32>} : memref<16x1x1xi32, #tpu.memory_space<vmem>>, vector<1x1x1xi32>,
    %swap3A_959 = arith.constant 6 : index
    %swap3A_960 = arith.constant 0 : index
    %swap3A_961 = arith.constant 0 : index
    %swap3A_962 = vector.load %arg17[%swap3A_959, %swap3A_960, %swap3A_961] : memref<16x1x1xf32, #tpu.memory_space<vmem>>, vector<1x1x1xf32>
    %swap3A_963 = vector.shape_cast %swap3A_962 : vector<1x1x1xf32> to vector<1x1xf32>
    %swap3A_964 = vector.shape_cast %broadcast_in_dim3A_939 : vector<1x1xf32> to vector<1x1x1xf32>
    tpu.vector_store %arg17[%swap3A_959, %swap3A_960, %swap3A_961], %swap3A_964 {strides = array<i32>} : memref<16x1x1xf32, #tpu.memory_space<vmem>>, vector<1x1x1xf32>,
    %get3A_965 = arith.constant 7 : index
    %get3A_966 = arith.constant 0 : index
    %get3A_967 = arith.constant 0 : index
    %get3A_968 = vector.load %arg1[%get3A_965, %get3A_966, %get3A_967] : memref<16x1x2176xf32, #tpu.memory_space<vmem>>, vector<1x1x2176xf32>
    %get3A_969 = vector.shape_cast %get3A_968 : vector<1x1x2176xf32> to vector<1x2176xf32>
    %get3A_970 = arith.constant 7 : index
    %get3A_971 = arith.constant 0 : index
    %get3A_972 = arith.constant 0 : index
    %get3A_973 = vector.load %arg2[%get3A_970, %get3A_971, %get3A_972] : memref<16x1x2176xf32, #tpu.memory_space<vmem>>, vector<1x1x2176xf32>
    %get3A_974 = vector.shape_cast %get3A_973 : vector<1x1x2176xf32> to vector<1x2176xf32>
    %get3A_975 = arith.constant 7 : index
    %get3A_976 = arith.constant 0 : index
    %get3A_977 = arith.constant 0 : index
    %get3A_978 = vector.load %arg3[%get3A_975, %get3A_976, %get3A_977] : memref<16x1x2048xf32, #tpu.memory_space<vmem>>, vector<1x1x2048xf32>
    %get3A_979 = vector.shape_cast %get3A_978 : vector<1x1x2048xf32> to vector<1x2048xf32>
    %get3A_980 = arith.constant 7 : index
    %get3A_981 = arith.constant 0 : index
    %get3A_982 = arith.constant 0 : index
    %get3A_983 = vector.load %arg4[%get3A_980, %get3A_981, %get3A_982] : memref<16x1x2048xf32, #tpu.memory_space<vmem>>, vector<1x1x2048xf32>
    %get3A_984 = vector.shape_cast %get3A_983 : vector<1x1x2048xf32> to vector<1x2048xf32>
    %mul3A_985 = vector.broadcast %slice3A : vector<128x1xf32> to vector<128x2176xf32>
    %mul3A_986 = vector.broadcast %get3A_969 : vector<1x2176xf32> to vector<128x2176xf32>
    %mul3A_987 = arith.mulf %mul3A_985, %mul3A_986 : vector<128x2176xf32>
    %mul3A_988 = vector.broadcast %slice3A_33 : vector<128x1xf32> to vector<128x2176xf32>
    %mul3A_989 = vector.broadcast %get3A_974 : vector<1x2176xf32> to vector<128x2176xf32>
    %mul3A_990 = arith.mulf %mul3A_988, %mul3A_989 : vector<128x2176xf32>
    %add3A_991 = arith.addf %mul3A_987, %mul3A_990 : vector<128x2176xf32>
    %add3A_992 = vector.broadcast %get3A_4 : vector<128x1xf32> to vector<128x2176xf32>
    %add3A_993 = arith.addf %add3A_991, %add3A_992 : vector<128x2176xf32>
    %slice3A_994 = vector.extract_strided_slice %dot_general3A_26 {offsets = [0, 0], sizes = [128, 1], strides = [1, 1]} : vector<128x2xf32> to vector<128x1xf32>
    %mul3A_995 = vector.broadcast %slice3A_994 : vector<128x1xf32> to vector<128x2176xf32>
    %mul3A_996 = vector.broadcast %get3A_969 : vector<1x2176xf32> to vector<128x2176xf32>
    %mul3A_997 = arith.mulf %mul3A_995, %mul3A_996 : vector<128x2176xf32>
    %slice3A_998 = vector.extract_strided_slice %dot_general3A_26 {offsets = [0, 1], sizes = [128, 1], strides = [1, 1]} : vector<128x2xf32> to vector<128x1xf32>
    %mul3A_999 = vector.broadcast %slice3A_998 : vector<128x1xf32> to vector<128x2176xf32>
    %mul3A_1000 = vector.broadcast %get3A_974 : vector<1x2176xf32> to vector<128x2176xf32>
    %mul3A_1001 = arith.mulf %mul3A_999, %mul3A_1000 : vector<128x2176xf32>
    %add3A_1002 = arith.addf %mul3A_997, %mul3A_1001 : vector<128x2176xf32>
    %add3A_1003 = vector.broadcast %dot_general3A_28 : vector<128x1xf32> to vector<128x2176xf32>
    %add3A_1004 = arith.addf %add3A_1002, %add3A_1003 : vector<128x2176xf32>
    %slice3A_1005 = vector.extract_strided_slice %dot_general3A_30 {offsets = [0, 0], sizes = [128, 1], strides = [1, 1]} : vector<128x2xf32> to vector<128x1xf32>
    %mul3A_1006 = vector.broadcast %slice3A_1005 : vector<128x1xf32> to vector<128x2176xf32>
    %mul3A_1007 = vector.broadcast %get3A_969 : vector<1x2176xf32> to vector<128x2176xf32>
    %mul3A_1008 = arith.mulf %mul3A_1006, %mul3A_1007 : vector<128x2176xf32>
    %slice3A_1009 = vector.extract_strided_slice %dot_general3A_30 {offsets = [0, 1], sizes = [128, 1], strides = [1, 1]} : vector<128x2xf32> to vector<128x1xf32>
    %mul3A_1010 = vector.broadcast %slice3A_1009 : vector<128x1xf32> to vector<128x2176xf32>
    %mul3A_1011 = vector.broadcast %get3A_974 : vector<1x2176xf32> to vector<128x2176xf32>
    %mul3A_1012 = arith.mulf %mul3A_1010, %mul3A_1011 : vector<128x2176xf32>
    %add3A_1013 = arith.addf %mul3A_1008, %mul3A_1012 : vector<128x2176xf32>
    %add3A_1014 = vector.broadcast %dot_general3A_32 : vector<128x1xf32> to vector<128x2176xf32>
    %add3A_1015 = arith.addf %add3A_1013, %add3A_1014 : vector<128x2176xf32>
    %slice3A_1016 = vector.extract_strided_slice %add3A_993 {offsets = [0, 2048], sizes = [128, 1], strides = [1, 1]} : vector<128x2176xf32> to vector<128x1xf32>
    %dot_general3A_1017 = arith.constant dense<0.000000e+00> : vector<128x1xf32>
    %dot_general3A_1018 = tpu.matmul %add3A, %slice3A_1016, %dot_general3A_1017 {dimension_numbers = #tpu.dot_dimension_numbers<[1], [0], [0], [1], [0, 0, 1, 1], [], []>, precision = #tpu.contract_precision<fp32>, transpose_lhs_hint = false} : vector<128x128xf32>, vector<128x1xf32>, vector<128x1xf32> -> vector<128x1xf32>
    %slice3A_1019 = vector.extract_strided_slice %add3A_1004 {offsets = [0, 0], sizes = [128, 2048], strides = [1, 1]} : vector<128x2176xf32> to vector<128x2048xf32>
    %exp3A_1020 = math.exp %slice3A_1019 : vector<128x2048xf32>
    %slice3A_1021 = vector.extract_strided_slice %add3A_1015 {offsets = [0, 0], sizes = [128, 2048], strides = [1, 1]} : vector<128x2176xf32> to vector<128x2048xf32>
    %mul3A_1022 = arith.mulf %exp3A_1020, %slice3A_1021 : vector<128x2048xf32>
    %mul3A_1023 = arith.mulf %get3A_19, %get3A_22 : vector<1x1xf32>
    %mul3A_1024 = vector.broadcast %mul3A_1023 : vector<1x1xf32> to vector<1x2048xf32>
    %mul3A_1025 = arith.mulf %mul3A_1024, %get3A_979 : vector<1x2048xf32>
    %sub3A_1026 = arith.subf %get3A_984, %mul3A_1025 : vector<1x2048xf32>
    %exp3A_1027 = math.exp %sub3A_1026 : vector<1x2048xf32>
    %dot_general3A_1028 = arith.constant dense<0.000000e+00> : vector<128x1xf32>
    %dot_general3A_1029 = tpu.matmul %mul3A_1022, %exp3A_1027, %dot_general3A_1028 {dimension_numbers = #tpu.dot_dimension_numbers<[1], [1], [0], [0], [0, 0, 1, 0], [], []>, precision = #tpu.contract_precision<fp32>, transpose_lhs_hint = false} : vector<128x2048xf32>, vector<1x2048xf32>, vector<128x1xf32> -> vector<128x1xf32>
    %dot_general3A_1030 = arith.constant dense<0.000000e+00> : vector<128x1xf32>
    %dot_general3A_1031 = tpu.matmul %exp3A_1020, %exp3A_1027, %dot_general3A_1030 {dimension_numbers = #tpu.dot_dimension_numbers<[1], [1], [0], [0], [0, 0, 1, 0], [], []>, precision = #tpu.contract_precision<fp32>, transpose_lhs_hint = false} : vector<128x2048xf32>, vector<1x2048xf32>, vector<128x1xf32> -> vector<128x1xf32>
    %logistic3A_1032 = arith.negf %dot_general3A_1018 : vector<128x1xf32>
    %logistic3A_1033 = math.exp %logistic3A_1032 : vector<128x1xf32>
    %logistic3A_1034 = arith.constant 1.000000e+00 : f32
    %logistic3A_1035 = vector.broadcast %logistic3A_1034 : f32 to vector<128x1xf32>
    %logistic3A_1036 = arith.addf %logistic3A_1035, %logistic3A_1033 : vector<128x1xf32>
    %logistic3A_1037 = arith.divf %logistic3A_1035, %logistic3A_1036 : vector<128x1xf32>
    %mul3A_1038 = arith.mulf %logistic3A_1037, %dot_general3A_1029 : vector<128x1xf32>
    %div3A_1039 = arith.divf %mul3A_1038, %dot_general3A_1031 : vector<128x1xf32>
    %slice3A_1040 = vector.extract_strided_slice %add3A_993 {offsets = [0, 0], sizes = [128, 2048], strides = [1, 1]} : vector<128x2176xf32> to vector<128x2048xf32>
    %dot_general3A_1041 = arith.constant dense<0.000000e+00> : vector<1x2048xf32>
    %dot_general3A_1042 = tpu.matmul %div3A_1039, %slice3A_1040, %dot_general3A_1041 {dimension_numbers = #tpu.dot_dimension_numbers<[0], [0], [1], [1], [0, 1, 1, 1], [], []>, precision = #tpu.contract_precision<fp32>, transpose_lhs_hint = false} : vector<128x1xf32>, vector<128x2048xf32>, vector<1x2048xf32> -> vector<1x2048xf32>
    %mul3A_1043 = arith.constant 0.0883883461 : f32
    %mul3A_1044 = vector.broadcast %mul3A_1043 : f32 to vector<1x2048xf32>
    %mul3A_1045 = arith.mulf %dot_general3A_1042, %mul3A_1044 : vector<1x2048xf32>
    %mul3A_1046 = arith.mulf %get3A_19, %get3A_25 : vector<1x1xf32>
    %mul3A_1047 = vector.broadcast %mul3A_1046 : vector<1x1xf32> to vector<1x2048xf32>
    %mul3A_1048 = arith.mulf %mul3A_1047, %get3A_979 : vector<1x2048xf32>
    %sub3A_1049 = arith.subf %mul3A_1045, %mul3A_1048 : vector<1x2048xf32>
    %tanh3A_1050 = math.tanh %sub3A_1049 : vector<1x2048xf32>
    %mul3A_1051 = arith.constant 1.000000e+01 : f32
    %mul3A_1052 = vector.broadcast %mul3A_1051 : f32 to vector<1x2048xf32>
    %mul3A_1053 = arith.mulf %mul3A_1052, %tanh3A_1050 : vector<1x2048xf32>
    %add3A_1054 = arith.addf %mul3A_1053, %get3A_984 : vector<1x2048xf32>
    %reduce_max3A_1055 = arith.constant dense<0xFF800000> : vector<1xf32>
    %reduce_max3A_1056 = vector.multi_reduction <maximumf>, %add3A_1054, %reduce_max3A_1055 [1] : vector<1x2048xf32> to vector<1xf32>
    %broadcast_in_dim3A_1057 = vector.shape_cast %reduce_max3A_1056 : vector<1xf32> to vector<1x1xf32>
    %sub3A_1058 = vector.broadcast %broadcast_in_dim3A_1057 : vector<1x1xf32> to vector<1x2048xf32>
    %sub3A_1059 = arith.subf %add3A_1054, %sub3A_1058 : vector<1x2048xf32>
    %exp3A_1060 = math.exp %sub3A_1059 : vector<1x2048xf32>
    %reduce_sum3A_1061 = arith.constant dense<0.000000e+00> : vector<1xf32>
    %reduce_sum3A_1062 = vector.multi_reduction <add>, %exp3A_1060, %reduce_sum3A_1061 [1] : vector<1x2048xf32> to vector<1xf32>
    %broadcast_in_dim3A_1063 = vector.shape_cast %reduce_sum3A_1062 : vector<1xf32> to vector<1x1xf32>
    %div3A_1064 = vector.broadcast %broadcast_in_dim3A_1063 : vector<1x1xf32> to vector<1x2048xf32>
    %div3A_1065 = arith.divf %exp3A_1060, %div3A_1064 : vector<1x2048xf32>
    %swap3A_1066 = arith.constant 7 : index
    %swap3A_1067 = arith.constant 0 : index
    %swap3A_1068 = arith.constant 0 : index
    %swap3A_1069 = vector.load %arg15[%swap3A_1066, %swap3A_1067, %swap3A_1068] : memref<16x1x2048xf32, #tpu.memory_space<vmem>>, vector<1x1x2048xf32>
    %swap3A_1070 = vector.shape_cast %swap3A_1069 : vector<1x1x2048xf32> to vector<1x2048xf32>
    %swap3A_1071 = vector.shape_cast %div3A_1065 : vector<1x2048xf32> to vector<1x1x2048xf32>
    tpu.vector_store %arg15[%swap3A_1066, %swap3A_1067, %swap3A_1068], %swap3A_1071 {strides = array<i32>} : memref<16x1x2048xf32, #tpu.memory_space<vmem>>, vector<1x1x2048xf32>,
    %reduce_max3A_1072 = arith.constant dense<0xFF800000> : vector<1xf32>
    %reduce_max3A_1073 = vector.multi_reduction <maximumf>, %div3A_1065, %reduce_max3A_1072 [1] : vector<1x2048xf32> to vector<1xf32>
    %broadcast_in_dim3A_1074 = vector.shape_cast %reduce_max3A_1073 : vector<1xf32> to vector<1x1xf32>
    %get3A_1075 = arith.constant 7 : index
    %get3A_1076 = arith.constant 0 : index
    %get3A_1077 = arith.constant 0 : index
    %get3A_1078 = vector.load %arg5[%get3A_1075, %get3A_1076, %get3A_1077] : memref<16x1x2048xi32, #tpu.memory_space<vmem>>, vector<1x1x2048xi32>
    %get3A_1079 = vector.shape_cast %get3A_1078 : vector<1x1x2048xi32> to vector<1x2048xi32>
    %eq3A_1080 = vector.broadcast %broadcast_in_dim3A_1074 : vector<1x1xf32> to vector<1x2048xf32>
    %eq3A_1081 = arith.cmpf oeq, %div3A_1065, %eq3A_1080 : vector<1x2048xf32>
    %jit3A_1082 = arith.constant 2147483647 : i32
    %broadcast_in_dim3A_1083 = vector.broadcast %jit3A_1082 : i32 to vector<1x2048xi32>
    %select_n3A_1084 = arith.select %eq3A_1081, %get3A_1079, %broadcast_in_dim3A_1083 : vector<1x2048xi1>, vector<1x2048xi32>
    %reduce_min3A_1085 = arith.constant dense<2147483647> : vector<1xi32>
    %reduce_min3A_1086 = vector.multi_reduction <minsi>, %select_n3A_1084, %reduce_min3A_1085 [1] : vector<1x2048xi32> to vector<1xi32>
    %broadcast_in_dim3A_1087 = vector.shape_cast %reduce_min3A_1086 : vector<1xi32> to vector<1x1xi32>
    %swap3A_1088 = arith.constant 7 : index
    %swap3A_1089 = arith.constant 0 : index
    %swap3A_1090 = arith.constant 0 : index
    %swap3A_1091 = vector.load %arg16[%swap3A_1088, %swap3A_1089, %swap3A_1090] : memref<16x1x1xi32, #tpu.memory_space<vmem>>, vector<1x1x1xi32>
    %swap3A_1092 = vector.shape_cast %swap3A_1091 : vector<1x1x1xi32> to vector<1x1xi32>
    %swap3A_1093 = vector.shape_cast %broadcast_in_dim3A_1087 : vector<1x1xi32> to vector<1x1x1xi32>
    tpu.vector_store %arg16[%swap3A_1088, %swap3A_1089, %swap3A_1090], %swap3A_1093 {strides = array<i32>} : memref<16x1x1xi32, #tpu.memory_space<vmem>>, vector<1x1x1xi32>,
    %swap3A_1094 = arith.constant 7 : index
    %swap3A_1095 = arith.constant 0 : index
    %swap3A_1096 = arith.constant 0 : index
    %swap3A_1097 = vector.load %arg17[%swap3A_1094, %swap3A_1095, %swap3A_1096] : memref<16x1x1xf32, #tpu.memory_space<vmem>>, vector<1x1x1xf32>
    %swap3A_1098 = vector.shape_cast %swap3A_1097 : vector<1x1x1xf32> to vector<1x1xf32>
    %swap3A_1099 = vector.shape_cast %broadcast_in_dim3A_1074 : vector<1x1xf32> to vector<1x1x1xf32>
    tpu.vector_store %arg17[%swap3A_1094, %swap3A_1095, %swap3A_1096], %swap3A_1099 {strides = array<i32>} : memref<16x1x1xf32, #tpu.memory_space<vmem>>, vector<1x1x1xf32>,
    %get3A_1100 = arith.constant 8 : index
    %get3A_1101 = arith.constant 0 : index
    %get3A_1102 = arith.constant 0 : index
    %get3A_1103 = vector.load %arg1[%get3A_1100, %get3A_1101, %get3A_1102] : memref<16x1x2176xf32, #tpu.memory_space<vmem>>, vector<1x1x2176xf32>
    %get3A_1104 = vector.shape_cast %get3A_1103 : vector<1x1x2176xf32> to vector<1x2176xf32>
    %get3A_1105 = arith.constant 8 : index
    %get3A_1106 = arith.constant 0 : index
    %get3A_1107 = arith.constant 0 : index
    %get3A_1108 = vector.load %arg2[%get3A_1105, %get3A_1106, %get3A_1107] : memref<16x1x2176xf32, #tpu.memory_space<vmem>>, vector<1x1x2176xf32>
    %get3A_1109 = vector.shape_cast %get3A_1108 : vector<1x1x2176xf32> to vector<1x2176xf32>
    %get3A_1110 = arith.constant 8 : index
    %get3A_1111 = arith.constant 0 : index
    %get3A_1112 = arith.constant 0 : index
    %get3A_1113 = vector.load %arg3[%get3A_1110, %get3A_1111, %get3A_1112] : memref<16x1x2048xf32, #tpu.memory_space<vmem>>, vector<1x1x2048xf32>
    %get3A_1114 = vector.shape_cast %get3A_1113 : vector<1x1x2048xf32> to vector<1x2048xf32>
    %get3A_1115 = arith.constant 8 : index
    %get3A_1116 = arith.constant 0 : index
    %get3A_1117 = arith.constant 0 : index
    %get3A_1118 = vector.load %arg4[%get3A_1115, %get3A_1116, %get3A_1117] : memref<16x1x2048xf32, #tpu.memory_space<vmem>>, vector<1x1x2048xf32>
    %get3A_1119 = vector.shape_cast %get3A_1118 : vector<1x1x2048xf32> to vector<1x2048xf32>
    %mul3A_1120 = vector.broadcast %slice3A : vector<128x1xf32> to vector<128x2176xf32>
    %mul3A_1121 = vector.broadcast %get3A_1104 : vector<1x2176xf32> to vector<128x2176xf32>
    %mul3A_1122 = arith.mulf %mul3A_1120, %mul3A_1121 : vector<128x2176xf32>
    %mul3A_1123 = vector.broadcast %slice3A_33 : vector<128x1xf32> to vector<128x2176xf32>
    %mul3A_1124 = vector.broadcast %get3A_1109 : vector<1x2176xf32> to vector<128x2176xf32>
    %mul3A_1125 = arith.mulf %mul3A_1123, %mul3A_1124 : vector<128x2176xf32>
    %add3A_1126 = arith.addf %mul3A_1122, %mul3A_1125 : vector<128x2176xf32>
    %add3A_1127 = vector.broadcast %get3A_4 : vector<128x1xf32> to vector<128x2176xf32>
    %add3A_1128 = arith.addf %add3A_1126, %add3A_1127 : vector<128x2176xf32>
    %slice3A_1129 = vector.extract_strided_slice %dot_general3A_26 {offsets = [0, 0], sizes = [128, 1], strides = [1, 1]} : vector<128x2xf32> to vector<128x1xf32>
    %mul3A_1130 = vector.broadcast %slice3A_1129 : vector<128x1xf32> to vector<128x2176xf32>
    %mul3A_1131 = vector.broadcast %get3A_1104 : vector<1x2176xf32> to vector<128x2176xf32>
    %mul3A_1132 = arith.mulf %mul3A_1130, %mul3A_1131 : vector<128x2176xf32>
    %slice3A_1133 = vector.extract_strided_slice %dot_general3A_26 {offsets = [0, 1], sizes = [128, 1], strides = [1, 1]} : vector<128x2xf32> to vector<128x1xf32>
    %mul3A_1134 = vector.broadcast %slice3A_1133 : vector<128x1xf32> to vector<128x2176xf32>
    %mul3A_1135 = vector.broadcast %get3A_1109 : vector<1x2176xf32> to vector<128x2176xf32>
    %mul3A_1136 = arith.mulf %mul3A_1134, %mul3A_1135 : vector<128x2176xf32>
    %add3A_1137 = arith.addf %mul3A_1132, %mul3A_1136 : vector<128x2176xf32>
    %add3A_1138 = vector.broadcast %dot_general3A_28 : vector<128x1xf32> to vector<128x2176xf32>
    %add3A_1139 = arith.addf %add3A_1137, %add3A_1138 : vector<128x2176xf32>
    %slice3A_1140 = vector.extract_strided_slice %dot_general3A_30 {offsets = [0, 0], sizes = [128, 1], strides = [1, 1]} : vector<128x2xf32> to vector<128x1xf32>
    %mul3A_1141 = vector.broadcast %slice3A_1140 : vector<128x1xf32> to vector<128x2176xf32>
    %mul3A_1142 = vector.broadcast %get3A_1104 : vector<1x2176xf32> to vector<128x2176xf32>
    %mul3A_1143 = arith.mulf %mul3A_1141, %mul3A_1142 : vector<128x2176xf32>
    %slice3A_1144 = vector.extract_strided_slice %dot_general3A_30 {offsets = [0, 1], sizes = [128, 1], strides = [1, 1]} : vector<128x2xf32> to vector<128x1xf32>
    %mul3A_1145 = vector.broadcast %slice3A_1144 : vector<128x1xf32> to vector<128x2176xf32>
    %mul3A_1146 = vector.broadcast %get3A_1109 : vector<1x2176xf32> to vector<128x2176xf32>
    %mul3A_1147 = arith.mulf %mul3A_1145, %mul3A_1146 : vector<128x2176xf32>
    %add3A_1148 = arith.addf %mul3A_1143, %mul3A_1147 : vector<128x2176xf32>
    %add3A_1149 = vector.broadcast %dot_general3A_32 : vector<128x1xf32> to vector<128x2176xf32>
    %add3A_1150 = arith.addf %add3A_1148, %add3A_1149 : vector<128x2176xf32>
    %slice3A_1151 = vector.extract_strided_slice %add3A_1128 {offsets = [0, 2048], sizes = [128, 1], strides = [1, 1]} : vector<128x2176xf32> to vector<128x1xf32>
    %dot_general3A_1152 = arith.constant dense<0.000000e+00> : vector<128x1xf32>
    %dot_general3A_1153 = tpu.matmul %add3A, %slice3A_1151, %dot_general3A_1152 {dimension_numbers = #tpu.dot_dimension_numbers<[1], [0], [0], [1], [0, 0, 1, 1], [], []>, precision = #tpu.contract_precision<fp32>, transpose_lhs_hint = false} : vector<128x128xf32>, vector<128x1xf32>, vector<128x1xf32> -> vector<128x1xf32>
    %slice3A_1154 = vector.extract_strided_slice %add3A_1139 {offsets = [0, 0], sizes = [128, 2048], strides = [1, 1]} : vector<128x2176xf32> to vector<128x2048xf32>
    %exp3A_1155 = math.exp %slice3A_1154 : vector<128x2048xf32>
    %slice3A_1156 = vector.extract_strided_slice %add3A_1150 {offsets = [0, 0], sizes = [128, 2048], strides = [1, 1]} : vector<128x2176xf32> to vector<128x2048xf32>
    %mul3A_1157 = arith.mulf %exp3A_1155, %slice3A_1156 : vector<128x2048xf32>
    %mul3A_1158 = arith.mulf %get3A_19, %get3A_22 : vector<1x1xf32>
    %mul3A_1159 = vector.broadcast %mul3A_1158 : vector<1x1xf32> to vector<1x2048xf32>
    %mul3A_1160 = arith.mulf %mul3A_1159, %get3A_1114 : vector<1x2048xf32>
    %sub3A_1161 = arith.subf %get3A_1119, %mul3A_1160 : vector<1x2048xf32>
    %exp3A_1162 = math.exp %sub3A_1161 : vector<1x2048xf32>
    %dot_general3A_1163 = arith.constant dense<0.000000e+00> : vector<128x1xf32>
    %dot_general3A_1164 = tpu.matmul %mul3A_1157, %exp3A_1162, %dot_general3A_1163 {dimension_numbers = #tpu.dot_dimension_numbers<[1], [1], [0], [0], [0, 0, 1, 0], [], []>, precision = #tpu.contract_precision<fp32>, transpose_lhs_hint = false} : vector<128x2048xf32>, vector<1x2048xf32>, vector<128x1xf32> -> vector<128x1xf32>
    %dot_general3A_1165 = arith.constant dense<0.000000e+00> : vector<128x1xf32>
    %dot_general3A_1166 = tpu.matmul %exp3A_1155, %exp3A_1162, %dot_general3A_1165 {dimension_numbers = #tpu.dot_dimension_numbers<[1], [1], [0], [0], [0, 0, 1, 0], [], []>, precision = #tpu.contract_precision<fp32>, transpose_lhs_hint = false} : vector<128x2048xf32>, vector<1x2048xf32>, vector<128x1xf32> -> vector<128x1xf32>
    %logistic3A_1167 = arith.negf %dot_general3A_1153 : vector<128x1xf32>
    %logistic3A_1168 = math.exp %logistic3A_1167 : vector<128x1xf32>
    %logistic3A_1169 = arith.constant 1.000000e+00 : f32
    %logistic3A_1170 = vector.broadcast %logistic3A_1169 : f32 to vector<128x1xf32>
    %logistic3A_1171 = arith.addf %logistic3A_1170, %logistic3A_1168 : vector<128x1xf32>
    %logistic3A_1172 = arith.divf %logistic3A_1170, %logistic3A_1171 : vector<128x1xf32>
    %mul3A_1173 = arith.mulf %logistic3A_1172, %dot_general3A_1164 : vector<128x1xf32>
    %div3A_1174 = arith.divf %mul3A_1173, %dot_general3A_1166 : vector<128x1xf32>
    %slice3A_1175 = vector.extract_strided_slice %add3A_1128 {offsets = [0, 0], sizes = [128, 2048], strides = [1, 1]} : vector<128x2176xf32> to vector<128x2048xf32>
    %dot_general3A_1176 = arith.constant dense<0.000000e+00> : vector<1x2048xf32>
    %dot_general3A_1177 = tpu.matmul %div3A_1174, %slice3A_1175, %dot_general3A_1176 {dimension_numbers = #tpu.dot_dimension_numbers<[0], [0], [1], [1], [0, 1, 1, 1], [], []>, precision = #tpu.contract_precision<fp32>, transpose_lhs_hint = false} : vector<128x1xf32>, vector<128x2048xf32>, vector<1x2048xf32> -> vector<1x2048xf32>
    %mul3A_1178 = arith.constant 0.0883883461 : f32
    %mul3A_1179 = vector.broadcast %mul3A_1178 : f32 to vector<1x2048xf32>
    %mul3A_1180 = arith.mulf %dot_general3A_1177, %mul3A_1179 : vector<1x2048xf32>
    %mul3A_1181 = arith.mulf %get3A_19, %get3A_25 : vector<1x1xf32>
    %mul3A_1182 = vector.broadcast %mul3A_1181 : vector<1x1xf32> to vector<1x2048xf32>
    %mul3A_1183 = arith.mulf %mul3A_1182, %get3A_1114 : vector<1x2048xf32>
    %sub3A_1184 = arith.subf %mul3A_1180, %mul3A_1183 : vector<1x2048xf32>
    %tanh3A_1185 = math.tanh %sub3A_1184 : vector<1x2048xf32>
    %mul3A_1186 = arith.constant 1.000000e+01 : f32
    %mul3A_1187 = vector.broadcast %mul3A_1186 : f32 to vector<1x2048xf32>
    %mul3A_1188 = arith.mulf %mul3A_1187, %tanh3A_1185 : vector<1x2048xf32>
    %add3A_1189 = arith.addf %mul3A_1188, %get3A_1119 : vector<1x2048xf32>
    %reduce_max3A_1190 = arith.constant dense<0xFF800000> : vector<1xf32>
    %reduce_max3A_1191 = vector.multi_reduction <maximumf>, %add3A_1189, %reduce_max3A_1190 [1] : vector<1x2048xf32> to vector<1xf32>
    %broadcast_in_dim3A_1192 = vector.shape_cast %reduce_max3A_1191 : vector<1xf32> to vector<1x1xf32>
    %sub3A_1193 = vector.broadcast %broadcast_in_dim3A_1192 : vector<1x1xf32> to vector<1x2048xf32>
    %sub3A_1194 = arith.subf %add3A_1189, %sub3A_1193 : vector<1x2048xf32>
    %exp3A_1195 = math.exp %sub3A_1194 : vector<1x2048xf32>
    %reduce_sum3A_1196 = arith.constant dense<0.000000e+00> : vector<1xf32>
    %reduce_sum3A_1197 = vector.multi_reduction <add>, %exp3A_1195, %reduce_sum3A_1196 [1] : vector<1x2048xf32> to vector<1xf32>
    %broadcast_in_dim3A_1198 = vector.shape_cast %reduce_sum3A_1197 : vector<1xf32> to vector<1x1xf32>
    %div3A_1199 = vector.broadcast %broadcast_in_dim3A_1198 : vector<1x1xf32> to vector<1x2048xf32>
    %div3A_1200 = arith.divf %exp3A_1195, %div3A_1199 : vector<1x2048xf32>
    %swap3A_1201 = arith.constant 8 : index
    %swap3A_1202 = arith.constant 0 : index
    %swap3A_1203 = arith.constant 0 : index
    %swap3A_1204 = vector.load %arg15[%swap3A_1201, %swap3A_1202, %swap3A_1203] : memref<16x1x2048xf32, #tpu.memory_space<vmem>>, vector<1x1x2048xf32>
    %swap3A_1205 = vector.shape_cast %swap3A_1204 : vector<1x1x2048xf32> to vector<1x2048xf32>
    %swap3A_1206 = vector.shape_cast %div3A_1200 : vector<1x2048xf32> to vector<1x1x2048xf32>
    tpu.vector_store %arg15[%swap3A_1201, %swap3A_1202, %swap3A_1203], %swap3A_1206 {strides = array<i32>} : memref<16x1x2048xf32, #tpu.memory_space<vmem>>, vector<1x1x2048xf32>,
    %reduce_max3A_1207 = arith.constant dense<0xFF800000> : vector<1xf32>
    %reduce_max3A_1208 = vector.multi_reduction <maximumf>, %div3A_1200, %reduce_max3A_1207 [1] : vector<1x2048xf32> to vector<1xf32>
    %broadcast_in_dim3A_1209 = vector.shape_cast %reduce_max3A_1208 : vector<1xf32> to vector<1x1xf32>
    %get3A_1210 = arith.constant 8 : index
    %get3A_1211 = arith.constant 0 : index
    %get3A_1212 = arith.constant 0 : index
    %get3A_1213 = vector.load %arg5[%get3A_1210, %get3A_1211, %get3A_1212] : memref<16x1x2048xi32, #tpu.memory_space<vmem>>, vector<1x1x2048xi32>
    %get3A_1214 = vector.shape_cast %get3A_1213 : vector<1x1x2048xi32> to vector<1x2048xi32>
    %eq3A_1215 = vector.broadcast %broadcast_in_dim3A_1209 : vector<1x1xf32> to vector<1x2048xf32>
    %eq3A_1216 = arith.cmpf oeq, %div3A_1200, %eq3A_1215 : vector<1x2048xf32>
    %jit3A_1217 = arith.constant 2147483647 : i32
    %broadcast_in_dim3A_1218 = vector.broadcast %jit3A_1217 : i32 to vector<1x2048xi32>
    %select_n3A_1219 = arith.select %eq3A_1216, %get3A_1214, %broadcast_in_dim3A_1218 : vector<1x2048xi1>, vector<1x2048xi32>
    %reduce_min3A_1220 = arith.constant dense<2147483647> : vector<1xi32>
    %reduce_min3A_1221 = vector.multi_reduction <minsi>, %select_n3A_1219, %reduce_min3A_1220 [1] : vector<1x2048xi32> to vector<1xi32>
    %broadcast_in_dim3A_1222 = vector.shape_cast %reduce_min3A_1221 : vector<1xi32> to vector<1x1xi32>
    %swap3A_1223 = arith.constant 8 : index
    %swap3A_1224 = arith.constant 0 : index
    %swap3A_1225 = arith.constant 0 : index
    %swap3A_1226 = vector.load %arg16[%swap3A_1223, %swap3A_1224, %swap3A_1225] : memref<16x1x1xi32, #tpu.memory_space<vmem>>, vector<1x1x1xi32>
    %swap3A_1227 = vector.shape_cast %swap3A_1226 : vector<1x1x1xi32> to vector<1x1xi32>
    %swap3A_1228 = vector.shape_cast %broadcast_in_dim3A_1222 : vector<1x1xi32> to vector<1x1x1xi32>
    tpu.vector_store %arg16[%swap3A_1223, %swap3A_1224, %swap3A_1225], %swap3A_1228 {strides = array<i32>} : memref<16x1x1xi32, #tpu.memory_space<vmem>>, vector<1x1x1xi32>,
    %swap3A_1229 = arith.constant 8 : index
    %swap3A_1230 = arith.constant 0 : index
    %swap3A_1231 = arith.constant 0 : index
    %swap3A_1232 = vector.load %arg17[%swap3A_1229, %swap3A_1230, %swap3A_1231] : memref<16x1x1xf32, #tpu.memory_space<vmem>>, vector<1x1x1xf32>
    %swap3A_1233 = vector.shape_cast %swap3A_1232 : vector<1x1x1xf32> to vector<1x1xf32>
    %swap3A_1234 = vector.shape_cast %broadcast_in_dim3A_1209 : vector<1x1xf32> to vector<1x1x1xf32>
    tpu.vector_store %arg17[%swap3A_1229, %swap3A_1230, %swap3A_1231], %swap3A_1234 {strides = array<i32>} : memref<16x1x1xf32, #tpu.memory_space<vmem>>, vector<1x1x1xf32>,
    %get3A_1235 = arith.constant 9 : index
    %get3A_1236 = arith.constant 0 : index
    %get3A_1237 = arith.constant 0 : index
    %get3A_1238 = vector.load %arg1[%get3A_1235, %get3A_1236, %get3A_1237] : memref<16x1x2176xf32, #tpu.memory_space<vmem>>, vector<1x1x2176xf32>
    %get3A_1239 = vector.shape_cast %get3A_1238 : vector<1x1x2176xf32> to vector<1x2176xf32>
    %get3A_1240 = arith.constant 9 : index
    %get3A_1241 = arith.constant 0 : index
    %get3A_1242 = arith.constant 0 : index
    %get3A_1243 = vector.load %arg2[%get3A_1240, %get3A_1241, %get3A_1242] : memref<16x1x2176xf32, #tpu.memory_space<vmem>>, vector<1x1x2176xf32>
    %get3A_1244 = vector.shape_cast %get3A_1243 : vector<1x1x2176xf32> to vector<1x2176xf32>
    %get3A_1245 = arith.constant 9 : index
    %get3A_1246 = arith.constant 0 : index
    %get3A_1247 = arith.constant 0 : index
    %get3A_1248 = vector.load %arg3[%get3A_1245, %get3A_1246, %get3A_1247] : memref<16x1x2048xf32, #tpu.memory_space<vmem>>, vector<1x1x2048xf32>
    %get3A_1249 = vector.shape_cast %get3A_1248 : vector<1x1x2048xf32> to vector<1x2048xf32>
    %get3A_1250 = arith.constant 9 : index
    %get3A_1251 = arith.constant 0 : index
    %get3A_1252 = arith.constant 0 : index
    %get3A_1253 = vector.load %arg4[%get3A_1250, %get3A_1251, %get3A_1252] : memref<16x1x2048xf32, #tpu.memory_space<vmem>>, vector<1x1x2048xf32>
    %get3A_1254 = vector.shape_cast %get3A_1253 : vector<1x1x2048xf32> to vector<1x2048xf32>
    %mul3A_1255 = vector.broadcast %slice3A : vector<128x1xf32> to vector<128x2176xf32>
    %mul3A_1256 = vector.broadcast %get3A_1239 : vector<1x2176xf32> to vector<128x2176xf32>
    %mul3A_1257 = arith.mulf %mul3A_1255, %mul3A_1256 : vector<128x2176xf32>
    %mul3A_1258 = vector.broadcast %slice3A_33 : vector<128x1xf32> to vector<128x2176xf32>
    %mul3A_1259 = vector.broadcast %get3A_1244 : vector<1x2176xf32> to vector<128x2176xf32>
    %mul3A_1260 = arith.mulf %mul3A_1258, %mul3A_1259 : vector<128x2176xf32>
    %add3A_1261 = arith.addf %mul3A_1257, %mul3A_1260 : vector<128x2176xf32>
    %add3A_1262 = vector.broadcast %get3A_4 : vector<128x1xf32> to vector<128x2176xf32>
    %add3A_1263 = arith.addf %add3A_1261, %add3A_1262 : vector<128x2176xf32>
    %slice3A_1264 = vector.extract_strided_slice %dot_general3A_26 {offsets = [0, 0], sizes = [128, 1], strides = [1, 1]} : vector<128x2xf32> to vector<128x1xf32>
    %mul3A_1265 = vector.broadcast %slice3A_1264 : vector<128x1xf32> to vector<128x2176xf32>
    %mul3A_1266 = vector.broadcast %get3A_1239 : vector<1x2176xf32> to vector<128x2176xf32>
    %mul3A_1267 = arith.mulf %mul3A_1265, %mul3A_1266 : vector<128x2176xf32>
    %slice3A_1268 = vector.extract_strided_slice %dot_general3A_26 {offsets = [0, 1], sizes = [128, 1], strides = [1, 1]} : vector<128x2xf32> to vector<128x1xf32>
    %mul3A_1269 = vector.broadcast %slice3A_1268 : vector<128x1xf32> to vector<128x2176xf32>
    %mul3A_1270 = vector.broadcast %get3A_1244 : vector<1x2176xf32> to vector<128x2176xf32>
    %mul3A_1271 = arith.mulf %mul3A_1269, %mul3A_1270 : vector<128x2176xf32>
    %add3A_1272 = arith.addf %mul3A_1267, %mul3A_1271 : vector<128x2176xf32>
    %add3A_1273 = vector.broadcast %dot_general3A_28 : vector<128x1xf32> to vector<128x2176xf32>
    %add3A_1274 = arith.addf %add3A_1272, %add3A_1273 : vector<128x2176xf32>
    %slice3A_1275 = vector.extract_strided_slice %dot_general3A_30 {offsets = [0, 0], sizes = [128, 1], strides = [1, 1]} : vector<128x2xf32> to vector<128x1xf32>
    %mul3A_1276 = vector.broadcast %slice3A_1275 : vector<128x1xf32> to vector<128x2176xf32>
    %mul3A_1277 = vector.broadcast %get3A_1239 : vector<1x2176xf32> to vector<128x2176xf32>
    %mul3A_1278 = arith.mulf %mul3A_1276, %mul3A_1277 : vector<128x2176xf32>
    %slice3A_1279 = vector.extract_strided_slice %dot_general3A_30 {offsets = [0, 1], sizes = [128, 1], strides = [1, 1]} : vector<128x2xf32> to vector<128x1xf32>
    %mul3A_1280 = vector.broadcast %slice3A_1279 : vector<128x1xf32> to vector<128x2176xf32>
    %mul3A_1281 = vector.broadcast %get3A_1244 : vector<1x2176xf32> to vector<128x2176xf32>
    %mul3A_1282 = arith.mulf %mul3A_1280, %mul3A_1281 : vector<128x2176xf32>
    %add3A_1283 = arith.addf %mul3A_1278, %mul3A_1282 : vector<128x2176xf32>
    %add3A_1284 = vector.broadcast %dot_general3A_32 : vector<128x1xf32> to vector<128x2176xf32>
    %add3A_1285 = arith.addf %add3A_1283, %add3A_1284 : vector<128x2176xf32>
    %slice3A_1286 = vector.extract_strided_slice %add3A_1263 {offsets = [0, 2048], sizes = [128, 1], strides = [1, 1]} : vector<128x2176xf32> to vector<128x1xf32>
    %dot_general3A_1287 = arith.constant dense<0.000000e+00> : vector<128x1xf32>
    %dot_general3A_1288 = tpu.matmul %add3A, %slice3A_1286, %dot_general3A_1287 {dimension_numbers = #tpu.dot_dimension_numbers<[1], [0], [0], [1], [0, 0, 1, 1], [], []>, precision = #tpu.contract_precision<fp32>, transpose_lhs_hint = false} : vector<128x128xf32>, vector<128x1xf32>, vector<128x1xf32> -> vector<128x1xf32>
    %slice3A_1289 = vector.extract_strided_slice %add3A_1274 {offsets = [0, 0], sizes = [128, 2048], strides = [1, 1]} : vector<128x2176xf32> to vector<128x2048xf32>
    %exp3A_1290 = math.exp %slice3A_1289 : vector<128x2048xf32>
    %slice3A_1291 = vector.extract_strided_slice %add3A_1285 {offsets = [0, 0], sizes = [128, 2048], strides = [1, 1]} : vector<128x2176xf32> to vector<128x2048xf32>
    %mul3A_1292 = arith.mulf %exp3A_1290, %slice3A_1291 : vector<128x2048xf32>
    %mul3A_1293 = arith.mulf %get3A_19, %get3A_22 : vector<1x1xf32>
    %mul3A_1294 = vector.broadcast %mul3A_1293 : vector<1x1xf32> to vector<1x2048xf32>
    %mul3A_1295 = arith.mulf %mul3A_1294, %get3A_1249 : vector<1x2048xf32>
    %sub3A_1296 = arith.subf %get3A_1254, %mul3A_1295 : vector<1x2048xf32>
    %exp3A_1297 = math.exp %sub3A_1296 : vector<1x2048xf32>
    %dot_general3A_1298 = arith.constant dense<0.000000e+00> : vector<128x1xf32>
    %dot_general3A_1299 = tpu.matmul %mul3A_1292, %exp3A_1297, %dot_general3A_1298 {dimension_numbers = #tpu.dot_dimension_numbers<[1], [1], [0], [0], [0, 0, 1, 0], [], []>, precision = #tpu.contract_precision<fp32>, transpose_lhs_hint = false} : vector<128x2048xf32>, vector<1x2048xf32>, vector<128x1xf32> -> vector<128x1xf32>
    %dot_general3A_1300 = arith.constant dense<0.000000e+00> : vector<128x1xf32>
    %dot_general3A_1301 = tpu.matmul %exp3A_1290, %exp3A_1297, %dot_general3A_1300 {dimension_numbers = #tpu.dot_dimension_numbers<[1], [1], [0], [0], [0, 0, 1, 0], [], []>, precision = #tpu.contract_precision<fp32>, transpose_lhs_hint = false} : vector<128x2048xf32>, vector<1x2048xf32>, vector<128x1xf32> -> vector<128x1xf32>
    %logistic3A_1302 = arith.negf %dot_general3A_1288 : vector<128x1xf32>
    %logistic3A_1303 = math.exp %logistic3A_1302 : vector<128x1xf32>
    %logistic3A_1304 = arith.constant 1.000000e+00 : f32
    %logistic3A_1305 = vector.broadcast %logistic3A_1304 : f32 to vector<128x1xf32>
    %logistic3A_1306 = arith.addf %logistic3A_1305, %logistic3A_1303 : vector<128x1xf32>
    %logistic3A_1307 = arith.divf %logistic3A_1305, %logistic3A_1306 : vector<128x1xf32>
    %mul3A_1308 = arith.mulf %logistic3A_1307, %dot_general3A_1299 : vector<128x1xf32>
    %div3A_1309 = arith.divf %mul3A_1308, %dot_general3A_1301 : vector<128x1xf32>
    %slice3A_1310 = vector.extract_strided_slice %add3A_1263 {offsets = [0, 0], sizes = [128, 2048], strides = [1, 1]} : vector<128x2176xf32> to vector<128x2048xf32>
    %dot_general3A_1311 = arith.constant dense<0.000000e+00> : vector<1x2048xf32>
    %dot_general3A_1312 = tpu.matmul %div3A_1309, %slice3A_1310, %dot_general3A_1311 {dimension_numbers = #tpu.dot_dimension_numbers<[0], [0], [1], [1], [0, 1, 1, 1], [], []>, precision = #tpu.contract_precision<fp32>, transpose_lhs_hint = false} : vector<128x1xf32>, vector<128x2048xf32>, vector<1x2048xf32> -> vector<1x2048xf32>
    %mul3A_1313 = arith.constant 0.0883883461 : f32
    %mul3A_1314 = vector.broadcast %mul3A_1313 : f32 to vector<1x2048xf32>
    %mul3A_1315 = arith.mulf %dot_general3A_1312, %mul3A_1314 : vector<1x2048xf32>
    %mul3A_1316 = arith.mulf %get3A_19, %get3A_25 : vector<1x1xf32>
    %mul3A_1317 = vector.broadcast %mul3A_1316 : vector<1x1xf32> to vector<1x2048xf32>
    %mul3A_1318 = arith.mulf %mul3A_1317, %get3A_1249 : vector<1x2048xf32>
    %sub3A_1319 = arith.subf %mul3A_1315, %mul3A_1318 : vector<1x2048xf32>
    %tanh3A_1320 = math.tanh %sub3A_1319 : vector<1x2048xf32>
    %mul3A_1321 = arith.constant 1.000000e+01 : f32
    %mul3A_1322 = vector.broadcast %mul3A_1321 : f32 to vector<1x2048xf32>
    %mul3A_1323 = arith.mulf %mul3A_1322, %tanh3A_1320 : vector<1x2048xf32>
    %add3A_1324 = arith.addf %mul3A_1323, %get3A_1254 : vector<1x2048xf32>
    %reduce_max3A_1325 = arith.constant dense<0xFF800000> : vector<1xf32>
    %reduce_max3A_1326 = vector.multi_reduction <maximumf>, %add3A_1324, %reduce_max3A_1325 [1] : vector<1x2048xf32> to vector<1xf32>
    %broadcast_in_dim3A_1327 = vector.shape_cast %reduce_max3A_1326 : vector<1xf32> to vector<1x1xf32>
    %sub3A_1328 = vector.broadcast %broadcast_in_dim3A_1327 : vector<1x1xf32> to vector<1x2048xf32>
    %sub3A_1329 = arith.subf %add3A_1324, %sub3A_1328 : vector<1x2048xf32>
    %exp3A_1330 = math.exp %sub3A_1329 : vector<1x2048xf32>
    %reduce_sum3A_1331 = arith.constant dense<0.000000e+00> : vector<1xf32>
    %reduce_sum3A_1332 = vector.multi_reduction <add>, %exp3A_1330, %reduce_sum3A_1331 [1] : vector<1x2048xf32> to vector<1xf32>
    %broadcast_in_dim3A_1333 = vector.shape_cast %reduce_sum3A_1332 : vector<1xf32> to vector<1x1xf32>
    %div3A_1334 = vector.broadcast %broadcast_in_dim3A_1333 : vector<1x1xf32> to vector<1x2048xf32>
    %div3A_1335 = arith.divf %exp3A_1330, %div3A_1334 : vector<1x2048xf32>
    %swap3A_1336 = arith.constant 9 : index
    %swap3A_1337 = arith.constant 0 : index
    %swap3A_1338 = arith.constant 0 : index
    %swap3A_1339 = vector.load %arg15[%swap3A_1336, %swap3A_1337, %swap3A_1338] : memref<16x1x2048xf32, #tpu.memory_space<vmem>>, vector<1x1x2048xf32>
    %swap3A_1340 = vector.shape_cast %swap3A_1339 : vector<1x1x2048xf32> to vector<1x2048xf32>
    %swap3A_1341 = vector.shape_cast %div3A_1335 : vector<1x2048xf32> to vector<1x1x2048xf32>
    tpu.vector_store %arg15[%swap3A_1336, %swap3A_1337, %swap3A_1338], %swap3A_1341 {strides = array<i32>} : memref<16x1x2048xf32, #tpu.memory_space<vmem>>, vector<1x1x2048xf32>,
    %reduce_max3A_1342 = arith.constant dense<0xFF800000> : vector<1xf32>
    %reduce_max3A_1343 = vector.multi_reduction <maximumf>, %div3A_1335, %reduce_max3A_1342 [1] : vector<1x2048xf32> to vector<1xf32>
    %broadcast_in_dim3A_1344 = vector.shape_cast %reduce_max3A_1343 : vector<1xf32> to vector<1x1xf32>
    %get3A_1345 = arith.constant 9 : index
    %get3A_1346 = arith.constant 0 : index
    %get3A_1347 = arith.constant 0 : index
    %get3A_1348 = vector.load %arg5[%get3A_1345, %get3A_1346, %get3A_1347] : memref<16x1x2048xi32, #tpu.memory_space<vmem>>, vector<1x1x2048xi32>
    %get3A_1349 = vector.shape_cast %get3A_1348 : vector<1x1x2048xi32> to vector<1x2048xi32>
    %eq3A_1350 = vector.broadcast %broadcast_in_dim3A_1344 : vector<1x1xf32> to vector<1x2048xf32>
    %eq3A_1351 = arith.cmpf oeq, %div3A_1335, %eq3A_1350 : vector<1x2048xf32>
    %jit3A_1352 = arith.constant 2147483647 : i32
    %broadcast_in_dim3A_1353 = vector.broadcast %jit3A_1352 : i32 to vector<1x2048xi32>
    %select_n3A_1354 = arith.select %eq3A_1351, %get3A_1349, %broadcast_in_dim3A_1353 : vector<1x2048xi1>, vector<1x2048xi32>
    %reduce_min3A_1355 = arith.constant dense<2147483647> : vector<1xi32>
    %reduce_min3A_1356 = vector.multi_reduction <minsi>, %select_n3A_1354, %reduce_min3A_1355 [1] : vector<1x2048xi32> to vector<1xi32>
    %broadcast_in_dim3A_1357 = vector.shape_cast %reduce_min3A_1356 : vector<1xi32> to vector<1x1xi32>
    %swap3A_1358 = arith.constant 9 : index
    %swap3A_1359 = arith.constant 0 : index
    %swap3A_1360 = arith.constant 0 : index
    %swap3A_1361 = vector.load %arg16[%swap3A_1358, %swap3A_1359, %swap3A_1360] : memref<16x1x1xi32, #tpu.memory_space<vmem>>, vector<1x1x1xi32>
    %swap3A_1362 = vector.shape_cast %swap3A_1361 : vector<1x1x1xi32> to vector<1x1xi32>
    %swap3A_1363 = vector.shape_cast %broadcast_in_dim3A_1357 : vector<1x1xi32> to vector<1x1x1xi32>
    tpu.vector_store %arg16[%swap3A_1358, %swap3A_1359, %swap3A_1360], %swap3A_1363 {strides = array<i32>} : memref<16x1x1xi32, #tpu.memory_space<vmem>>, vector<1x1x1xi32>,
    %swap3A_1364 = arith.constant 9 : index
    %swap3A_1365 = arith.constant 0 : index
    %swap3A_1366 = arith.constant 0 : index
    %swap3A_1367 = vector.load %arg17[%swap3A_1364, %swap3A_1365, %swap3A_1366] : memref<16x1x1xf32, #tpu.memory_space<vmem>>, vector<1x1x1xf32>
    %swap3A_1368 = vector.shape_cast %swap3A_1367 : vector<1x1x1xf32> to vector<1x1xf32>
    %swap3A_1369 = vector.shape_cast %broadcast_in_dim3A_1344 : vector<1x1xf32> to vector<1x1x1xf32>
    tpu.vector_store %arg17[%swap3A_1364, %swap3A_1365, %swap3A_1366], %swap3A_1369 {strides = array<i32>} : memref<16x1x1xf32, #tpu.memory_space<vmem>>, vector<1x1x1xf32>,
    %get3A_1370 = arith.constant 10 : index
    %get3A_1371 = arith.constant 0 : index
    %get3A_1372 = arith.constant 0 : index
    %get3A_1373 = vector.load %arg1[%get3A_1370, %get3A_1371, %get3A_1372] : memref<16x1x2176xf32, #tpu.memory_space<vmem>>, vector<1x1x2176xf32>
    %get3A_1374 = vector.shape_cast %get3A_1373 : vector<1x1x2176xf32> to vector<1x2176xf32>
    %get3A_1375 = arith.constant 10 : index
    %get3A_1376 = arith.constant 0 : index
    %get3A_1377 = arith.constant 0 : index
    %get3A_1378 = vector.load %arg2[%get3A_1375, %get3A_1376, %get3A_1377] : memref<16x1x2176xf32, #tpu.memory_space<vmem>>, vector<1x1x2176xf32>
    %get3A_1379 = vector.shape_cast %get3A_1378 : vector<1x1x2176xf32> to vector<1x2176xf32>
    %get3A_1380 = arith.constant 10 : index
    %get3A_1381 = arith.constant 0 : index
    %get3A_1382 = arith.constant 0 : index
    %get3A_1383 = vector.load %arg3[%get3A_1380, %get3A_1381, %get3A_1382] : memref<16x1x2048xf32, #tpu.memory_space<vmem>>, vector<1x1x2048xf32>
    %get3A_1384 = vector.shape_cast %get3A_1383 : vector<1x1x2048xf32> to vector<1x2048xf32>
    %get3A_1385 = arith.constant 10 : index
    %get3A_1386 = arith.constant 0 : index
    %get3A_1387 = arith.constant 0 : index
    %get3A_1388 = vector.load %arg4[%get3A_1385, %get3A_1386, %get3A_1387] : memref<16x1x2048xf32, #tpu.memory_space<vmem>>, vector<1x1x2048xf32>
    %get3A_1389 = vector.shape_cast %get3A_1388 : vector<1x1x2048xf32> to vector<1x2048xf32>
    %mul3A_1390 = vector.broadcast %slice3A : vector<128x1xf32> to vector<128x2176xf32>
    %mul3A_1391 = vector.broadcast %get3A_1374 : vector<1x2176xf32> to vector<128x2176xf32>
    %mul3A_1392 = arith.mulf %mul3A_1390, %mul3A_1391 : vector<128x2176xf32>
    %mul3A_1393 = vector.broadcast %slice3A_33 : vector<128x1xf32> to vector<128x2176xf32>
    %mul3A_1394 = vector.broadcast %get3A_1379 : vector<1x2176xf32> to vector<128x2176xf32>
    %mul3A_1395 = arith.mulf %mul3A_1393, %mul3A_1394 : vector<128x2176xf32>
    %add3A_1396 = arith.addf %mul3A_1392, %mul3A_1395 : vector<128x2176xf32>
    %add3A_1397 = vector.broadcast %get3A_4 : vector<128x1xf32> to vector<128x2176xf32>
    %add3A_1398 = arith.addf %add3A_1396, %add3A_1397 : vector<128x2176xf32>
    %slice3A_1399 = vector.extract_strided_slice %dot_general3A_26 {offsets = [0, 0], sizes = [128, 1], strides = [1, 1]} : vector<128x2xf32> to vector<128x1xf32>
    %mul3A_1400 = vector.broadcast %slice3A_1399 : vector<128x1xf32> to vector<128x2176xf32>
    %mul3A_1401 = vector.broadcast %get3A_1374 : vector<1x2176xf32> to vector<128x2176xf32>
    %mul3A_1402 = arith.mulf %mul3A_1400, %mul3A_1401 : vector<128x2176xf32>
    %slice3A_1403 = vector.extract_strided_slice %dot_general3A_26 {offsets = [0, 1], sizes = [128, 1], strides = [1, 1]} : vector<128x2xf32> to vector<128x1xf32>
    %mul3A_1404 = vector.broadcast %slice3A_1403 : vector<128x1xf32> to vector<128x2176xf32>
    %mul3A_1405 = vector.broadcast %get3A_1379 : vector<1x2176xf32> to vector<128x2176xf32>
    %mul3A_1406 = arith.mulf %mul3A_1404, %mul3A_1405 : vector<128x2176xf32>
    %add3A_1407 = arith.addf %mul3A_1402, %mul3A_1406 : vector<128x2176xf32>
    %add3A_1408 = vector.broadcast %dot_general3A_28 : vector<128x1xf32> to vector<128x2176xf32>
    %add3A_1409 = arith.addf %add3A_1407, %add3A_1408 : vector<128x2176xf32>
    %slice3A_1410 = vector.extract_strided_slice %dot_general3A_30 {offsets = [0, 0], sizes = [128, 1], strides = [1, 1]} : vector<128x2xf32> to vector<128x1xf32>
    %mul3A_1411 = vector.broadcast %slice3A_1410 : vector<128x1xf32> to vector<128x2176xf32>
    %mul3A_1412 = vector.broadcast %get3A_1374 : vector<1x2176xf32> to vector<128x2176xf32>
    %mul3A_1413 = arith.mulf %mul3A_1411, %mul3A_1412 : vector<128x2176xf32>
    %slice3A_1414 = vector.extract_strided_slice %dot_general3A_30 {offsets = [0, 1], sizes = [128, 1], strides = [1, 1]} : vector<128x2xf32> to vector<128x1xf32>
    %mul3A_1415 = vector.broadcast %slice3A_1414 : vector<128x1xf32> to vector<128x2176xf32>
    %mul3A_1416 = vector.broadcast %get3A_1379 : vector<1x2176xf32> to vector<128x2176xf32>
    %mul3A_1417 = arith.mulf %mul3A_1415, %mul3A_1416 : vector<128x2176xf32>
    %add3A_1418 = arith.addf %mul3A_1413, %mul3A_1417 : vector<128x2176xf32>
    %add3A_1419 = vector.broadcast %dot_general3A_32 : vector<128x1xf32> to vector<128x2176xf32>
    %add3A_1420 = arith.addf %add3A_1418, %add3A_1419 : vector<128x2176xf32>
    %slice3A_1421 = vector.extract_strided_slice %add3A_1398 {offsets = [0, 2048], sizes = [128, 1], strides = [1, 1]} : vector<128x2176xf32> to vector<128x1xf32>
    %dot_general3A_1422 = arith.constant dense<0.000000e+00> : vector<128x1xf32>
    %dot_general3A_1423 = tpu.matmul %add3A, %slice3A_1421, %dot_general3A_1422 {dimension_numbers = #tpu.dot_dimension_numbers<[1], [0], [0], [1], [0, 0, 1, 1], [], []>, precision = #tpu.contract_precision<fp32>, transpose_lhs_hint = false} : vector<128x128xf32>, vector<128x1xf32>, vector<128x1xf32> -> vector<128x1xf32>
    %slice3A_1424 = vector.extract_strided_slice %add3A_1409 {offsets = [0, 0], sizes = [128, 2048], strides = [1, 1]} : vector<128x2176xf32> to vector<128x2048xf32>
    %exp3A_1425 = math.exp %slice3A_1424 : vector<128x2048xf32>
    %slice3A_1426 = vector.extract_strided_slice %add3A_1420 {offsets = [0, 0], sizes = [128, 2048], strides = [1, 1]} : vector<128x2176xf32> to vector<128x2048xf32>
    %mul3A_1427 = arith.mulf %exp3A_1425, %slice3A_1426 : vector<128x2048xf32>
    %mul3A_1428 = arith.mulf %get3A_19, %get3A_22 : vector<1x1xf32>
    %mul3A_1429 = vector.broadcast %mul3A_1428 : vector<1x1xf32> to vector<1x2048xf32>
    %mul3A_1430 = arith.mulf %mul3A_1429, %get3A_1384 : vector<1x2048xf32>
    %sub3A_1431 = arith.subf %get3A_1389, %mul3A_1430 : vector<1x2048xf32>
    %exp3A_1432 = math.exp %sub3A_1431 : vector<1x2048xf32>
    %dot_general3A_1433 = arith.constant dense<0.000000e+00> : vector<128x1xf32>
    %dot_general3A_1434 = tpu.matmul %mul3A_1427, %exp3A_1432, %dot_general3A_1433 {dimension_numbers = #tpu.dot_dimension_numbers<[1], [1], [0], [0], [0, 0, 1, 0], [], []>, precision = #tpu.contract_precision<fp32>, transpose_lhs_hint = false} : vector<128x2048xf32>, vector<1x2048xf32>, vector<128x1xf32> -> vector<128x1xf32>
    %dot_general3A_1435 = arith.constant dense<0.000000e+00> : vector<128x1xf32>
    %dot_general3A_1436 = tpu.matmul %exp3A_1425, %exp3A_1432, %dot_general3A_1435 {dimension_numbers = #tpu.dot_dimension_numbers<[1], [1], [0], [0], [0, 0, 1, 0], [], []>, precision = #tpu.contract_precision<fp32>, transpose_lhs_hint = false} : vector<128x2048xf32>, vector<1x2048xf32>, vector<128x1xf32> -> vector<128x1xf32>
    %logistic3A_1437 = arith.negf %dot_general3A_1423 : vector<128x1xf32>
    %logistic3A_1438 = math.exp %logistic3A_1437 : vector<128x1xf32>
    %logistic3A_1439 = arith.constant 1.000000e+00 : f32
    %logistic3A_1440 = vector.broadcast %logistic3A_1439 : f32 to vector<128x1xf32>
    %logistic3A_1441 = arith.addf %logistic3A_1440, %logistic3A_1438 : vector<128x1xf32>
    %logistic3A_1442 = arith.divf %logistic3A_1440, %logistic3A_1441 : vector<128x1xf32>
    %mul3A_1443 = arith.mulf %logistic3A_1442, %dot_general3A_1434 : vector<128x1xf32>
    %div3A_1444 = arith.divf %mul3A_1443, %dot_general3A_1436 : vector<128x1xf32>
    %slice3A_1445 = vector.extract_strided_slice %add3A_1398 {offsets = [0, 0], sizes = [128, 2048], strides = [1, 1]} : vector<128x2176xf32> to vector<128x2048xf32>
    %dot_general3A_1446 = arith.constant dense<0.000000e+00> : vector<1x2048xf32>
    %dot_general3A_1447 = tpu.matmul %div3A_1444, %slice3A_1445, %dot_general3A_1446 {dimension_numbers = #tpu.dot_dimension_numbers<[0], [0], [1], [1], [0, 1, 1, 1], [], []>, precision = #tpu.contract_precision<fp32>, transpose_lhs_hint = false} : vector<128x1xf32>, vector<128x2048xf32>, vector<1x2048xf32> -> vector<1x2048xf32>
    %mul3A_1448 = arith.constant 0.0883883461 : f32
    %mul3A_1449 = vector.broadcast %mul3A_1448 : f32 to vector<1x2048xf32>
    %mul3A_1450 = arith.mulf %dot_general3A_1447, %mul3A_1449 : vector<1x2048xf32>
    %mul3A_1451 = arith.mulf %get3A_19, %get3A_25 : vector<1x1xf32>
    %mul3A_1452 = vector.broadcast %mul3A_1451 : vector<1x1xf32> to vector<1x2048xf32>
    %mul3A_1453 = arith.mulf %mul3A_1452, %get3A_1384 : vector<1x2048xf32>
    %sub3A_1454 = arith.subf %mul3A_1450, %mul3A_1453 : vector<1x2048xf32>
    %tanh3A_1455 = math.tanh %sub3A_1454 : vector<1x2048xf32>
    %mul3A_1456 = arith.constant 1.000000e+01 : f32
    %mul3A_1457 = vector.broadcast %mul3A_1456 : f32 to vector<1x2048xf32>
    %mul3A_1458 = arith.mulf %mul3A_1457, %tanh3A_1455 : vector<1x2048xf32>
    %add3A_1459 = arith.addf %mul3A_1458, %get3A_1389 : vector<1x2048xf32>
    %reduce_max3A_1460 = arith.constant dense<0xFF800000> : vector<1xf32>
    %reduce_max3A_1461 = vector.multi_reduction <maximumf>, %add3A_1459, %reduce_max3A_1460 [1] : vector<1x2048xf32> to vector<1xf32>
    %broadcast_in_dim3A_1462 = vector.shape_cast %reduce_max3A_1461 : vector<1xf32> to vector<1x1xf32>
    %sub3A_1463 = vector.broadcast %broadcast_in_dim3A_1462 : vector<1x1xf32> to vector<1x2048xf32>
    %sub3A_1464 = arith.subf %add3A_1459, %sub3A_1463 : vector<1x2048xf32>
    %exp3A_1465 = math.exp %sub3A_1464 : vector<1x2048xf32>
    %reduce_sum3A_1466 = arith.constant dense<0.000000e+00> : vector<1xf32>
    %reduce_sum3A_1467 = vector.multi_reduction <add>, %exp3A_1465, %reduce_sum3A_1466 [1] : vector<1x2048xf32> to vector<1xf32>
    %broadcast_in_dim3A_1468 = vector.shape_cast %reduce_sum3A_1467 : vector<1xf32> to vector<1x1xf32>
    %div3A_1469 = vector.broadcast %broadcast_in_dim3A_1468 : vector<1x1xf32> to vector<1x2048xf32>
    %div3A_1470 = arith.divf %exp3A_1465, %div3A_1469 : vector<1x2048xf32>
    %swap3A_1471 = arith.constant 10 : index
    %swap3A_1472 = arith.constant 0 : index
    %swap3A_1473 = arith.constant 0 : index
    %swap3A_1474 = vector.load %arg15[%swap3A_1471, %swap3A_1472, %swap3A_1473] : memref<16x1x2048xf32, #tpu.memory_space<vmem>>, vector<1x1x2048xf32>
    %swap3A_1475 = vector.shape_cast %swap3A_1474 : vector<1x1x2048xf32> to vector<1x2048xf32>
    %swap3A_1476 = vector.shape_cast %div3A_1470 : vector<1x2048xf32> to vector<1x1x2048xf32>
    tpu.vector_store %arg15[%swap3A_1471, %swap3A_1472, %swap3A_1473], %swap3A_1476 {strides = array<i32>} : memref<16x1x2048xf32, #tpu.memory_space<vmem>>, vector<1x1x2048xf32>,
    %reduce_max3A_1477 = arith.constant dense<0xFF800000> : vector<1xf32>
    %reduce_max3A_1478 = vector.multi_reduction <maximumf>, %div3A_1470, %reduce_max3A_1477 [1] : vector<1x2048xf32> to vector<1xf32>
    %broadcast_in_dim3A_1479 = vector.shape_cast %reduce_max3A_1478 : vector<1xf32> to vector<1x1xf32>
    %get3A_1480 = arith.constant 10 : index
    %get3A_1481 = arith.constant 0 : index
    %get3A_1482 = arith.constant 0 : index
    %get3A_1483 = vector.load %arg5[%get3A_1480, %get3A_1481, %get3A_1482] : memref<16x1x2048xi32, #tpu.memory_space<vmem>>, vector<1x1x2048xi32>
    %get3A_1484 = vector.shape_cast %get3A_1483 : vector<1x1x2048xi32> to vector<1x2048xi32>
    %eq3A_1485 = vector.broadcast %broadcast_in_dim3A_1479 : vector<1x1xf32> to vector<1x2048xf32>
    %eq3A_1486 = arith.cmpf oeq, %div3A_1470, %eq3A_1485 : vector<1x2048xf32>
    %jit3A_1487 = arith.constant 2147483647 : i32
    %broadcast_in_dim3A_1488 = vector.broadcast %jit3A_1487 : i32 to vector<1x2048xi32>
    %select_n3A_1489 = arith.select %eq3A_1486, %get3A_1484, %broadcast_in_dim3A_1488 : vector<1x2048xi1>, vector<1x2048xi32>
    %reduce_min3A_1490 = arith.constant dense<2147483647> : vector<1xi32>
    %reduce_min3A_1491 = vector.multi_reduction <minsi>, %select_n3A_1489, %reduce_min3A_1490 [1] : vector<1x2048xi32> to vector<1xi32>
    %broadcast_in_dim3A_1492 = vector.shape_cast %reduce_min3A_1491 : vector<1xi32> to vector<1x1xi32>
    %swap3A_1493 = arith.constant 10 : index
    %swap3A_1494 = arith.constant 0 : index
    %swap3A_1495 = arith.constant 0 : index
    %swap3A_1496 = vector.load %arg16[%swap3A_1493, %swap3A_1494, %swap3A_1495] : memref<16x1x1xi32, #tpu.memory_space<vmem>>, vector<1x1x1xi32>
    %swap3A_1497 = vector.shape_cast %swap3A_1496 : vector<1x1x1xi32> to vector<1x1xi32>
    %swap3A_1498 = vector.shape_cast %broadcast_in_dim3A_1492 : vector<1x1xi32> to vector<1x1x1xi32>
    tpu.vector_store %arg16[%swap3A_1493, %swap3A_1494, %swap3A_1495], %swap3A_1498 {strides = array<i32>} : memref<16x1x1xi32, #tpu.memory_space<vmem>>, vector<1x1x1xi32>,
    %swap3A_1499 = arith.constant 10 : index
    %swap3A_1500 = arith.constant 0 : index
    %swap3A_1501 = arith.constant 0 : index
    %swap3A_1502 = vector.load %arg17[%swap3A_1499, %swap3A_1500, %swap3A_1501] : memref<16x1x1xf32, #tpu.memory_space<vmem>>, vector<1x1x1xf32>
    %swap3A_1503 = vector.shape_cast %swap3A_1502 : vector<1x1x1xf32> to vector<1x1xf32>
    %swap3A_1504 = vector.shape_cast %broadcast_in_dim3A_1479 : vector<1x1xf32> to vector<1x1x1xf32>
    tpu.vector_store %arg17[%swap3A_1499, %swap3A_1500, %swap3A_1501], %swap3A_1504 {strides = array<i32>} : memref<16x1x1xf32, #tpu.memory_space<vmem>>, vector<1x1x1xf32>,
    %get3A_1505 = arith.constant 11 : index
    %get3A_1506 = arith.constant 0 : index
    %get3A_1507 = arith.constant 0 : index
    %get3A_1508 = vector.load %arg1[%get3A_1505, %get3A_1506, %get3A_1507] : memref<16x1x2176xf32, #tpu.memory_space<vmem>>, vector<1x1x2176xf32>
    %get3A_1509 = vector.shape_cast %get3A_1508 : vector<1x1x2176xf32> to vector<1x2176xf32>
    %get3A_1510 = arith.constant 11 : index
    %get3A_1511 = arith.constant 0 : index
    %get3A_1512 = arith.constant 0 : index
    %get3A_1513 = vector.load %arg2[%get3A_1510, %get3A_1511, %get3A_1512] : memref<16x1x2176xf32, #tpu.memory_space<vmem>>, vector<1x1x2176xf32>
    %get3A_1514 = vector.shape_cast %get3A_1513 : vector<1x1x2176xf32> to vector<1x2176xf32>
    %get3A_1515 = arith.constant 11 : index
    %get3A_1516 = arith.constant 0 : index
    %get3A_1517 = arith.constant 0 : index
    %get3A_1518 = vector.load %arg3[%get3A_1515, %get3A_1516, %get3A_1517] : memref<16x1x2048xf32, #tpu.memory_space<vmem>>, vector<1x1x2048xf32>
    %get3A_1519 = vector.shape_cast %get3A_1518 : vector<1x1x2048xf32> to vector<1x2048xf32>
    %get3A_1520 = arith.constant 11 : index
    %get3A_1521 = arith.constant 0 : index
    %get3A_1522 = arith.constant 0 : index
    %get3A_1523 = vector.load %arg4[%get3A_1520, %get3A_1521, %get3A_1522] : memref<16x1x2048xf32, #tpu.memory_space<vmem>>, vector<1x1x2048xf32>
    %get3A_1524 = vector.shape_cast %get3A_1523 : vector<1x1x2048xf32> to vector<1x2048xf32>
    %mul3A_1525 = vector.broadcast %slice3A : vector<128x1xf32> to vector<128x2176xf32>
    %mul3A_1526 = vector.broadcast %get3A_1509 : vector<1x2176xf32> to vector<128x2176xf32>
    %mul3A_1527 = arith.mulf %mul3A_1525, %mul3A_1526 : vector<128x2176xf32>
    %mul3A_1528 = vector.broadcast %slice3A_33 : vector<128x1xf32> to vector<128x2176xf32>
    %mul3A_1529 = vector.broadcast %get3A_1514 : vector<1x2176xf32> to vector<128x2176xf32>
    %mul3A_1530 = arith.mulf %mul3A_1528, %mul3A_1529 : vector<128x2176xf32>
    %add3A_1531 = arith.addf %mul3A_1527, %mul3A_1530 : vector<128x2176xf32>
    %add3A_1532 = vector.broadcast %get3A_4 : vector<128x1xf32> to vector<128x2176xf32>
    %add3A_1533 = arith.addf %add3A_1531, %add3A_1532 : vector<128x2176xf32>
    %slice3A_1534 = vector.extract_strided_slice %dot_general3A_26 {offsets = [0, 0], sizes = [128, 1], strides = [1, 1]} : vector<128x2xf32> to vector<128x1xf32>
    %mul3A_1535 = vector.broadcast %slice3A_1534 : vector<128x1xf32> to vector<128x2176xf32>
    %mul3A_1536 = vector.broadcast %get3A_1509 : vector<1x2176xf32> to vector<128x2176xf32>
    %mul3A_1537 = arith.mulf %mul3A_1535, %mul3A_1536 : vector<128x2176xf32>
    %slice3A_1538 = vector.extract_strided_slice %dot_general3A_26 {offsets = [0, 1], sizes = [128, 1], strides = [1, 1]} : vector<128x2xf32> to vector<128x1xf32>
    %mul3A_1539 = vector.broadcast %slice3A_1538 : vector<128x1xf32> to vector<128x2176xf32>
    %mul3A_1540 = vector.broadcast %get3A_1514 : vector<1x2176xf32> to vector<128x2176xf32>
    %mul3A_1541 = arith.mulf %mul3A_1539, %mul3A_1540 : vector<128x2176xf32>
    %add3A_1542 = arith.addf %mul3A_1537, %mul3A_1541 : vector<128x2176xf32>
    %add3A_1543 = vector.broadcast %dot_general3A_28 : vector<128x1xf32> to vector<128x2176xf32>
    %add3A_1544 = arith.addf %add3A_1542, %add3A_1543 : vector<128x2176xf32>
    %slice3A_1545 = vector.extract_strided_slice %dot_general3A_30 {offsets = [0, 0], sizes = [128, 1], strides = [1, 1]} : vector<128x2xf32> to vector<128x1xf32>
    %mul3A_1546 = vector.broadcast %slice3A_1545 : vector<128x1xf32> to vector<128x2176xf32>
    %mul3A_1547 = vector.broadcast %get3A_1509 : vector<1x2176xf32> to vector<128x2176xf32>
    %mul3A_1548 = arith.mulf %mul3A_1546, %mul3A_1547 : vector<128x2176xf32>
    %slice3A_1549 = vector.extract_strided_slice %dot_general3A_30 {offsets = [0, 1], sizes = [128, 1], strides = [1, 1]} : vector<128x2xf32> to vector<128x1xf32>
    %mul3A_1550 = vector.broadcast %slice3A_1549 : vector<128x1xf32> to vector<128x2176xf32>
    %mul3A_1551 = vector.broadcast %get3A_1514 : vector<1x2176xf32> to vector<128x2176xf32>
    %mul3A_1552 = arith.mulf %mul3A_1550, %mul3A_1551 : vector<128x2176xf32>
    %add3A_1553 = arith.addf %mul3A_1548, %mul3A_1552 : vector<128x2176xf32>
    %add3A_1554 = vector.broadcast %dot_general3A_32 : vector<128x1xf32> to vector<128x2176xf32>
    %add3A_1555 = arith.addf %add3A_1553, %add3A_1554 : vector<128x2176xf32>
    %slice3A_1556 = vector.extract_strided_slice %add3A_1533 {offsets = [0, 2048], sizes = [128, 1], strides = [1, 1]} : vector<128x2176xf32> to vector<128x1xf32>
    %dot_general3A_1557 = arith.constant dense<0.000000e+00> : vector<128x1xf32>
    %dot_general3A_1558 = tpu.matmul %add3A, %slice3A_1556, %dot_general3A_1557 {dimension_numbers = #tpu.dot_dimension_numbers<[1], [0], [0], [1], [0, 0, 1, 1], [], []>, precision = #tpu.contract_precision<fp32>, transpose_lhs_hint = false} : vector<128x128xf32>, vector<128x1xf32>, vector<128x1xf32> -> vector<128x1xf32>
    %slice3A_1559 = vector.extract_strided_slice %add3A_1544 {offsets = [0, 0], sizes = [128, 2048], strides = [1, 1]} : vector<128x2176xf32> to vector<128x2048xf32>
    %exp3A_1560 = math.exp %slice3A_1559 : vector<128x2048xf32>
    %slice3A_1561 = vector.extract_strided_slice %add3A_1555 {offsets = [0, 0], sizes = [128, 2048], strides = [1, 1]} : vector<128x2176xf32> to vector<128x2048xf32>
    %mul3A_1562 = arith.mulf %exp3A_1560, %slice3A_1561 : vector<128x2048xf32>
    %mul3A_1563 = arith.mulf %get3A_19, %get3A_22 : vector<1x1xf32>
    %mul3A_1564 = vector.broadcast %mul3A_1563 : vector<1x1xf32> to vector<1x2048xf32>
    %mul3A_1565 = arith.mulf %mul3A_1564, %get3A_1519 : vector<1x2048xf32>
    %sub3A_1566 = arith.subf %get3A_1524, %mul3A_1565 : vector<1x2048xf32>
    %exp3A_1567 = math.exp %sub3A_1566 : vector<1x2048xf32>
    %dot_general3A_1568 = arith.constant dense<0.000000e+00> : vector<128x1xf32>
    %dot_general3A_1569 = tpu.matmul %mul3A_1562, %exp3A_1567, %dot_general3A_1568 {dimension_numbers = #tpu.dot_dimension_numbers<[1], [1], [0], [0], [0, 0, 1, 0], [], []>, precision = #tpu.contract_precision<fp32>, transpose_lhs_hint = false} : vector<128x2048xf32>, vector<1x2048xf32>, vector<128x1xf32> -> vector<128x1xf32>
    %dot_general3A_1570 = arith.constant dense<0.000000e+00> : vector<128x1xf32>
    %dot_general3A_1571 = tpu.matmul %exp3A_1560, %exp3A_1567, %dot_general3A_1570 {dimension_numbers = #tpu.dot_dimension_numbers<[1], [1], [0], [0], [0, 0, 1, 0], [], []>, precision = #tpu.contract_precision<fp32>, transpose_lhs_hint = false} : vector<128x2048xf32>, vector<1x2048xf32>, vector<128x1xf32> -> vector<128x1xf32>
    %logistic3A_1572 = arith.negf %dot_general3A_1558 : vector<128x1xf32>
    %logistic3A_1573 = math.exp %logistic3A_1572 : vector<128x1xf32>
    %logistic3A_1574 = arith.constant 1.000000e+00 : f32
    %logistic3A_1575 = vector.broadcast %logistic3A_1574 : f32 to vector<128x1xf32>
    %logistic3A_1576 = arith.addf %logistic3A_1575, %logistic3A_1573 : vector<128x1xf32>
    %logistic3A_1577 = arith.divf %logistic3A_1575, %logistic3A_1576 : vector<128x1xf32>
    %mul3A_1578 = arith.mulf %logistic3A_1577, %dot_general3A_1569 : vector<128x1xf32>
    %div3A_1579 = arith.divf %mul3A_1578, %dot_general3A_1571 : vector<128x1xf32>
    %slice3A_1580 = vector.extract_strided_slice %add3A_1533 {offsets = [0, 0], sizes = [128, 2048], strides = [1, 1]} : vector<128x2176xf32> to vector<128x2048xf32>
    %dot_general3A_1581 = arith.constant dense<0.000000e+00> : vector<1x2048xf32>
    %dot_general3A_1582 = tpu.matmul %div3A_1579, %slice3A_1580, %dot_general3A_1581 {dimension_numbers = #tpu.dot_dimension_numbers<[0], [0], [1], [1], [0, 1, 1, 1], [], []>, precision = #tpu.contract_precision<fp32>, transpose_lhs_hint = false} : vector<128x1xf32>, vector<128x2048xf32>, vector<1x2048xf32> -> vector<1x2048xf32>
    %mul3A_1583 = arith.constant 0.0883883461 : f32
    %mul3A_1584 = vector.broadcast %mul3A_1583 : f32 to vector<1x2048xf32>
    %mul3A_1585 = arith.mulf %dot_general3A_1582, %mul3A_1584 : vector<1x2048xf32>
    %mul3A_1586 = arith.mulf %get3A_19, %get3A_25 : vector<1x1xf32>
    %mul3A_1587 = vector.broadcast %mul3A_1586 : vector<1x1xf32> to vector<1x2048xf32>
    %mul3A_1588 = arith.mulf %mul3A_1587, %get3A_1519 : vector<1x2048xf32>
    %sub3A_1589 = arith.subf %mul3A_1585, %mul3A_1588 : vector<1x2048xf32>
    %tanh3A_1590 = math.tanh %sub3A_1589 : vector<1x2048xf32>
    %mul3A_1591 = arith.constant 1.000000e+01 : f32
    %mul3A_1592 = vector.broadcast %mul3A_1591 : f32 to vector<1x2048xf32>
    %mul3A_1593 = arith.mulf %mul3A_1592, %tanh3A_1590 : vector<1x2048xf32>
    %add3A_1594 = arith.addf %mul3A_1593, %get3A_1524 : vector<1x2048xf32>
    %reduce_max3A_1595 = arith.constant dense<0xFF800000> : vector<1xf32>
    %reduce_max3A_1596 = vector.multi_reduction <maximumf>, %add3A_1594, %reduce_max3A_1595 [1] : vector<1x2048xf32> to vector<1xf32>
    %broadcast_in_dim3A_1597 = vector.shape_cast %reduce_max3A_1596 : vector<1xf32> to vector<1x1xf32>
    %sub3A_1598 = vector.broadcast %broadcast_in_dim3A_1597 : vector<1x1xf32> to vector<1x2048xf32>
    %sub3A_1599 = arith.subf %add3A_1594, %sub3A_1598 : vector<1x2048xf32>
    %exp3A_1600 = math.exp %sub3A_1599 : vector<1x2048xf32>
    %reduce_sum3A_1601 = arith.constant dense<0.000000e+00> : vector<1xf32>
    %reduce_sum3A_1602 = vector.multi_reduction <add>, %exp3A_1600, %reduce_sum3A_1601 [1] : vector<1x2048xf32> to vector<1xf32>
    %broadcast_in_dim3A_1603 = vector.shape_cast %reduce_sum3A_1602 : vector<1xf32> to vector<1x1xf32>
    %div3A_1604 = vector.broadcast %broadcast_in_dim3A_1603 : vector<1x1xf32> to vector<1x2048xf32>
    %div3A_1605 = arith.divf %exp3A_1600, %div3A_1604 : vector<1x2048xf32>
    %swap3A_1606 = arith.constant 11 : index
    %swap3A_1607 = arith.constant 0 : index
    %swap3A_1608 = arith.constant 0 : index
    %swap3A_1609 = vector.load %arg15[%swap3A_1606, %swap3A_1607, %swap3A_1608] : memref<16x1x2048xf32, #tpu.memory_space<vmem>>, vector<1x1x2048xf32>
    %swap3A_1610 = vector.shape_cast %swap3A_1609 : vector<1x1x2048xf32> to vector<1x2048xf32>
    %swap3A_1611 = vector.shape_cast %div3A_1605 : vector<1x2048xf32> to vector<1x1x2048xf32>
    tpu.vector_store %arg15[%swap3A_1606, %swap3A_1607, %swap3A_1608], %swap3A_1611 {strides = array<i32>} : memref<16x1x2048xf32, #tpu.memory_space<vmem>>, vector<1x1x2048xf32>,
    %reduce_max3A_1612 = arith.constant dense<0xFF800000> : vector<1xf32>
    %reduce_max3A_1613 = vector.multi_reduction <maximumf>, %div3A_1605, %reduce_max3A_1612 [1] : vector<1x2048xf32> to vector<1xf32>
    %broadcast_in_dim3A_1614 = vector.shape_cast %reduce_max3A_1613 : vector<1xf32> to vector<1x1xf32>
    %get3A_1615 = arith.constant 11 : index
    %get3A_1616 = arith.constant 0 : index
    %get3A_1617 = arith.constant 0 : index
    %get3A_1618 = vector.load %arg5[%get3A_1615, %get3A_1616, %get3A_1617] : memref<16x1x2048xi32, #tpu.memory_space<vmem>>, vector<1x1x2048xi32>
    %get3A_1619 = vector.shape_cast %get3A_1618 : vector<1x1x2048xi32> to vector<1x2048xi32>
    %eq3A_1620 = vector.broadcast %broadcast_in_dim3A_1614 : vector<1x1xf32> to vector<1x2048xf32>
    %eq3A_1621 = arith.cmpf oeq, %div3A_1605, %eq3A_1620 : vector<1x2048xf32>
    %jit3A_1622 = arith.constant 2147483647 : i32
    %broadcast_in_dim3A_1623 = vector.broadcast %jit3A_1622 : i32 to vector<1x2048xi32>
    %select_n3A_1624 = arith.select %eq3A_1621, %get3A_1619, %broadcast_in_dim3A_1623 : vector<1x2048xi1>, vector<1x2048xi32>
    %reduce_min3A_1625 = arith.constant dense<2147483647> : vector<1xi32>
    %reduce_min3A_1626 = vector.multi_reduction <minsi>, %select_n3A_1624, %reduce_min3A_1625 [1] : vector<1x2048xi32> to vector<1xi32>
    %broadcast_in_dim3A_1627 = vector.shape_cast %reduce_min3A_1626 : vector<1xi32> to vector<1x1xi32>
    %swap3A_1628 = arith.constant 11 : index
    %swap3A_1629 = arith.constant 0 : index
    %swap3A_1630 = arith.constant 0 : index
    %swap3A_1631 = vector.load %arg16[%swap3A_1628, %swap3A_1629, %swap3A_1630] : memref<16x1x1xi32, #tpu.memory_space<vmem>>, vector<1x1x1xi32>
    %swap3A_1632 = vector.shape_cast %swap3A_1631 : vector<1x1x1xi32> to vector<1x1xi32>
    %swap3A_1633 = vector.shape_cast %broadcast_in_dim3A_1627 : vector<1x1xi32> to vector<1x1x1xi32>
    tpu.vector_store %arg16[%swap3A_1628, %swap3A_1629, %swap3A_1630], %swap3A_1633 {strides = array<i32>} : memref<16x1x1xi32, #tpu.memory_space<vmem>>, vector<1x1x1xi32>,
    %swap3A_1634 = arith.constant 11 : index
    %swap3A_1635 = arith.constant 0 : index
    %swap3A_1636 = arith.constant 0 : index
    %swap3A_1637 = vector.load %arg17[%swap3A_1634, %swap3A_1635, %swap3A_1636] : memref<16x1x1xf32, #tpu.memory_space<vmem>>, vector<1x1x1xf32>
    %swap3A_1638 = vector.shape_cast %swap3A_1637 : vector<1x1x1xf32> to vector<1x1xf32>
    %swap3A_1639 = vector.shape_cast %broadcast_in_dim3A_1614 : vector<1x1xf32> to vector<1x1x1xf32>
    tpu.vector_store %arg17[%swap3A_1634, %swap3A_1635, %swap3A_1636], %swap3A_1639 {strides = array<i32>} : memref<16x1x1xf32, #tpu.memory_space<vmem>>, vector<1x1x1xf32>,
    %get3A_1640 = arith.constant 12 : index
    %get3A_1641 = arith.constant 0 : index
    %get3A_1642 = arith.constant 0 : index
    %get3A_1643 = vector.load %arg1[%get3A_1640, %get3A_1641, %get3A_1642] : memref<16x1x2176xf32, #tpu.memory_space<vmem>>, vector<1x1x2176xf32>
    %get3A_1644 = vector.shape_cast %get3A_1643 : vector<1x1x2176xf32> to vector<1x2176xf32>
    %get3A_1645 = arith.constant 12 : index
    %get3A_1646 = arith.constant 0 : index
    %get3A_1647 = arith.constant 0 : index
    %get3A_1648 = vector.load %arg2[%get3A_1645, %get3A_1646, %get3A_1647] : memref<16x1x2176xf32, #tpu.memory_space<vmem>>, vector<1x1x2176xf32>
    %get3A_1649 = vector.shape_cast %get3A_1648 : vector<1x1x2176xf32> to vector<1x2176xf32>
    %get3A_1650 = arith.constant 12 : index
    %get3A_1651 = arith.constant 0 : index
    %get3A_1652 = arith.constant 0 : index
    %get3A_1653 = vector.load %arg3[%get3A_1650, %get3A_1651, %get3A_1652] : memref<16x1x2048xf32, #tpu.memory_space<vmem>>, vector<1x1x2048xf32>
    %get3A_1654 = vector.shape_cast %get3A_1653 : vector<1x1x2048xf32> to vector<1x2048xf32>
    %get3A_1655 = arith.constant 12 : index
    %get3A_1656 = arith.constant 0 : index
    %get3A_1657 = arith.constant 0 : index
    %get3A_1658 = vector.load %arg4[%get3A_1655, %get3A_1656, %get3A_1657] : memref<16x1x2048xf32, #tpu.memory_space<vmem>>, vector<1x1x2048xf32>
    %get3A_1659 = vector.shape_cast %get3A_1658 : vector<1x1x2048xf32> to vector<1x2048xf32>
    %mul3A_1660 = vector.broadcast %slice3A : vector<128x1xf32> to vector<128x2176xf32>
    %mul3A_1661 = vector.broadcast %get3A_1644 : vector<1x2176xf32> to vector<128x2176xf32>
    %mul3A_1662 = arith.mulf %mul3A_1660, %mul3A_1661 : vector<128x2176xf32>
    %mul3A_1663 = vector.broadcast %slice3A_33 : vector<128x1xf32> to vector<128x2176xf32>
    %mul3A_1664 = vector.broadcast %get3A_1649 : vector<1x2176xf32> to vector<128x2176xf32>
    %mul3A_1665 = arith.mulf %mul3A_1663, %mul3A_1664 : vector<128x2176xf32>
    %add3A_1666 = arith.addf %mul3A_1662, %mul3A_1665 : vector<128x2176xf32>
    %add3A_1667 = vector.broadcast %get3A_4 : vector<128x1xf32> to vector<128x2176xf32>
    %add3A_1668 = arith.addf %add3A_1666, %add3A_1667 : vector<128x2176xf32>
    %slice3A_1669 = vector.extract_strided_slice %dot_general3A_26 {offsets = [0, 0], sizes = [128, 1], strides = [1, 1]} : vector<128x2xf32> to vector<128x1xf32>
    %mul3A_1670 = vector.broadcast %slice3A_1669 : vector<128x1xf32> to vector<128x2176xf32>
    %mul3A_1671 = vector.broadcast %get3A_1644 : vector<1x2176xf32> to vector<128x2176xf32>
    %mul3A_1672 = arith.mulf %mul3A_1670, %mul3A_1671 : vector<128x2176xf32>
    %slice3A_1673 = vector.extract_strided_slice %dot_general3A_26 {offsets = [0, 1], sizes = [128, 1], strides = [1, 1]} : vector<128x2xf32> to vector<128x1xf32>
    %mul3A_1674 = vector.broadcast %slice3A_1673 : vector<128x1xf32> to vector<128x2176xf32>
    %mul3A_1675 = vector.broadcast %get3A_1649 : vector<1x2176xf32> to vector<128x2176xf32>
    %mul3A_1676 = arith.mulf %mul3A_1674, %mul3A_1675 : vector<128x2176xf32>
    %add3A_1677 = arith.addf %mul3A_1672, %mul3A_1676 : vector<128x2176xf32>
    %add3A_1678 = vector.broadcast %dot_general3A_28 : vector<128x1xf32> to vector<128x2176xf32>
    %add3A_1679 = arith.addf %add3A_1677, %add3A_1678 : vector<128x2176xf32>
    %slice3A_1680 = vector.extract_strided_slice %dot_general3A_30 {offsets = [0, 0], sizes = [128, 1], strides = [1, 1]} : vector<128x2xf32> to vector<128x1xf32>
    %mul3A_1681 = vector.broadcast %slice3A_1680 : vector<128x1xf32> to vector<128x2176xf32>
    %mul3A_1682 = vector.broadcast %get3A_1644 : vector<1x2176xf32> to vector<128x2176xf32>
    %mul3A_1683 = arith.mulf %mul3A_1681, %mul3A_1682 : vector<128x2176xf32>
    %slice3A_1684 = vector.extract_strided_slice %dot_general3A_30 {offsets = [0, 1], sizes = [128, 1], strides = [1, 1]} : vector<128x2xf32> to vector<128x1xf32>
    %mul3A_1685 = vector.broadcast %slice3A_1684 : vector<128x1xf32> to vector<128x2176xf32>
    %mul3A_1686 = vector.broadcast %get3A_1649 : vector<1x2176xf32> to vector<128x2176xf32>
    %mul3A_1687 = arith.mulf %mul3A_1685, %mul3A_1686 : vector<128x2176xf32>
    %add3A_1688 = arith.addf %mul3A_1683, %mul3A_1687 : vector<128x2176xf32>
    %add3A_1689 = vector.broadcast %dot_general3A_32 : vector<128x1xf32> to vector<128x2176xf32>
    %add3A_1690 = arith.addf %add3A_1688, %add3A_1689 : vector<128x2176xf32>
    %slice3A_1691 = vector.extract_strided_slice %add3A_1668 {offsets = [0, 2048], sizes = [128, 1], strides = [1, 1]} : vector<128x2176xf32> to vector<128x1xf32>
    %dot_general3A_1692 = arith.constant dense<0.000000e+00> : vector<128x1xf32>
    %dot_general3A_1693 = tpu.matmul %add3A, %slice3A_1691, %dot_general3A_1692 {dimension_numbers = #tpu.dot_dimension_numbers<[1], [0], [0], [1], [0, 0, 1, 1], [], []>, precision = #tpu.contract_precision<fp32>, transpose_lhs_hint = false} : vector<128x128xf32>, vector<128x1xf32>, vector<128x1xf32> -> vector<128x1xf32>
    %slice3A_1694 = vector.extract_strided_slice %add3A_1679 {offsets = [0, 0], sizes = [128, 2048], strides = [1, 1]} : vector<128x2176xf32> to vector<128x2048xf32>
    %exp3A_1695 = math.exp %slice3A_1694 : vector<128x2048xf32>
    %slice3A_1696 = vector.extract_strided_slice %add3A_1690 {offsets = [0, 0], sizes = [128, 2048], strides = [1, 1]} : vector<128x2176xf32> to vector<128x2048xf32>
    %mul3A_1697 = arith.mulf %exp3A_1695, %slice3A_1696 : vector<128x2048xf32>
    %mul3A_1698 = arith.mulf %get3A_19, %get3A_22 : vector<1x1xf32>
    %mul3A_1699 = vector.broadcast %mul3A_1698 : vector<1x1xf32> to vector<1x2048xf32>
    %mul3A_1700 = arith.mulf %mul3A_1699, %get3A_1654 : vector<1x2048xf32>
    %sub3A_1701 = arith.subf %get3A_1659, %mul3A_1700 : vector<1x2048xf32>
    %exp3A_1702 = math.exp %sub3A_1701 : vector<1x2048xf32>
    %dot_general3A_1703 = arith.constant dense<0.000000e+00> : vector<128x1xf32>
    %dot_general3A_1704 = tpu.matmul %mul3A_1697, %exp3A_1702, %dot_general3A_1703 {dimension_numbers = #tpu.dot_dimension_numbers<[1], [1], [0], [0], [0, 0, 1, 0], [], []>, precision = #tpu.contract_precision<fp32>, transpose_lhs_hint = false} : vector<128x2048xf32>, vector<1x2048xf32>, vector<128x1xf32> -> vector<128x1xf32>
    %dot_general3A_1705 = arith.constant dense<0.000000e+00> : vector<128x1xf32>
    %dot_general3A_1706 = tpu.matmul %exp3A_1695, %exp3A_1702, %dot_general3A_1705 {dimension_numbers = #tpu.dot_dimension_numbers<[1], [1], [0], [0], [0, 0, 1, 0], [], []>, precision = #tpu.contract_precision<fp32>, transpose_lhs_hint = false} : vector<128x2048xf32>, vector<1x2048xf32>, vector<128x1xf32> -> vector<128x1xf32>
    %logistic3A_1707 = arith.negf %dot_general3A_1693 : vector<128x1xf32>
    %logistic3A_1708 = math.exp %logistic3A_1707 : vector<128x1xf32>
    %logistic3A_1709 = arith.constant 1.000000e+00 : f32
    %logistic3A_1710 = vector.broadcast %logistic3A_1709 : f32 to vector<128x1xf32>
    %logistic3A_1711 = arith.addf %logistic3A_1710, %logistic3A_1708 : vector<128x1xf32>
    %logistic3A_1712 = arith.divf %logistic3A_1710, %logistic3A_1711 : vector<128x1xf32>
    %mul3A_1713 = arith.mulf %logistic3A_1712, %dot_general3A_1704 : vector<128x1xf32>
    %div3A_1714 = arith.divf %mul3A_1713, %dot_general3A_1706 : vector<128x1xf32>
    %slice3A_1715 = vector.extract_strided_slice %add3A_1668 {offsets = [0, 0], sizes = [128, 2048], strides = [1, 1]} : vector<128x2176xf32> to vector<128x2048xf32>
    %dot_general3A_1716 = arith.constant dense<0.000000e+00> : vector<1x2048xf32>
    %dot_general3A_1717 = tpu.matmul %div3A_1714, %slice3A_1715, %dot_general3A_1716 {dimension_numbers = #tpu.dot_dimension_numbers<[0], [0], [1], [1], [0, 1, 1, 1], [], []>, precision = #tpu.contract_precision<fp32>, transpose_lhs_hint = false} : vector<128x1xf32>, vector<128x2048xf32>, vector<1x2048xf32> -> vector<1x2048xf32>
    %mul3A_1718 = arith.constant 0.0883883461 : f32
    %mul3A_1719 = vector.broadcast %mul3A_1718 : f32 to vector<1x2048xf32>
    %mul3A_1720 = arith.mulf %dot_general3A_1717, %mul3A_1719 : vector<1x2048xf32>
    %mul3A_1721 = arith.mulf %get3A_19, %get3A_25 : vector<1x1xf32>
    %mul3A_1722 = vector.broadcast %mul3A_1721 : vector<1x1xf32> to vector<1x2048xf32>
    %mul3A_1723 = arith.mulf %mul3A_1722, %get3A_1654 : vector<1x2048xf32>
    %sub3A_1724 = arith.subf %mul3A_1720, %mul3A_1723 : vector<1x2048xf32>
    %tanh3A_1725 = math.tanh %sub3A_1724 : vector<1x2048xf32>
    %mul3A_1726 = arith.constant 1.000000e+01 : f32
    %mul3A_1727 = vector.broadcast %mul3A_1726 : f32 to vector<1x2048xf32>
    %mul3A_1728 = arith.mulf %mul3A_1727, %tanh3A_1725 : vector<1x2048xf32>
    %add3A_1729 = arith.addf %mul3A_1728, %get3A_1659 : vector<1x2048xf32>
    %reduce_max3A_1730 = arith.constant dense<0xFF800000> : vector<1xf32>
    %reduce_max3A_1731 = vector.multi_reduction <maximumf>, %add3A_1729, %reduce_max3A_1730 [1] : vector<1x2048xf32> to vector<1xf32>
    %broadcast_in_dim3A_1732 = vector.shape_cast %reduce_max3A_1731 : vector<1xf32> to vector<1x1xf32>
    %sub3A_1733 = vector.broadcast %broadcast_in_dim3A_1732 : vector<1x1xf32> to vector<1x2048xf32>
    %sub3A_1734 = arith.subf %add3A_1729, %sub3A_1733 : vector<1x2048xf32>
    %exp3A_1735 = math.exp %sub3A_1734 : vector<1x2048xf32>
    %reduce_sum3A_1736 = arith.constant dense<0.000000e+00> : vector<1xf32>
    %reduce_sum3A_1737 = vector.multi_reduction <add>, %exp3A_1735, %reduce_sum3A_1736 [1] : vector<1x2048xf32> to vector<1xf32>
    %broadcast_in_dim3A_1738 = vector.shape_cast %reduce_sum3A_1737 : vector<1xf32> to vector<1x1xf32>
    %div3A_1739 = vector.broadcast %broadcast_in_dim3A_1738 : vector<1x1xf32> to vector<1x2048xf32>
    %div3A_1740 = arith.divf %exp3A_1735, %div3A_1739 : vector<1x2048xf32>
    %swap3A_1741 = arith.constant 12 : index
    %swap3A_1742 = arith.constant 0 : index
    %swap3A_1743 = arith.constant 0 : index
    %swap3A_1744 = vector.load %arg15[%swap3A_1741, %swap3A_1742, %swap3A_1743] : memref<16x1x2048xf32, #tpu.memory_space<vmem>>, vector<1x1x2048xf32>
    %swap3A_1745 = vector.shape_cast %swap3A_1744 : vector<1x1x2048xf32> to vector<1x2048xf32>
    %swap3A_1746 = vector.shape_cast %div3A_1740 : vector<1x2048xf32> to vector<1x1x2048xf32>
    tpu.vector_store %arg15[%swap3A_1741, %swap3A_1742, %swap3A_1743], %swap3A_1746 {strides = array<i32>} : memref<16x1x2048xf32, #tpu.memory_space<vmem>>, vector<1x1x2048xf32>,
    %reduce_max3A_1747 = arith.constant dense<0xFF800000> : vector<1xf32>
    %reduce_max3A_1748 = vector.multi_reduction <maximumf>, %div3A_1740, %reduce_max3A_1747 [1] : vector<1x2048xf32> to vector<1xf32>
    %broadcast_in_dim3A_1749 = vector.shape_cast %reduce_max3A_1748 : vector<1xf32> to vector<1x1xf32>
    %get3A_1750 = arith.constant 12 : index
    %get3A_1751 = arith.constant 0 : index
    %get3A_1752 = arith.constant 0 : index
    %get3A_1753 = vector.load %arg5[%get3A_1750, %get3A_1751, %get3A_1752] : memref<16x1x2048xi32, #tpu.memory_space<vmem>>, vector<1x1x2048xi32>
    %get3A_1754 = vector.shape_cast %get3A_1753 : vector<1x1x2048xi32> to vector<1x2048xi32>
    %eq3A_1755 = vector.broadcast %broadcast_in_dim3A_1749 : vector<1x1xf32> to vector<1x2048xf32>
    %eq3A_1756 = arith.cmpf oeq, %div3A_1740, %eq3A_1755 : vector<1x2048xf32>
    %jit3A_1757 = arith.constant 2147483647 : i32
    %broadcast_in_dim3A_1758 = vector.broadcast %jit3A_1757 : i32 to vector<1x2048xi32>
    %select_n3A_1759 = arith.select %eq3A_1756, %get3A_1754, %broadcast_in_dim3A_1758 : vector<1x2048xi1>, vector<1x2048xi32>
    %reduce_min3A_1760 = arith.constant dense<2147483647> : vector<1xi32>
    %reduce_min3A_1761 = vector.multi_reduction <minsi>, %select_n3A_1759, %reduce_min3A_1760 [1] : vector<1x2048xi32> to vector<1xi32>
    %broadcast_in_dim3A_1762 = vector.shape_cast %reduce_min3A_1761 : vector<1xi32> to vector<1x1xi32>
    %swap3A_1763 = arith.constant 12 : index
    %swap3A_1764 = arith.constant 0 : index
    %swap3A_1765 = arith.constant 0 : index
    %swap3A_1766 = vector.load %arg16[%swap3A_1763, %swap3A_1764, %swap3A_1765] : memref<16x1x1xi32, #tpu.memory_space<vmem>>, vector<1x1x1xi32>
    %swap3A_1767 = vector.shape_cast %swap3A_1766 : vector<1x1x1xi32> to vector<1x1xi32>
    %swap3A_1768 = vector.shape_cast %broadcast_in_dim3A_1762 : vector<1x1xi32> to vector<1x1x1xi32>
    tpu.vector_store %arg16[%swap3A_1763, %swap3A_1764, %swap3A_1765], %swap3A_1768 {strides = array<i32>} : memref<16x1x1xi32, #tpu.memory_space<vmem>>, vector<1x1x1xi32>,
    %swap3A_1769 = arith.constant 12 : index
    %swap3A_1770 = arith.constant 0 : index
    %swap3A_1771 = arith.constant 0 : index
    %swap3A_1772 = vector.load %arg17[%swap3A_1769, %swap3A_1770, %swap3A_1771] : memref<16x1x1xf32, #tpu.memory_space<vmem>>, vector<1x1x1xf32>
    %swap3A_1773 = vector.shape_cast %swap3A_1772 : vector<1x1x1xf32> to vector<1x1xf32>
    %swap3A_1774 = vector.shape_cast %broadcast_in_dim3A_1749 : vector<1x1xf32> to vector<1x1x1xf32>
    tpu.vector_store %arg17[%swap3A_1769, %swap3A_1770, %swap3A_1771], %swap3A_1774 {strides = array<i32>} : memref<16x1x1xf32, #tpu.memory_space<vmem>>, vector<1x1x1xf32>,
    %get3A_1775 = arith.constant 13 : index
    %get3A_1776 = arith.constant 0 : index
    %get3A_1777 = arith.constant 0 : index
    %get3A_1778 = vector.load %arg1[%get3A_1775, %get3A_1776, %get3A_1777] : memref<16x1x2176xf32, #tpu.memory_space<vmem>>, vector<1x1x2176xf32>
    %get3A_1779 = vector.shape_cast %get3A_1778 : vector<1x1x2176xf32> to vector<1x2176xf32>
    %get3A_1780 = arith.constant 13 : index
    %get3A_1781 = arith.constant 0 : index
    %get3A_1782 = arith.constant 0 : index
    %get3A_1783 = vector.load %arg2[%get3A_1780, %get3A_1781, %get3A_1782] : memref<16x1x2176xf32, #tpu.memory_space<vmem>>, vector<1x1x2176xf32>
    %get3A_1784 = vector.shape_cast %get3A_1783 : vector<1x1x2176xf32> to vector<1x2176xf32>
    %get3A_1785 = arith.constant 13 : index
    %get3A_1786 = arith.constant 0 : index
    %get3A_1787 = arith.constant 0 : index
    %get3A_1788 = vector.load %arg3[%get3A_1785, %get3A_1786, %get3A_1787] : memref<16x1x2048xf32, #tpu.memory_space<vmem>>, vector<1x1x2048xf32>
    %get3A_1789 = vector.shape_cast %get3A_1788 : vector<1x1x2048xf32> to vector<1x2048xf32>
    %get3A_1790 = arith.constant 13 : index
    %get3A_1791 = arith.constant 0 : index
    %get3A_1792 = arith.constant 0 : index
    %get3A_1793 = vector.load %arg4[%get3A_1790, %get3A_1791, %get3A_1792] : memref<16x1x2048xf32, #tpu.memory_space<vmem>>, vector<1x1x2048xf32>
    %get3A_1794 = vector.shape_cast %get3A_1793 : vector<1x1x2048xf32> to vector<1x2048xf32>
    %mul3A_1795 = vector.broadcast %slice3A : vector<128x1xf32> to vector<128x2176xf32>
    %mul3A_1796 = vector.broadcast %get3A_1779 : vector<1x2176xf32> to vector<128x2176xf32>
    %mul3A_1797 = arith.mulf %mul3A_1795, %mul3A_1796 : vector<128x2176xf32>
    %mul3A_1798 = vector.broadcast %slice3A_33 : vector<128x1xf32> to vector<128x2176xf32>
    %mul3A_1799 = vector.broadcast %get3A_1784 : vector<1x2176xf32> to vector<128x2176xf32>
    %mul3A_1800 = arith.mulf %mul3A_1798, %mul3A_1799 : vector<128x2176xf32>
    %add3A_1801 = arith.addf %mul3A_1797, %mul3A_1800 : vector<128x2176xf32>
    %add3A_1802 = vector.broadcast %get3A_4 : vector<128x1xf32> to vector<128x2176xf32>
    %add3A_1803 = arith.addf %add3A_1801, %add3A_1802 : vector<128x2176xf32>
    %slice3A_1804 = vector.extract_strided_slice %dot_general3A_26 {offsets = [0, 0], sizes = [128, 1], strides = [1, 1]} : vector<128x2xf32> to vector<128x1xf32>
    %mul3A_1805 = vector.broadcast %slice3A_1804 : vector<128x1xf32> to vector<128x2176xf32>
    %mul3A_1806 = vector.broadcast %get3A_1779 : vector<1x2176xf32> to vector<128x2176xf32>
    %mul3A_1807 = arith.mulf %mul3A_1805, %mul3A_1806 : vector<128x2176xf32>
    %slice3A_1808 = vector.extract_strided_slice %dot_general3A_26 {offsets = [0, 1], sizes = [128, 1], strides = [1, 1]} : vector<128x2xf32> to vector<128x1xf32>
    %mul3A_1809 = vector.broadcast %slice3A_1808 : vector<128x1xf32> to vector<128x2176xf32>
    %mul3A_1810 = vector.broadcast %get3A_1784 : vector<1x2176xf32> to vector<128x2176xf32>
    %mul3A_1811 = arith.mulf %mul3A_1809, %mul3A_1810 : vector<128x2176xf32>
    %add3A_1812 = arith.addf %mul3A_1807, %mul3A_1811 : vector<128x2176xf32>
    %add3A_1813 = vector.broadcast %dot_general3A_28 : vector<128x1xf32> to vector<128x2176xf32>
    %add3A_1814 = arith.addf %add3A_1812, %add3A_1813 : vector<128x2176xf32>
    %slice3A_1815 = vector.extract_strided_slice %dot_general3A_30 {offsets = [0, 0], sizes = [128, 1], strides = [1, 1]} : vector<128x2xf32> to vector<128x1xf32>
    %mul3A_1816 = vector.broadcast %slice3A_1815 : vector<128x1xf32> to vector<128x2176xf32>
    %mul3A_1817 = vector.broadcast %get3A_1779 : vector<1x2176xf32> to vector<128x2176xf32>
    %mul3A_1818 = arith.mulf %mul3A_1816, %mul3A_1817 : vector<128x2176xf32>
    %slice3A_1819 = vector.extract_strided_slice %dot_general3A_30 {offsets = [0, 1], sizes = [128, 1], strides = [1, 1]} : vector<128x2xf32> to vector<128x1xf32>
    %mul3A_1820 = vector.broadcast %slice3A_1819 : vector<128x1xf32> to vector<128x2176xf32>
    %mul3A_1821 = vector.broadcast %get3A_1784 : vector<1x2176xf32> to vector<128x2176xf32>
    %mul3A_1822 = arith.mulf %mul3A_1820, %mul3A_1821 : vector<128x2176xf32>
    %add3A_1823 = arith.addf %mul3A_1818, %mul3A_1822 : vector<128x2176xf32>
    %add3A_1824 = vector.broadcast %dot_general3A_32 : vector<128x1xf32> to vector<128x2176xf32>
    %add3A_1825 = arith.addf %add3A_1823, %add3A_1824 : vector<128x2176xf32>
    %slice3A_1826 = vector.extract_strided_slice %add3A_1803 {offsets = [0, 2048], sizes = [128, 1], strides = [1, 1]} : vector<128x2176xf32> to vector<128x1xf32>
    %dot_general3A_1827 = arith.constant dense<0.000000e+00> : vector<128x1xf32>
    %dot_general3A_1828 = tpu.matmul %add3A, %slice3A_1826, %dot_general3A_1827 {dimension_numbers = #tpu.dot_dimension_numbers<[1], [0], [0], [1], [0, 0, 1, 1], [], []>, precision = #tpu.contract_precision<fp32>, transpose_lhs_hint = false} : vector<128x128xf32>, vector<128x1xf32>, vector<128x1xf32> -> vector<128x1xf32>
    %slice3A_1829 = vector.extract_strided_slice %add3A_1814 {offsets = [0, 0], sizes = [128, 2048], strides = [1, 1]} : vector<128x2176xf32> to vector<128x2048xf32>
    %exp3A_1830 = math.exp %slice3A_1829 : vector<128x2048xf32>
    %slice3A_1831 = vector.extract_strided_slice %add3A_1825 {offsets = [0, 0], sizes = [128, 2048], strides = [1, 1]} : vector<128x2176xf32> to vector<128x2048xf32>
    %mul3A_1832 = arith.mulf %exp3A_1830, %slice3A_1831 : vector<128x2048xf32>
    %mul3A_1833 = arith.mulf %get3A_19, %get3A_22 : vector<1x1xf32>
    %mul3A_1834 = vector.broadcast %mul3A_1833 : vector<1x1xf32> to vector<1x2048xf32>
    %mul3A_1835 = arith.mulf %mul3A_1834, %get3A_1789 : vector<1x2048xf32>
    %sub3A_1836 = arith.subf %get3A_1794, %mul3A_1835 : vector<1x2048xf32>
    %exp3A_1837 = math.exp %sub3A_1836 : vector<1x2048xf32>
    %dot_general3A_1838 = arith.constant dense<0.000000e+00> : vector<128x1xf32>
    %dot_general3A_1839 = tpu.matmul %mul3A_1832, %exp3A_1837, %dot_general3A_1838 {dimension_numbers = #tpu.dot_dimension_numbers<[1], [1], [0], [0], [0, 0, 1, 0], [], []>, precision = #tpu.contract_precision<fp32>, transpose_lhs_hint = false} : vector<128x2048xf32>, vector<1x2048xf32>, vector<128x1xf32> -> vector<128x1xf32>
    %dot_general3A_1840 = arith.constant dense<0.000000e+00> : vector<128x1xf32>
    %dot_general3A_1841 = tpu.matmul %exp3A_1830, %exp3A_1837, %dot_general3A_1840 {dimension_numbers = #tpu.dot_dimension_numbers<[1], [1], [0], [0], [0, 0, 1, 0], [], []>, precision = #tpu.contract_precision<fp32>, transpose_lhs_hint = false} : vector<128x2048xf32>, vector<1x2048xf32>, vector<128x1xf32> -> vector<128x1xf32>
    %logistic3A_1842 = arith.negf %dot_general3A_1828 : vector<128x1xf32>
    %logistic3A_1843 = math.exp %logistic3A_1842 : vector<128x1xf32>
    %logistic3A_1844 = arith.constant 1.000000e+00 : f32
    %logistic3A_1845 = vector.broadcast %logistic3A_1844 : f32 to vector<128x1xf32>
    %logistic3A_1846 = arith.addf %logistic3A_1845, %logistic3A_1843 : vector<128x1xf32>
    %logistic3A_1847 = arith.divf %logistic3A_1845, %logistic3A_1846 : vector<128x1xf32>
    %mul3A_1848 = arith.mulf %logistic3A_1847, %dot_general3A_1839 : vector<128x1xf32>
    %div3A_1849 = arith.divf %mul3A_1848, %dot_general3A_1841 : vector<128x1xf32>
    %slice3A_1850 = vector.extract_strided_slice %add3A_1803 {offsets = [0, 0], sizes = [128, 2048], strides = [1, 1]} : vector<128x2176xf32> to vector<128x2048xf32>
    %dot_general3A_1851 = arith.constant dense<0.000000e+00> : vector<1x2048xf32>
    %dot_general3A_1852 = tpu.matmul %div3A_1849, %slice3A_1850, %dot_general3A_1851 {dimension_numbers = #tpu.dot_dimension_numbers<[0], [0], [1], [1], [0, 1, 1, 1], [], []>, precision = #tpu.contract_precision<fp32>, transpose_lhs_hint = false} : vector<128x1xf32>, vector<128x2048xf32>, vector<1x2048xf32> -> vector<1x2048xf32>
    %mul3A_1853 = arith.constant 0.0883883461 : f32
    %mul3A_1854 = vector.broadcast %mul3A_1853 : f32 to vector<1x2048xf32>
    %mul3A_1855 = arith.mulf %dot_general3A_1852, %mul3A_1854 : vector<1x2048xf32>
    %mul3A_1856 = arith.mulf %get3A_19, %get3A_25 : vector<1x1xf32>
    %mul3A_1857 = vector.broadcast %mul3A_1856 : vector<1x1xf32> to vector<1x2048xf32>
    %mul3A_1858 = arith.mulf %mul3A_1857, %get3A_1789 : vector<1x2048xf32>
    %sub3A_1859 = arith.subf %mul3A_1855, %mul3A_1858 : vector<1x2048xf32>
    %tanh3A_1860 = math.tanh %sub3A_1859 : vector<1x2048xf32>
    %mul3A_1861 = arith.constant 1.000000e+01 : f32
    %mul3A_1862 = vector.broadcast %mul3A_1861 : f32 to vector<1x2048xf32>
    %mul3A_1863 = arith.mulf %mul3A_1862, %tanh3A_1860 : vector<1x2048xf32>
    %add3A_1864 = arith.addf %mul3A_1863, %get3A_1794 : vector<1x2048xf32>
    %reduce_max3A_1865 = arith.constant dense<0xFF800000> : vector<1xf32>
    %reduce_max3A_1866 = vector.multi_reduction <maximumf>, %add3A_1864, %reduce_max3A_1865 [1] : vector<1x2048xf32> to vector<1xf32>
    %broadcast_in_dim3A_1867 = vector.shape_cast %reduce_max3A_1866 : vector<1xf32> to vector<1x1xf32>
    %sub3A_1868 = vector.broadcast %broadcast_in_dim3A_1867 : vector<1x1xf32> to vector<1x2048xf32>
    %sub3A_1869 = arith.subf %add3A_1864, %sub3A_1868 : vector<1x2048xf32>
    %exp3A_1870 = math.exp %sub3A_1869 : vector<1x2048xf32>
    %reduce_sum3A_1871 = arith.constant dense<0.000000e+00> : vector<1xf32>
    %reduce_sum3A_1872 = vector.multi_reduction <add>, %exp3A_1870, %reduce_sum3A_1871 [1] : vector<1x2048xf32> to vector<1xf32>
    %broadcast_in_dim3A_1873 = vector.shape_cast %reduce_sum3A_1872 : vector<1xf32> to vector<1x1xf32>
    %div3A_1874 = vector.broadcast %broadcast_in_dim3A_1873 : vector<1x1xf32> to vector<1x2048xf32>
    %div3A_1875 = arith.divf %exp3A_1870, %div3A_1874 : vector<1x2048xf32>
    %swap3A_1876 = arith.constant 13 : index
    %swap3A_1877 = arith.constant 0 : index
    %swap3A_1878 = arith.constant 0 : index
    %swap3A_1879 = vector.load %arg15[%swap3A_1876, %swap3A_1877, %swap3A_1878] : memref<16x1x2048xf32, #tpu.memory_space<vmem>>, vector<1x1x2048xf32>
    %swap3A_1880 = vector.shape_cast %swap3A_1879 : vector<1x1x2048xf32> to vector<1x2048xf32>
    %swap3A_1881 = vector.shape_cast %div3A_1875 : vector<1x2048xf32> to vector<1x1x2048xf32>
    tpu.vector_store %arg15[%swap3A_1876, %swap3A_1877, %swap3A_1878], %swap3A_1881 {strides = array<i32>} : memref<16x1x2048xf32, #tpu.memory_space<vmem>>, vector<1x1x2048xf32>,
    %reduce_max3A_1882 = arith.constant dense<0xFF800000> : vector<1xf32>
    %reduce_max3A_1883 = vector.multi_reduction <maximumf>, %div3A_1875, %reduce_max3A_1882 [1] : vector<1x2048xf32> to vector<1xf32>
    %broadcast_in_dim3A_1884 = vector.shape_cast %reduce_max3A_1883 : vector<1xf32> to vector<1x1xf32>
    %get3A_1885 = arith.constant 13 : index
    %get3A_1886 = arith.constant 0 : index
    %get3A_1887 = arith.constant 0 : index
    %get3A_1888 = vector.load %arg5[%get3A_1885, %get3A_1886, %get3A_1887] : memref<16x1x2048xi32, #tpu.memory_space<vmem>>, vector<1x1x2048xi32>
    %get3A_1889 = vector.shape_cast %get3A_1888 : vector<1x1x2048xi32> to vector<1x2048xi32>
    %eq3A_1890 = vector.broadcast %broadcast_in_dim3A_1884 : vector<1x1xf32> to vector<1x2048xf32>
    %eq3A_1891 = arith.cmpf oeq, %div3A_1875, %eq3A_1890 : vector<1x2048xf32>
    %jit3A_1892 = arith.constant 2147483647 : i32
    %broadcast_in_dim3A_1893 = vector.broadcast %jit3A_1892 : i32 to vector<1x2048xi32>
    %select_n3A_1894 = arith.select %eq3A_1891, %get3A_1889, %broadcast_in_dim3A_1893 : vector<1x2048xi1>, vector<1x2048xi32>
    %reduce_min3A_1895 = arith.constant dense<2147483647> : vector<1xi32>
    %reduce_min3A_1896 = vector.multi_reduction <minsi>, %select_n3A_1894, %reduce_min3A_1895 [1] : vector<1x2048xi32> to vector<1xi32>
    %broadcast_in_dim3A_1897 = vector.shape_cast %reduce_min3A_1896 : vector<1xi32> to vector<1x1xi32>
    %swap3A_1898 = arith.constant 13 : index
    %swap3A_1899 = arith.constant 0 : index
    %swap3A_1900 = arith.constant 0 : index
    %swap3A_1901 = vector.load %arg16[%swap3A_1898, %swap3A_1899, %swap3A_1900] : memref<16x1x1xi32, #tpu.memory_space<vmem>>, vector<1x1x1xi32>
    %swap3A_1902 = vector.shape_cast %swap3A_1901 : vector<1x1x1xi32> to vector<1x1xi32>
    %swap3A_1903 = vector.shape_cast %broadcast_in_dim3A_1897 : vector<1x1xi32> to vector<1x1x1xi32>
    tpu.vector_store %arg16[%swap3A_1898, %swap3A_1899, %swap3A_1900], %swap3A_1903 {strides = array<i32>} : memref<16x1x1xi32, #tpu.memory_space<vmem>>, vector<1x1x1xi32>,
    %swap3A_1904 = arith.constant 13 : index
    %swap3A_1905 = arith.constant 0 : index
    %swap3A_1906 = arith.constant 0 : index
    %swap3A_1907 = vector.load %arg17[%swap3A_1904, %swap3A_1905, %swap3A_1906] : memref<16x1x1xf32, #tpu.memory_space<vmem>>, vector<1x1x1xf32>
    %swap3A_1908 = vector.shape_cast %swap3A_1907 : vector<1x1x1xf32> to vector<1x1xf32>
    %swap3A_1909 = vector.shape_cast %broadcast_in_dim3A_1884 : vector<1x1xf32> to vector<1x1x1xf32>
    tpu.vector_store %arg17[%swap3A_1904, %swap3A_1905, %swap3A_1906], %swap3A_1909 {strides = array<i32>} : memref<16x1x1xf32, #tpu.memory_space<vmem>>, vector<1x1x1xf32>,
    %get3A_1910 = arith.constant 14 : index
    %get3A_1911 = arith.constant 0 : index
    %get3A_1912 = arith.constant 0 : index
    %get3A_1913 = vector.load %arg1[%get3A_1910, %get3A_1911, %get3A_1912] : memref<16x1x2176xf32, #tpu.memory_space<vmem>>, vector<1x1x2176xf32>
    %get3A_1914 = vector.shape_cast %get3A_1913 : vector<1x1x2176xf32> to vector<1x2176xf32>
    %get3A_1915 = arith.constant 14 : index
    %get3A_1916 = arith.constant 0 : index
    %get3A_1917 = arith.constant 0 : index
    %get3A_1918 = vector.load %arg2[%get3A_1915, %get3A_1916, %get3A_1917] : memref<16x1x2176xf32, #tpu.memory_space<vmem>>, vector<1x1x2176xf32>
    %get3A_1919 = vector.shape_cast %get3A_1918 : vector<1x1x2176xf32> to vector<1x2176xf32>
    %get3A_1920 = arith.constant 14 : index
    %get3A_1921 = arith.constant 0 : index
    %get3A_1922 = arith.constant 0 : index
    %get3A_1923 = vector.load %arg3[%get3A_1920, %get3A_1921, %get3A_1922] : memref<16x1x2048xf32, #tpu.memory_space<vmem>>, vector<1x1x2048xf32>
    %get3A_1924 = vector.shape_cast %get3A_1923 : vector<1x1x2048xf32> to vector<1x2048xf32>
    %get3A_1925 = arith.constant 14 : index
    %get3A_1926 = arith.constant 0 : index
    %get3A_1927 = arith.constant 0 : index
    %get3A_1928 = vector.load %arg4[%get3A_1925, %get3A_1926, %get3A_1927] : memref<16x1x2048xf32, #tpu.memory_space<vmem>>, vector<1x1x2048xf32>
    %get3A_1929 = vector.shape_cast %get3A_1928 : vector<1x1x2048xf32> to vector<1x2048xf32>
    %mul3A_1930 = vector.broadcast %slice3A : vector<128x1xf32> to vector<128x2176xf32>
    %mul3A_1931 = vector.broadcast %get3A_1914 : vector<1x2176xf32> to vector<128x2176xf32>
    %mul3A_1932 = arith.mulf %mul3A_1930, %mul3A_1931 : vector<128x2176xf32>
    %mul3A_1933 = vector.broadcast %slice3A_33 : vector<128x1xf32> to vector<128x2176xf32>
    %mul3A_1934 = vector.broadcast %get3A_1919 : vector<1x2176xf32> to vector<128x2176xf32>
    %mul3A_1935 = arith.mulf %mul3A_1933, %mul3A_1934 : vector<128x2176xf32>
    %add3A_1936 = arith.addf %mul3A_1932, %mul3A_1935 : vector<128x2176xf32>
    %add3A_1937 = vector.broadcast %get3A_4 : vector<128x1xf32> to vector<128x2176xf32>
    %add3A_1938 = arith.addf %add3A_1936, %add3A_1937 : vector<128x2176xf32>
    %slice3A_1939 = vector.extract_strided_slice %dot_general3A_26 {offsets = [0, 0], sizes = [128, 1], strides = [1, 1]} : vector<128x2xf32> to vector<128x1xf32>
    %mul3A_1940 = vector.broadcast %slice3A_1939 : vector<128x1xf32> to vector<128x2176xf32>
    %mul3A_1941 = vector.broadcast %get3A_1914 : vector<1x2176xf32> to vector<128x2176xf32>
    %mul3A_1942 = arith.mulf %mul3A_1940, %mul3A_1941 : vector<128x2176xf32>
    %slice3A_1943 = vector.extract_strided_slice %dot_general3A_26 {offsets = [0, 1], sizes = [128, 1], strides = [1, 1]} : vector<128x2xf32> to vector<128x1xf32>
    %mul3A_1944 = vector.broadcast %slice3A_1943 : vector<128x1xf32> to vector<128x2176xf32>
    %mul3A_1945 = vector.broadcast %get3A_1919 : vector<1x2176xf32> to vector<128x2176xf32>
    %mul3A_1946 = arith.mulf %mul3A_1944, %mul3A_1945 : vector<128x2176xf32>
    %add3A_1947 = arith.addf %mul3A_1942, %mul3A_1946 : vector<128x2176xf32>
    %add3A_1948 = vector.broadcast %dot_general3A_28 : vector<128x1xf32> to vector<128x2176xf32>
    %add3A_1949 = arith.addf %add3A_1947, %add3A_1948 : vector<128x2176xf32>
    %slice3A_1950 = vector.extract_strided_slice %dot_general3A_30 {offsets = [0, 0], sizes = [128, 1], strides = [1, 1]} : vector<128x2xf32> to vector<128x1xf32>
    %mul3A_1951 = vector.broadcast %slice3A_1950 : vector<128x1xf32> to vector<128x2176xf32>
    %mul3A_1952 = vector.broadcast %get3A_1914 : vector<1x2176xf32> to vector<128x2176xf32>
    %mul3A_1953 = arith.mulf %mul3A_1951, %mul3A_1952 : vector<128x2176xf32>
    %slice3A_1954 = vector.extract_strided_slice %dot_general3A_30 {offsets = [0, 1], sizes = [128, 1], strides = [1, 1]} : vector<128x2xf32> to vector<128x1xf32>
    %mul3A_1955 = vector.broadcast %slice3A_1954 : vector<128x1xf32> to vector<128x2176xf32>
    %mul3A_1956 = vector.broadcast %get3A_1919 : vector<1x2176xf32> to vector<128x2176xf32>
    %mul3A_1957 = arith.mulf %mul3A_1955, %mul3A_1956 : vector<128x2176xf32>
    %add3A_1958 = arith.addf %mul3A_1953, %mul3A_1957 : vector<128x2176xf32>
    %add3A_1959 = vector.broadcast %dot_general3A_32 : vector<128x1xf32> to vector<128x2176xf32>
    %add3A_1960 = arith.addf %add3A_1958, %add3A_1959 : vector<128x2176xf32>
    %slice3A_1961 = vector.extract_strided_slice %add3A_1938 {offsets = [0, 2048], sizes = [128, 1], strides = [1, 1]} : vector<128x2176xf32> to vector<128x1xf32>
    %dot_general3A_1962 = arith.constant dense<0.000000e+00> : vector<128x1xf32>
    %dot_general3A_1963 = tpu.matmul %add3A, %slice3A_1961, %dot_general3A_1962 {dimension_numbers = #tpu.dot_dimension_numbers<[1], [0], [0], [1], [0, 0, 1, 1], [], []>, precision = #tpu.contract_precision<fp32>, transpose_lhs_hint = false} : vector<128x128xf32>, vector<128x1xf32>, vector<128x1xf32> -> vector<128x1xf32>
    %slice3A_1964 = vector.extract_strided_slice %add3A_1949 {offsets = [0, 0], sizes = [128, 2048], strides = [1, 1]} : vector<128x2176xf32> to vector<128x2048xf32>
    %exp3A_1965 = math.exp %slice3A_1964 : vector<128x2048xf32>
    %slice3A_1966 = vector.extract_strided_slice %add3A_1960 {offsets = [0, 0], sizes = [128, 2048], strides = [1, 1]} : vector<128x2176xf32> to vector<128x2048xf32>
    %mul3A_1967 = arith.mulf %exp3A_1965, %slice3A_1966 : vector<128x2048xf32>
    %mul3A_1968 = arith.mulf %get3A_19, %get3A_22 : vector<1x1xf32>
    %mul3A_1969 = vector.broadcast %mul3A_1968 : vector<1x1xf32> to vector<1x2048xf32>
    %mul3A_1970 = arith.mulf %mul3A_1969, %get3A_1924 : vector<1x2048xf32>
    %sub3A_1971 = arith.subf %get3A_1929, %mul3A_1970 : vector<1x2048xf32>
    %exp3A_1972 = math.exp %sub3A_1971 : vector<1x2048xf32>
    %dot_general3A_1973 = arith.constant dense<0.000000e+00> : vector<128x1xf32>
    %dot_general3A_1974 = tpu.matmul %mul3A_1967, %exp3A_1972, %dot_general3A_1973 {dimension_numbers = #tpu.dot_dimension_numbers<[1], [1], [0], [0], [0, 0, 1, 0], [], []>, precision = #tpu.contract_precision<fp32>, transpose_lhs_hint = false} : vector<128x2048xf32>, vector<1x2048xf32>, vector<128x1xf32> -> vector<128x1xf32>
    %dot_general3A_1975 = arith.constant dense<0.000000e+00> : vector<128x1xf32>
    %dot_general3A_1976 = tpu.matmul %exp3A_1965, %exp3A_1972, %dot_general3A_1975 {dimension_numbers = #tpu.dot_dimension_numbers<[1], [1], [0], [0], [0, 0, 1, 0], [], []>, precision = #tpu.contract_precision<fp32>, transpose_lhs_hint = false} : vector<128x2048xf32>, vector<1x2048xf32>, vector<128x1xf32> -> vector<128x1xf32>
    %logistic3A_1977 = arith.negf %dot_general3A_1963 : vector<128x1xf32>
    %logistic3A_1978 = math.exp %logistic3A_1977 : vector<128x1xf32>
    %logistic3A_1979 = arith.constant 1.000000e+00 : f32
    %logistic3A_1980 = vector.broadcast %logistic3A_1979 : f32 to vector<128x1xf32>
    %logistic3A_1981 = arith.addf %logistic3A_1980, %logistic3A_1978 : vector<128x1xf32>
    %logistic3A_1982 = arith.divf %logistic3A_1980, %logistic3A_1981 : vector<128x1xf32>
    %mul3A_1983 = arith.mulf %logistic3A_1982, %dot_general3A_1974 : vector<128x1xf32>
    %div3A_1984 = arith.divf %mul3A_1983, %dot_general3A_1976 : vector<128x1xf32>
    %slice3A_1985 = vector.extract_strided_slice %add3A_1938 {offsets = [0, 0], sizes = [128, 2048], strides = [1, 1]} : vector<128x2176xf32> to vector<128x2048xf32>
    %dot_general3A_1986 = arith.constant dense<0.000000e+00> : vector<1x2048xf32>
    %dot_general3A_1987 = tpu.matmul %div3A_1984, %slice3A_1985, %dot_general3A_1986 {dimension_numbers = #tpu.dot_dimension_numbers<[0], [0], [1], [1], [0, 1, 1, 1], [], []>, precision = #tpu.contract_precision<fp32>, transpose_lhs_hint = false} : vector<128x1xf32>, vector<128x2048xf32>, vector<1x2048xf32> -> vector<1x2048xf32>
    %mul3A_1988 = arith.constant 0.0883883461 : f32
    %mul3A_1989 = vector.broadcast %mul3A_1988 : f32 to vector<1x2048xf32>
    %mul3A_1990 = arith.mulf %dot_general3A_1987, %mul3A_1989 : vector<1x2048xf32>
    %mul3A_1991 = arith.mulf %get3A_19, %get3A_25 : vector<1x1xf32>
    %mul3A_1992 = vector.broadcast %mul3A_1991 : vector<1x1xf32> to vector<1x2048xf32>
    %mul3A_1993 = arith.mulf %mul3A_1992, %get3A_1924 : vector<1x2048xf32>
    %sub3A_1994 = arith.subf %mul3A_1990, %mul3A_1993 : vector<1x2048xf32>
    %tanh3A_1995 = math.tanh %sub3A_1994 : vector<1x2048xf32>
    %mul3A_1996 = arith.constant 1.000000e+01 : f32
    %mul3A_1997 = vector.broadcast %mul3A_1996 : f32 to vector<1x2048xf32>
    %mul3A_1998 = arith.mulf %mul3A_1997, %tanh3A_1995 : vector<1x2048xf32>
    %add3A_1999 = arith.addf %mul3A_1998, %get3A_1929 : vector<1x2048xf32>
    %reduce_max3A_2000 = arith.constant dense<0xFF800000> : vector<1xf32>
    %reduce_max3A_2001 = vector.multi_reduction <maximumf>, %add3A_1999, %reduce_max3A_2000 [1] : vector<1x2048xf32> to vector<1xf32>
    %broadcast_in_dim3A_2002 = vector.shape_cast %reduce_max3A_2001 : vector<1xf32> to vector<1x1xf32>
    %sub3A_2003 = vector.broadcast %broadcast_in_dim3A_2002 : vector<1x1xf32> to vector<1x2048xf32>
    %sub3A_2004 = arith.subf %add3A_1999, %sub3A_2003 : vector<1x2048xf32>
    %exp3A_2005 = math.exp %sub3A_2004 : vector<1x2048xf32>
    %reduce_sum3A_2006 = arith.constant dense<0.000000e+00> : vector<1xf32>
    %reduce_sum3A_2007 = vector.multi_reduction <add>, %exp3A_2005, %reduce_sum3A_2006 [1] : vector<1x2048xf32> to vector<1xf32>
    %broadcast_in_dim3A_2008 = vector.shape_cast %reduce_sum3A_2007 : vector<1xf32> to vector<1x1xf32>
    %div3A_2009 = vector.broadcast %broadcast_in_dim3A_2008 : vector<1x1xf32> to vector<1x2048xf32>
    %div3A_2010 = arith.divf %exp3A_2005, %div3A_2009 : vector<1x2048xf32>
    %swap3A_2011 = arith.constant 14 : index
    %swap3A_2012 = arith.constant 0 : index
    %swap3A_2013 = arith.constant 0 : index
    %swap3A_2014 = vector.load %arg15[%swap3A_2011, %swap3A_2012, %swap3A_2013] : memref<16x1x2048xf32, #tpu.memory_space<vmem>>, vector<1x1x2048xf32>
    %swap3A_2015 = vector.shape_cast %swap3A_2014 : vector<1x1x2048xf32> to vector<1x2048xf32>
    %swap3A_2016 = vector.shape_cast %div3A_2010 : vector<1x2048xf32> to vector<1x1x2048xf32>
    tpu.vector_store %arg15[%swap3A_2011, %swap3A_2012, %swap3A_2013], %swap3A_2016 {strides = array<i32>} : memref<16x1x2048xf32, #tpu.memory_space<vmem>>, vector<1x1x2048xf32>,
    %reduce_max3A_2017 = arith.constant dense<0xFF800000> : vector<1xf32>
    %reduce_max3A_2018 = vector.multi_reduction <maximumf>, %div3A_2010, %reduce_max3A_2017 [1] : vector<1x2048xf32> to vector<1xf32>
    %broadcast_in_dim3A_2019 = vector.shape_cast %reduce_max3A_2018 : vector<1xf32> to vector<1x1xf32>
    %get3A_2020 = arith.constant 14 : index
    %get3A_2021 = arith.constant 0 : index
    %get3A_2022 = arith.constant 0 : index
    %get3A_2023 = vector.load %arg5[%get3A_2020, %get3A_2021, %get3A_2022] : memref<16x1x2048xi32, #tpu.memory_space<vmem>>, vector<1x1x2048xi32>
    %get3A_2024 = vector.shape_cast %get3A_2023 : vector<1x1x2048xi32> to vector<1x2048xi32>
    %eq3A_2025 = vector.broadcast %broadcast_in_dim3A_2019 : vector<1x1xf32> to vector<1x2048xf32>
    %eq3A_2026 = arith.cmpf oeq, %div3A_2010, %eq3A_2025 : vector<1x2048xf32>
    %jit3A_2027 = arith.constant 2147483647 : i32
    %broadcast_in_dim3A_2028 = vector.broadcast %jit3A_2027 : i32 to vector<1x2048xi32>
    %select_n3A_2029 = arith.select %eq3A_2026, %get3A_2024, %broadcast_in_dim3A_2028 : vector<1x2048xi1>, vector<1x2048xi32>
    %reduce_min3A_2030 = arith.constant dense<2147483647> : vector<1xi32>
    %reduce_min3A_2031 = vector.multi_reduction <minsi>, %select_n3A_2029, %reduce_min3A_2030 [1] : vector<1x2048xi32> to vector<1xi32>
    %broadcast_in_dim3A_2032 = vector.shape_cast %reduce_min3A_2031 : vector<1xi32> to vector<1x1xi32>
    %swap3A_2033 = arith.constant 14 : index
    %swap3A_2034 = arith.constant 0 : index
    %swap3A_2035 = arith.constant 0 : index
    %swap3A_2036 = vector.load %arg16[%swap3A_2033, %swap3A_2034, %swap3A_2035] : memref<16x1x1xi32, #tpu.memory_space<vmem>>, vector<1x1x1xi32>
    %swap3A_2037 = vector.shape_cast %swap3A_2036 : vector<1x1x1xi32> to vector<1x1xi32>
    %swap3A_2038 = vector.shape_cast %broadcast_in_dim3A_2032 : vector<1x1xi32> to vector<1x1x1xi32>
    tpu.vector_store %arg16[%swap3A_2033, %swap3A_2034, %swap3A_2035], %swap3A_2038 {strides = array<i32>} : memref<16x1x1xi32, #tpu.memory_space<vmem>>, vector<1x1x1xi32>,
    %swap3A_2039 = arith.constant 14 : index
    %swap3A_2040 = arith.constant 0 : index
    %swap3A_2041 = arith.constant 0 : index
    %swap3A_2042 = vector.load %arg17[%swap3A_2039, %swap3A_2040, %swap3A_2041] : memref<16x1x1xf32, #tpu.memory_space<vmem>>, vector<1x1x1xf32>
    %swap3A_2043 = vector.shape_cast %swap3A_2042 : vector<1x1x1xf32> to vector<1x1xf32>
    %swap3A_2044 = vector.shape_cast %broadcast_in_dim3A_2019 : vector<1x1xf32> to vector<1x1x1xf32>
    tpu.vector_store %arg17[%swap3A_2039, %swap3A_2040, %swap3A_2041], %swap3A_2044 {strides = array<i32>} : memref<16x1x1xf32, #tpu.memory_space<vmem>>, vector<1x1x1xf32>,
    %get3A_2045 = arith.constant 15 : index
    %get3A_2046 = arith.constant 0 : index
    %get3A_2047 = arith.constant 0 : index
    %get3A_2048 = vector.load %arg1[%get3A_2045, %get3A_2046, %get3A_2047] : memref<16x1x2176xf32, #tpu.memory_space<vmem>>, vector<1x1x2176xf32>
    %get3A_2049 = vector.shape_cast %get3A_2048 : vector<1x1x2176xf32> to vector<1x2176xf32>
    %get3A_2050 = arith.constant 15 : index
    %get3A_2051 = arith.constant 0 : index
    %get3A_2052 = arith.constant 0 : index
    %get3A_2053 = vector.load %arg2[%get3A_2050, %get3A_2051, %get3A_2052] : memref<16x1x2176xf32, #tpu.memory_space<vmem>>, vector<1x1x2176xf32>
    %get3A_2054 = vector.shape_cast %get3A_2053 : vector<1x1x2176xf32> to vector<1x2176xf32>
    %get3A_2055 = arith.constant 15 : index
    %get3A_2056 = arith.constant 0 : index
    %get3A_2057 = arith.constant 0 : index
    %get3A_2058 = vector.load %arg3[%get3A_2055, %get3A_2056, %get3A_2057] : memref<16x1x2048xf32, #tpu.memory_space<vmem>>, vector<1x1x2048xf32>
    %get3A_2059 = vector.shape_cast %get3A_2058 : vector<1x1x2048xf32> to vector<1x2048xf32>
    %get3A_2060 = arith.constant 15 : index
    %get3A_2061 = arith.constant 0 : index
    %get3A_2062 = arith.constant 0 : index
    %get3A_2063 = vector.load %arg4[%get3A_2060, %get3A_2061, %get3A_2062] : memref<16x1x2048xf32, #tpu.memory_space<vmem>>, vector<1x1x2048xf32>
    %get3A_2064 = vector.shape_cast %get3A_2063 : vector<1x1x2048xf32> to vector<1x2048xf32>
    %mul3A_2065 = vector.broadcast %slice3A : vector<128x1xf32> to vector<128x2176xf32>
    %mul3A_2066 = vector.broadcast %get3A_2049 : vector<1x2176xf32> to vector<128x2176xf32>
    %mul3A_2067 = arith.mulf %mul3A_2065, %mul3A_2066 : vector<128x2176xf32>
    %mul3A_2068 = vector.broadcast %slice3A_33 : vector<128x1xf32> to vector<128x2176xf32>
    %mul3A_2069 = vector.broadcast %get3A_2054 : vector<1x2176xf32> to vector<128x2176xf32>
    %mul3A_2070 = arith.mulf %mul3A_2068, %mul3A_2069 : vector<128x2176xf32>
    %add3A_2071 = arith.addf %mul3A_2067, %mul3A_2070 : vector<128x2176xf32>
    %add3A_2072 = vector.broadcast %get3A_4 : vector<128x1xf32> to vector<128x2176xf32>
    %add3A_2073 = arith.addf %add3A_2071, %add3A_2072 : vector<128x2176xf32>
    %slice3A_2074 = vector.extract_strided_slice %dot_general3A_26 {offsets = [0, 0], sizes = [128, 1], strides = [1, 1]} : vector<128x2xf32> to vector<128x1xf32>
    %mul3A_2075 = vector.broadcast %slice3A_2074 : vector<128x1xf32> to vector<128x2176xf32>
    %mul3A_2076 = vector.broadcast %get3A_2049 : vector<1x2176xf32> to vector<128x2176xf32>
    %mul3A_2077 = arith.mulf %mul3A_2075, %mul3A_2076 : vector<128x2176xf32>
    %slice3A_2078 = vector.extract_strided_slice %dot_general3A_26 {offsets = [0, 1], sizes = [128, 1], strides = [1, 1]} : vector<128x2xf32> to vector<128x1xf32>
    %mul3A_2079 = vector.broadcast %slice3A_2078 : vector<128x1xf32> to vector<128x2176xf32>
    %mul3A_2080 = vector.broadcast %get3A_2054 : vector<1x2176xf32> to vector<128x2176xf32>
    %mul3A_2081 = arith.mulf %mul3A_2079, %mul3A_2080 : vector<128x2176xf32>
    %add3A_2082 = arith.addf %mul3A_2077, %mul3A_2081 : vector<128x2176xf32>
    %add3A_2083 = vector.broadcast %dot_general3A_28 : vector<128x1xf32> to vector<128x2176xf32>
    %add3A_2084 = arith.addf %add3A_2082, %add3A_2083 : vector<128x2176xf32>
    %slice3A_2085 = vector.extract_strided_slice %dot_general3A_30 {offsets = [0, 0], sizes = [128, 1], strides = [1, 1]} : vector<128x2xf32> to vector<128x1xf32>
    %mul3A_2086 = vector.broadcast %slice3A_2085 : vector<128x1xf32> to vector<128x2176xf32>
    %mul3A_2087 = vector.broadcast %get3A_2049 : vector<1x2176xf32> to vector<128x2176xf32>
    %mul3A_2088 = arith.mulf %mul3A_2086, %mul3A_2087 : vector<128x2176xf32>
    %slice3A_2089 = vector.extract_strided_slice %dot_general3A_30 {offsets = [0, 1], sizes = [128, 1], strides = [1, 1]} : vector<128x2xf32> to vector<128x1xf32>
    %mul3A_2090 = vector.broadcast %slice3A_2089 : vector<128x1xf32> to vector<128x2176xf32>
    %mul3A_2091 = vector.broadcast %get3A_2054 : vector<1x2176xf32> to vector<128x2176xf32>
    %mul3A_2092 = arith.mulf %mul3A_2090, %mul3A_2091 : vector<128x2176xf32>
    %add3A_2093 = arith.addf %mul3A_2088, %mul3A_2092 : vector<128x2176xf32>
    %add3A_2094 = vector.broadcast %dot_general3A_32 : vector<128x1xf32> to vector<128x2176xf32>
    %add3A_2095 = arith.addf %add3A_2093, %add3A_2094 : vector<128x2176xf32>
    %slice3A_2096 = vector.extract_strided_slice %add3A_2073 {offsets = [0, 2048], sizes = [128, 1], strides = [1, 1]} : vector<128x2176xf32> to vector<128x1xf32>
    %dot_general3A_2097 = arith.constant dense<0.000000e+00> : vector<128x1xf32>
    %dot_general3A_2098 = tpu.matmul %add3A, %slice3A_2096, %dot_general3A_2097 {dimension_numbers = #tpu.dot_dimension_numbers<[1], [0], [0], [1], [0, 0, 1, 1], [], []>, precision = #tpu.contract_precision<fp32>, transpose_lhs_hint = false} : vector<128x128xf32>, vector<128x1xf32>, vector<128x1xf32> -> vector<128x1xf32>
    %slice3A_2099 = vector.extract_strided_slice %add3A_2084 {offsets = [0, 0], sizes = [128, 2048], strides = [1, 1]} : vector<128x2176xf32> to vector<128x2048xf32>
    %exp3A_2100 = math.exp %slice3A_2099 : vector<128x2048xf32>
    %slice3A_2101 = vector.extract_strided_slice %add3A_2095 {offsets = [0, 0], sizes = [128, 2048], strides = [1, 1]} : vector<128x2176xf32> to vector<128x2048xf32>
    %mul3A_2102 = arith.mulf %exp3A_2100, %slice3A_2101 : vector<128x2048xf32>
    %mul3A_2103 = arith.mulf %get3A_19, %get3A_22 : vector<1x1xf32>
    %mul3A_2104 = vector.broadcast %mul3A_2103 : vector<1x1xf32> to vector<1x2048xf32>
    %mul3A_2105 = arith.mulf %mul3A_2104, %get3A_2059 : vector<1x2048xf32>
    %sub3A_2106 = arith.subf %get3A_2064, %mul3A_2105 : vector<1x2048xf32>
    %exp3A_2107 = math.exp %sub3A_2106 : vector<1x2048xf32>
    %dot_general3A_2108 = arith.constant dense<0.000000e+00> : vector<128x1xf32>
    %dot_general3A_2109 = tpu.matmul %mul3A_2102, %exp3A_2107, %dot_general3A_2108 {dimension_numbers = #tpu.dot_dimension_numbers<[1], [1], [0], [0], [0, 0, 1, 0], [], []>, precision = #tpu.contract_precision<fp32>, transpose_lhs_hint = false} : vector<128x2048xf32>, vector<1x2048xf32>, vector<128x1xf32> -> vector<128x1xf32>
    %dot_general3A_2110 = arith.constant dense<0.000000e+00> : vector<128x1xf32>
    %dot_general3A_2111 = tpu.matmul %exp3A_2100, %exp3A_2107, %dot_general3A_2110 {dimension_numbers = #tpu.dot_dimension_numbers<[1], [1], [0], [0], [0, 0, 1, 0], [], []>, precision = #tpu.contract_precision<fp32>, transpose_lhs_hint = false} : vector<128x2048xf32>, vector<1x2048xf32>, vector<128x1xf32> -> vector<128x1xf32>
    %logistic3A_2112 = arith.negf %dot_general3A_2098 : vector<128x1xf32>
    %logistic3A_2113 = math.exp %logistic3A_2112 : vector<128x1xf32>
    %logistic3A_2114 = arith.constant 1.000000e+00 : f32
    %logistic3A_2115 = vector.broadcast %logistic3A_2114 : f32 to vector<128x1xf32>
    %logistic3A_2116 = arith.addf %logistic3A_2115, %logistic3A_2113 : vector<128x1xf32>
    %logistic3A_2117 = arith.divf %logistic3A_2115, %logistic3A_2116 : vector<128x1xf32>
    %mul3A_2118 = arith.mulf %logistic3A_2117, %dot_general3A_2109 : vector<128x1xf32>
    %div3A_2119 = arith.divf %mul3A_2118, %dot_general3A_2111 : vector<128x1xf32>
    %slice3A_2120 = vector.extract_strided_slice %add3A_2073 {offsets = [0, 0], sizes = [128, 2048], strides = [1, 1]} : vector<128x2176xf32> to vector<128x2048xf32>
    %dot_general3A_2121 = arith.constant dense<0.000000e+00> : vector<1x2048xf32>
    %dot_general3A_2122 = tpu.matmul %div3A_2119, %slice3A_2120, %dot_general3A_2121 {dimension_numbers = #tpu.dot_dimension_numbers<[0], [0], [1], [1], [0, 1, 1, 1], [], []>, precision = #tpu.contract_precision<fp32>, transpose_lhs_hint = false} : vector<128x1xf32>, vector<128x2048xf32>, vector<1x2048xf32> -> vector<1x2048xf32>
    %mul3A_2123 = arith.constant 0.0883883461 : f32
    %mul3A_2124 = vector.broadcast %mul3A_2123 : f32 to vector<1x2048xf32>
    %mul3A_2125 = arith.mulf %dot_general3A_2122, %mul3A_2124 : vector<1x2048xf32>
    %mul3A_2126 = arith.mulf %get3A_19, %get3A_25 : vector<1x1xf32>
    %mul3A_2127 = vector.broadcast %mul3A_2126 : vector<1x1xf32> to vector<1x2048xf32>
    %mul3A_2128 = arith.mulf %mul3A_2127, %get3A_2059 : vector<1x2048xf32>
    %sub3A_2129 = arith.subf %mul3A_2125, %mul3A_2128 : vector<1x2048xf32>
    %tanh3A_2130 = math.tanh %sub3A_2129 : vector<1x2048xf32>
    %mul3A_2131 = arith.constant 1.000000e+01 : f32
    %mul3A_2132 = vector.broadcast %mul3A_2131 : f32 to vector<1x2048xf32>
    %mul3A_2133 = arith.mulf %mul3A_2132, %tanh3A_2130 : vector<1x2048xf32>
    %add3A_2134 = arith.addf %mul3A_2133, %get3A_2064 : vector<1x2048xf32>
    %reduce_max3A_2135 = arith.constant dense<0xFF800000> : vector<1xf32>
    %reduce_max3A_2136 = vector.multi_reduction <maximumf>, %add3A_2134, %reduce_max3A_2135 [1] : vector<1x2048xf32> to vector<1xf32>
    %broadcast_in_dim3A_2137 = vector.shape_cast %reduce_max3A_2136 : vector<1xf32> to vector<1x1xf32>
    %sub3A_2138 = vector.broadcast %broadcast_in_dim3A_2137 : vector<1x1xf32> to vector<1x2048xf32>
    %sub3A_2139 = arith.subf %add3A_2134, %sub3A_2138 : vector<1x2048xf32>
    %exp3A_2140 = math.exp %sub3A_2139 : vector<1x2048xf32>
    %reduce_sum3A_2141 = arith.constant dense<0.000000e+00> : vector<1xf32>
    %reduce_sum3A_2142 = vector.multi_reduction <add>, %exp3A_2140, %reduce_sum3A_2141 [1] : vector<1x2048xf32> to vector<1xf32>
    %broadcast_in_dim3A_2143 = vector.shape_cast %reduce_sum3A_2142 : vector<1xf32> to vector<1x1xf32>
    %div3A_2144 = vector.broadcast %broadcast_in_dim3A_2143 : vector<1x1xf32> to vector<1x2048xf32>
    %div3A_2145 = arith.divf %exp3A_2140, %div3A_2144 : vector<1x2048xf32>
    %swap3A_2146 = arith.constant 15 : index
    %swap3A_2147 = arith.constant 0 : index
    %swap3A_2148 = arith.constant 0 : index
    %swap3A_2149 = vector.load %arg15[%swap3A_2146, %swap3A_2147, %swap3A_2148] : memref<16x1x2048xf32, #tpu.memory_space<vmem>>, vector<1x1x2048xf32>
    %swap3A_2150 = vector.shape_cast %swap3A_2149 : vector<1x1x2048xf32> to vector<1x2048xf32>
    %swap3A_2151 = vector.shape_cast %div3A_2145 : vector<1x2048xf32> to vector<1x1x2048xf32>
    tpu.vector_store %arg15[%swap3A_2146, %swap3A_2147, %swap3A_2148], %swap3A_2151 {strides = array<i32>} : memref<16x1x2048xf32, #tpu.memory_space<vmem>>, vector<1x1x2048xf32>,
    %reduce_max3A_2152 = arith.constant dense<0xFF800000> : vector<1xf32>
    %reduce_max3A_2153 = vector.multi_reduction <maximumf>, %div3A_2145, %reduce_max3A_2152 [1] : vector<1x2048xf32> to vector<1xf32>
    %broadcast_in_dim3A_2154 = vector.shape_cast %reduce_max3A_2153 : vector<1xf32> to vector<1x1xf32>
    %get3A_2155 = arith.constant 15 : index
    %get3A_2156 = arith.constant 0 : index
    %get3A_2157 = arith.constant 0 : index
    %get3A_2158 = vector.load %arg5[%get3A_2155, %get3A_2156, %get3A_2157] : memref<16x1x2048xi32, #tpu.memory_space<vmem>>, vector<1x1x2048xi32>
    %get3A_2159 = vector.shape_cast %get3A_2158 : vector<1x1x2048xi32> to vector<1x2048xi32>
    %eq3A_2160 = vector.broadcast %broadcast_in_dim3A_2154 : vector<1x1xf32> to vector<1x2048xf32>
    %eq3A_2161 = arith.cmpf oeq, %div3A_2145, %eq3A_2160 : vector<1x2048xf32>
    %jit3A_2162 = arith.constant 2147483647 : i32
    %broadcast_in_dim3A_2163 = vector.broadcast %jit3A_2162 : i32 to vector<1x2048xi32>
    %select_n3A_2164 = arith.select %eq3A_2161, %get3A_2159, %broadcast_in_dim3A_2163 : vector<1x2048xi1>, vector<1x2048xi32>
    %reduce_min3A_2165 = arith.constant dense<2147483647> : vector<1xi32>
    %reduce_min3A_2166 = vector.multi_reduction <minsi>, %select_n3A_2164, %reduce_min3A_2165 [1] : vector<1x2048xi32> to vector<1xi32>
    %broadcast_in_dim3A_2167 = vector.shape_cast %reduce_min3A_2166 : vector<1xi32> to vector<1x1xi32>
    %swap3A_2168 = arith.constant 15 : index
    %swap3A_2169 = arith.constant 0 : index
    %swap3A_2170 = arith.constant 0 : index
    %swap3A_2171 = vector.load %arg16[%swap3A_2168, %swap3A_2169, %swap3A_2170] : memref<16x1x1xi32, #tpu.memory_space<vmem>>, vector<1x1x1xi32>
    %swap3A_2172 = vector.shape_cast %swap3A_2171 : vector<1x1x1xi32> to vector<1x1xi32>
    %swap3A_2173 = vector.shape_cast %broadcast_in_dim3A_2167 : vector<1x1xi32> to vector<1x1x1xi32>
    tpu.vector_store %arg16[%swap3A_2168, %swap3A_2169, %swap3A_2170], %swap3A_2173 {strides = array<i32>} : memref<16x1x1xi32, #tpu.memory_space<vmem>>, vector<1x1x1xi32>,
    %swap3A_2174 = arith.constant 15 : index
    %swap3A_2175 = arith.constant 0 : index
    %swap3A_2176 = arith.constant 0 : index
    %swap3A_2177 = vector.load %arg17[%swap3A_2174, %swap3A_2175, %swap3A_2176] : memref<16x1x1xf32, #tpu.memory_space<vmem>>, vector<1x1x1xf32>
    %swap3A_2178 = vector.shape_cast %swap3A_2177 : vector<1x1x1xf32> to vector<1x1xf32>
    %swap3A_2179 = vector.shape_cast %broadcast_in_dim3A_2154 : vector<1x1xf32> to vector<1x1x1xf32>
    tpu.vector_store %arg17[%swap3A_2174, %swap3A_2175, %swap3A_2176], %swap3A_2179 {strides = array<i32>} : memref<16x1x1xf32, #tpu.memory_space<vmem>>, vector<1x1x1xf32>,
    return
  }
  func.func @transform_0(%arg0: i32) -> (i32, i32, i32) {
    %c0_i32 = arith.constant 0 : i32
    %c0_i32_0 = arith.constant 0 : i32
    %c0_i32_1 = arith.constant 0 : i32
    return %arg0, %c0_i32, %c0_i32_0 : i32, i32, i32
  }
  func.func @transform_1(%arg0: i32) -> (i32, i32, i32) {
    %c0_i32 = arith.constant 0 : i32
    %c0_i32_0 = arith.constant 0 : i32
    %c0_i32_1 = arith.constant 0 : i32
    return %arg0, %c0_i32, %c0_i32_0 : i32, i32, i32
  }
  func.func @transform_2(%arg0: i32) -> (i32, i32, i32) {
    %c0_i32 = arith.constant 0 : i32
    %c0_i32_0 = arith.constant 0 : i32
    %c0_i32_1 = arith.constant 0 : i32
    return %arg0, %c0_i32, %c0_i32_0 : i32, i32, i32
  }
  func.func @transform_3(%arg0: i32) -> (i32, i32, i32) {
    %c0_i32 = arith.constant 0 : i32
    %c0_i32_0 = arith.constant 0 : i32
    %c0_i32_1 = arith.constant 0 : i32
    return %arg0, %c0_i32, %c0_i32_0 : i32, i32, i32
  }
  func.func @transform_4(%arg0: i32) -> (i32, i32, i32) {
    %c0_i32 = arith.constant 0 : i32
    %c0_i32_0 = arith.constant 0 : i32
    %c0_i32_1 = arith.constant 0 : i32
    return %arg0, %c0_i32, %c0_i32_0 : i32, i32, i32
  }
  func.func @transform_5(%arg0: i32) -> (i32, i32) {
    %c0_i32 = arith.constant 0 : i32
    %c0_i32_0 = arith.constant 0 : i32
    %c0_i32_1 = arith.constant 0 : i32
    return %c0_i32, %c0_i32_0 : i32, i32
  }
  func.func @transform_6(%arg0: i32) -> (i32, i32) {
    %c0_i32 = arith.constant 0 : i32
    %c0_i32_0 = arith.constant 0 : i32
    %c0_i32_1 = arith.constant 0 : i32
    return %c0_i32, %c0_i32_0 : i32, i32
  }
  func.func @transform_7(%arg0: i32) -> (i32, i32) {
    %c0_i32 = arith.constant 0 : i32
    %c0_i32_0 = arith.constant 0 : i32
    %c0_i32_1 = arith.constant 0 : i32
    return %c0_i32, %c0_i32_0 : i32, i32
  }
  func.func @transform_8(%arg0: i32) -> (i32, i32) {
    %c0_i32 = arith.constant 0 : i32
    %c0_i32_0 = arith.constant 0 : i32
    %c0_i32_1 = arith.constant 0 : i32
    return %c0_i32, %c0_i32_0 : i32, i32
  }
  func.func @transform_9(%arg0: i32) -> (i32, i32) {
    %c0_i32 = arith.constant 0 : i32
    %c0_i32_0 = arith.constant 0 : i32
    %c0_i32_1 = arith.constant 0 : i32
    return %c0_i32, %c0_i32_0 : i32, i32
  }
  func.func @transform_10(%arg0: i32) -> (i32, i32) {
    %c0_i32 = arith.constant 0 : i32
    %c0_i32_0 = arith.constant 0 : i32
    %c0_i32_1 = arith.constant 0 : i32
    return %c0_i32, %c0_i32_0 : i32, i32
  }
  func.func @transform_11(%arg0: i32) -> (i32, i32) {
    %c0_i32 = arith.constant 0 : i32
    %c0_i32_0 = arith.constant 0 : i32
    %c0_i32_1 = arith.constant 0 : i32
    return %c0_i32, %c0_i32_0 : i32, i32
  }
  func.func @transform_12(%arg0: i32) -> (i32, i32) {
    %c0_i32 = arith.constant 0 : i32
    %c0_i32_0 = arith.constant 0 : i32
    %c0_i32_1 = arith.constant 0 : i32
    return %c0_i32, %c0_i32_0 : i32, i32
  }
  func.func @transform_13(%arg0: i32) -> (i32, i32) {
    %c0_i32 = arith.constant 0 : i32
    %c0_i32_0 = arith.constant 0 : i32
    %c0_i32_1 = arith.constant 0 : i32
    return %c0_i32, %c0_i32_0 : i32, i32
  }
  func.func @transform_14(%arg0: i32) -> (i32, i32, i32) {
    %c0_i32 = arith.constant 0 : i32
    %c0_i32_0 = arith.constant 0 : i32
    %c0_i32_1 = arith.constant 0 : i32
    return %arg0, %c0_i32, %c0_i32_0 : i32, i32, i32
  }
  func.func @transform_15(%arg0: i32) -> (i32, i32, i32) {
    %c0_i32 = arith.constant 0 : i32
    %c0_i32_0 = arith.constant 0 : i32
    %c0_i32_1 = arith.constant 0 : i32
    return %arg0, %c0_i32, %c0_i32_0 : i32, i32, i32
  }
  func.func @transform_16(%arg0: i32) -> (i32, i32, i32) {
    %c0_i32 = arith.constant 0 : i32
    %c0_i32_0 = arith.constant 0 : i32
    %c0_i32_1 = arith.constant 0 : i32
    return %arg0, %c0_i32, %c0_i32_0 : i32, i32, i32
  }
}

</mosaic_0001>

<sc_bundles>
// kernel: kernel.5.cloned.1.call-start
scs
__scs_entry_jumppad:
0x0: {  	(pc) =	sbr.rel $0x88, $3  }
0x1: {  	(tag) =	ssettag $0x0;
	lr =	simm.s32 $0x1  }
0x2: {  	[smem:$0x3F93] =	sst lr;
	_ =	strace $0xD0000000  }
0x3: {  	_ = 	snop  }
0x4: {  	_ = 	snop  }
0x5: {  	_ = 	snop  }
0x6: {  	_ = 	snop  }
0x7: {  	_ = 	snop  }
__scs_overlays_trampoline_lowered:
0x8: {  	[smem:$0x3FA2] =	sst s0  }
0x9: {  	[smem:$0x3FA3] =	sst s1  }
0xa: {  	[smem:$0x3FA4] =	sst s2  }
0xb: {  	[smem:$0x3FA5] =	sst s3  }
0xc: {  	[smem:$0x3FA6] =	sst s4  }
0xd: {  	[smem:$0x3FA7] =	sst s5  }
0xe: {  	[smem:$0x3FA8] =	sst s6  }
0xf: {  	[smem:$0x3FA9] =	sst s7  }
0x10: {  	[smem:$0x3FAA] =	sst s8  }
0x11: {  	[smem:$0x3FAB] =	sst s9;
	s0 =	simm.s32 @!p0 $0x0  }
0x12: {  	s1 =	sld [smem:$0x3F91];
	s0 =	simm.s32 @p0 $0x1  }
0x13: {  	[smem:$0x3FAC] =	sst s0;
	s0 =	simm.s32 @!p1 $0x0  }
0x14: {  	s2 =	sld [smem:$0x3F90];
	s0 =	simm.s32 @p1 $0x1  }
0x15: {  	[smem:$0x3FAD] =	sst s0;
	s0 =	simm.s32 @!p2 $0x0  }
0x16: {  	s3 =	sld [smem:$0x3FDB];
	s0 =	simm.s32 @p2 $0x1  }
0x17: {  	s4 =	simm.s32 $0x1BF5;
	[smem:$0x3FAF] =	sst s0  }
0x18: {  	s0 =	sld [smem:$0x3F92];
	_ =	swait.ge [sflag:s4], $0x0  }
0x19: {  	s7 =	sld [smem:$0x3F93]  }
0x1a: {  	s8 =	sadd.s32 $0xFFFFE003, lr  }
0x1b: {  	s9 =	sadd.s32 $0xFFFFFEF7, lr;
	s5 =	simm.s32 $0xFFFFFFFF;
	p2 =	slt.u32 s8, $0xFFFFF086  }
0x1c: {  	p1 =	slt.u32 s9, $0xF7A;
	s5 =	simm.s32 @!p2 $0x0  }
0x1d: {  	s5 =	simm.s32 @p1 $0x1;
	p0 =	seq.s32 s7, s2  }
0x1e: {  	s7 =	smul.u32 @!p0 $0xF7A, s2;
	p2 =	seq.s32 @!p0 s5, $0x0  }
0x1f: {  	s9 =	smul.u32 $0xF7A, s1;
	s8 =	simm.s32 @!p0 $0x1BF5;
	p2 =	por !p2, p0  }
0x20: {  	[sflag:s8] =	ssyncset.s32 @!p0 $0xFFFFF086;
	s6 =	sadd.s32 @!p0 s3, s7;
	s7 =	simm.s32 @!p0 $0x108  }
0x21: {  	s3 =	sadd.s32 s3, s9;
	s6 =	sadd.s32 @!p0 $0x88, s6;
	s7 =	simm.s32 @p2 $0x1082  }
0x22: {  	[simem:s7], [sflag:s8] =	dma.local @!p0 [hbm:s6], $0xF7A  }
0x23: {  	s9 =	sor.u32 $0xD0000000, s2;
	s6 =	simm.s32 $0x108;
	_ =	swait.ge @!p0 [sflag:s8], $0x0  }
0x24: {  	s3 =	sadd.s32 $0x88, s3;
	s6 =	simm.s32 @!p1 $0x1082;
	[sflag:s4] =	ssyncset.s32 $0xFFFFF086  }
0x25: {  	[simem:s6], [sflag:s4] =	dma.local [hbm:s3], $0xF7A  }
0x26: {  	[smem:$0x3F93] =	sst s1;
	(tag) =	ssettag s2;
	_ =	strace s9  }
0x27: {  	s1 =	sld [smem:$0x3FA3]  }
0x28: {  	s2 =	sld [smem:$0x3FA4]  }
0x29: {  	s4 =	sld [smem:$0x3FA6]  }
0x2a: {  	p0 =	seq.s32 s5, $0x0;
	s5 =	sld [smem:$0x3FA7]  }
0x2b: {  	s6 =	sld [smem:$0x3FA8]  }
0x2c: {  	s7 =	sld [smem:$0x3FA9]  }
0x2d: {  	s3 =	simm.s32 $0x108;
	s8 =	sld [smem:$0x3FAA]  }
0x2e: {  	s3 =	simm.s32 @!p0 $0x1082;
	s9 =	sld [smem:$0x3FAB]  }
0x2f: {  	lr =	sadd.s32 s0, s3;
	s0 =	sld [smem:$0x3FA2]  }
0x30: {  	s3 =	sld [smem:$0x3FA5]  }
0x31: {  	[smem:$0x3FAE] =	sst s10  }
0x32: {  	s10 =	sld [smem:$0x3FAC];
	_ =	sdelay $0x3  }
0x33: {  	p0 =	seq.s32 s10, $0x1;
	s10 =	sld [smem:$0x3FAE];
	_ =	sdelay $0x3  }
0x34: {  	[smem:$0x3FAE] =	sst s10  }
0x35: {  	s10 =	sld [smem:$0x3FAD];
	_ =	sdelay $0x3  }
0x36: {  	p1 =	seq.s32 s10, $0x1;
	s10 =	sld [smem:$0x3FAE];
	_ =	sdelay $0x3  }
0x37: {  	[smem:$0x3FAE] =	sst s10  }
0x38: {  	s10 =	sld [smem:$0x3FAF]  }
0x39: {  	_ = 	snop;
	(pc) =	sbr.ind lr, $3  }
0x3a: {  	_ = 	snop  }
0x3b: {  	_ = 	snop  }
0x3c: {  	p2 =	seq.s32 s10, $0x1;
	s10 =	sld [smem:$0x3FAE]  }
0x3d: {  	_ =	shalt  }
0x3e: {  	_ =	shalt  }
0x3f: {  	_ =	shalt  }
0x40: {  	_ =	shalt  }
0x41: {  	_ =	shalt  }
0x42: {  	_ =	shalt  }
0x43: {  	_ =	shalt  }
0x44: {  	_ =	shalt  }
0x45: {  	_ =	shalt  }
0x46: {  	_ =	shalt  }
0x47: {  	_ =	shalt  }
0x48: {  	_ =	shalt  }
0x49: {  	_ =	shalt  }
0x4a: {  	_ =	shalt  }
0x4b: {  	_ =	shalt  }
0x4c: {  	_ =	shalt  }
0x4d: {  	_ =	shalt  }
0x4e: {  	_ =	shalt  }
0x4f: {  	_ =	shalt  }
0x50: {  	_ =	shalt  }
0x51: {  	_ =	shalt  }
0x52: {  	_ =	shalt  }
0x53: {  	_ =	shalt  }
0x54: {  	_ =	shalt  }
0x55: {  	_ =	shalt  }
0x56: {  	_ =	shalt  }
0x57: {  	_ =	shalt  }
0x58: {  	_ =	shalt  }
0x59: {  	_ =	shalt  }
0x5a: {  	_ =	shalt  }
0x5b: {  	_ =	shalt  }
0x5c: {  	_ =	shalt  }
0x5d: {  	_ =	shalt  }
0x5e: {  	_ =	shalt  }
0x5f: {  	_ =	shalt  }
0x60: {  	_ =	shalt  }
0x61: {  	_ =	shalt  }
0x62: {  	_ =	shalt  }
0x63: {  	_ =	shalt  }
0x64: {  	_ =	shalt  }
0x65: {  	_ =	shalt  }
0x66: {  	_ =	shalt  }
0x67: {  	_ =	shalt  }
0x68: {  	_ =	shalt  }
0x69: {  	_ =	shalt  }
0x6a: {  	_ =	shalt  }
0x6b: {  	_ =	shalt  }
0x6c: {  	_ =	shalt  }
0x6d: {  	_ =	shalt  }
0x6e: {  	_ =	shalt  }
0x6f: {  	_ =	shalt  }
0x70: {  	_ =	shalt  }
0x71: {  	_ =	shalt  }
0x72: {  	_ =	shalt  }
0x73: {  	_ =	shalt  }
0x74: {  	_ =	shalt  }
0x75: {  	_ =	shalt  }
0x76: {  	_ =	shalt  }
0x77: {  	_ =	shalt  }
0x78: {  	_ =	shalt  }
0x79: {  	_ =	shalt  }
0x7a: {  	_ =	shalt  }
0x7b: {  	_ =	shalt  }
0x7c: {  	_ =	shalt  }
0x7d: {  	_ =	shalt  }
0x7e: {  	_ =	shalt  }
0x7f: {  	_ =	shalt  }
0x80: {  	_ =	shalt  }
0x81: {  	_ =	shalt  }
0x82: {  	_ =	shalt  }
0x83: {  	_ =	shalt  }
0x84: {  	_ =	shalt  }
0x85: {  	_ =	shalt  }
0x86: {  	_ =	shalt  }
0x87: {  	_ =	shalt  }
.Lfunc_end0:
.L_simem_size_0:
called_computation_lowered:
.L_overlay_start_0:
0x88: {  	s2 =	sld [smem:$0x3FD9]  }
0x89: {  	s3 =	sld [smem:$0x3FFE];
	_ =	sdelay $0x1  }
0x8a: {  	s1 =	srdreg.scid  }
0x8b: {  	s0 =	sand.u32 $0x1, s1  }
0x8c: {  	s14 =	sshll.u32 s0, $0xA;
	s2 =	sadd.s32 s3, s2  }
0x8d: {  	s2 =	sadd.s32 s2, s14  }
0x8e: {  	[smem:$0x3FBA] =	sst s2  }
0x8f: {  	_ = 	snop  }
0x90: {  	s2 =	sld [smem:$0x3FD0];
	_ =	sdelay $0x2  }
0x91: {  	s15 =	simm.s32 $0xA;
	s4 =	simm.s32 $0x10  }
0x92: {  	[smem:s4], [sflag:s15] =	dma.local [hbm:s2], $0x1  }
0x93: {  	_ =	swait.eq [sflag:s15], $0x1  }
0x94: {  	[sflag:s15] =	ssyncset.done $0x0  }
0x95: {  	[sflag:s15] =	ssyncadd.s32 $0xFFFFFFFF  }
0x96: {  	s16 =	sld [smem:$0x10];
	(tm) =	ssettm $0x1  }
0x97: {  	s17 =	sld [smem:$0x3FFB];
	_ =	sdelay $0x3  }
0x98: {  	_ =	strace s17  }
0x99: {  	s3 =	sld [smem:$0x3FFC];
	_ =	sdelay $0x3  }
0x9a: {  	_ =	strace s3  }
0x9b: {  	s3 =	sld [smem:$0x3FFD];
	_ =	sdelay $0x3  }
0x9c: {  	_ =	strace s3  }
0x9d: {  	_ =	strace $0x8FFFFFFF  }
0x9e: {  	s18 =	sld [smem:$0x3FDB];
	_ =	sdelay $0x1  }
0x9f: {  	s19 =	simm.s32 $_scs_section_size  }
0xa0: {  	s5 =	simm.s32 $_size__tile_overlayer_lowered;
	s6 =	simm.s32 $_tile_overlayer_lowered  }
0xa1: {  	s22 =	simm.s32 $0x1BFF;
	s21 =	sshll.u32 s6, $0x1;
	s3 =	sadd.s32 s19, s18  }
0xa2: {  	s7 =	simm.s32 $0x0;
	s20 =	sshll.u32 s5, $0x1;
	s5 =	sadd.s32 s21, s3  }
0xa3: {  	[timem:s7], [sflag:s22] =	dma.local [hbm:s5], s20  }
0xa4: {  	_ =	swait.ge [sflag:s22], s20  }
0xa5: {  	s4 =	ssub.s32 $0x0, s20;
	[sflag:s22] =	ssyncset.done $0x0  }
0xa6: {  	[sflag:s22] =	ssyncadd.s32 s4;
	_ =	sdelay $0x1  }
0xa7: {  	s23 =	simm.s32 $0x1B8B  }
0xa8: {  	_ =	swait.ge [sflag:s23], $0x1  }
0xa9: {  	[sflag:s23] =	ssyncset.done $0x0  }
0xaa: {  	s25 =	simm.s32 $0x1B8E;
	s24 =	sld [smem:$0x3FFE];
	[sflag:s23] =	ssyncadd.s32 $0xFFFFFFFF  }
0xab: {  	s26 =	simm.s32 $execute0_lowered;
	[smem:$0x3FD2] =	sst s25  }
0xac: {  	s5 =	sshll.u32 s26, $0x1;
	_ =	strace $0x80000046;
	[dreg:$0x1] =	wrdreg $0xFFFFFFFF  }
0xad: {  	s28 =	simm.s32 $_size_execute0_lowered;
	s3 =	sadd.s32 s3, s5;
	[dreg:$0x0] =	wrdreg $0x0  }
0xae: {  	s5 =	sshll.u32 s28, $0x1;
	[dreg:$0x2] =	wrdreg s3  }
0xaf: {  	[dreg:$0x3] =	wrdreg s5  }
0xb0: {  	[dreg:$0x4] =	wrdreg $0xC0  }
0xb1: {  	_ =	task [dreg:s7], $0x5FFFF  }
0xb2: {  	[dreg:$0x1] =	wrdreg $0xFFFFFFFF  }
0xb3: {  	[dreg:$0x0] =	wrdreg $0x60  }
0xb4: {  	[dreg:$0x2] =	wrdreg s24  }
0xb5: {  	[dreg:$0x3] =	wrdreg s16  }
0xb6: {  	[dreg:$0x4] =	wrdreg $0x9  }
0xb7: {  	_ =	task.clear_ibuf [dreg:s7], $0x5FFFF;
	_ =	strace $0x90000046  }
0xb8: {  	s29 =	simm.s32 $0x9;
	_ =	strace $0x80000048  }
0xb9: {  	_ =	swait.ge [sflag:s29], $0x1  }
0xba: {  	[sflag:s29] =	ssyncadd.s32 $0xFFFFFFFF  }
0xbb: {  	_ =	strace $0x90000048  }
0xbc: {  	_ =	sfence  }
0xbd: {  	s30 =	sld [smem:$0x0];
	_ =	sdelay $0x2  }
0xbe: {  	s31 =	sshll.u32 s1, $0xD;
	s1 =	sshrl.u32 s1, $0x2  }
0xbf: {  	s3 =	sand.u32 $0x4000, s31;
	s1 =	sadd.s32 s1, s30  }
0xc0: {  	s0 =	sor.u32 s3, s0;
	s1 =	sshll.u32 s1, $0x11  }
0xc1: {  	s0 =	sor.u32 s1, s0  }
0xc2: {  	s0 =	sadd.s32 $0x8F2B, s0  }
0xc3: {  	[sflag:s0] =	ssyncadd.remote.s32 $0x1  }
0xc4: {  	_ =	sfence.sel $0xFFFF  }
0xc5: {  	[dreg:$0x0] =	wrdreg $0xFFFFFFFF;
	(pc) =	sbr.abs _section_cstart, $3  }
0xc6: {  	[dreg:$0x1] =	wrdreg $0xFFFFFFFF  }
0xc7: {  	_ =	task.clear_ibuf [dreg:s7], $0x2FFFF;
	_ =	strace $0x9FFFFFFF  }
0xc8: {  	(tm) =	ssettm $0x7FFFFFFF  }
0xc9: {  	_ =	shalt  }
tec
execute0_lowered:
.L_overlay_start_1:
0x0: {  	(tag) =	ssettag $0x1  }
0x1: {  	s3 =	rddreg [dreg:$0x0]  }
0x2: {  	s4 =	rddreg [dreg:$0x1]  }
0x3: {  	s0 =	rddreg [dreg:$0x2];
	s2 =	simm.s32 $0x0  }
0x4: {  	s5 =	srdreg.scid;
	s1 =	stileid.u32;
	s10 =	simm.s32 $0x1  }
0x5: {  	s11 =	simm.s32 $0x2000;
	s12 =	simm.s32 $0x2880;
	s13 =	simm.s32 $0x3100  }
0x6: {  	s14 =	simm.s32 $0x0;
	[smem:$0x7FF] =	sst s2;
	s5 =	sand.u32 $0x1, s5  }
0x7: {  	s6 =	sshrl.u32 s1, $0x2;
	s7 =	sshll.u32 s1, $0x8;
	s8 =	sshll.u32 s5, $0x7  }
0x8: {  	s7 =	sand.u32 $0x300, s7;
	s9 =	smul.u32 $0x4400, s6;
	_ =	strace $0x80000047  }
0x9: {  	s6 =	sshll.u32 s6, $0x10;
	s5 =	ssub.s32 $0x2, s5;
	s7 =	sor.u32 s8, s7  }
0xa: {  	s30 =	sshrl.u32 s5, $0x1;
	s6 =	sor.u32 s6, s7;
	s7 =	sor.u32 s9, s7  }
0xb: {  	s8 =	ssub.s32 s5, s30;
	s6 =	sshrl.u32 s6, $0x3;
	s7 =	sshrl.u32 s7, $0x3  }
0xc: {  	s9 =	simm.s32 $0x400;
	s6 =	sadd.s32 s6, s3;
	s31 =	sadd.s32 s7, s3  }
0xd: {  	s4 =	sadd.s32 s4, s7;
	s7 =	smax.u32 s8, $0x1;
	s8 =	simm.s32 $0x80  }
0xe: {  	s3 =	sadd.s32 $0x1800, s6;
	s5 =	sadd.s32 $0xBA00, s31;
	s6 =	sadd.s32 $0x9800, s31  }
.LBB2_1:
0xf: {  	[tilespmem:s2], [sflag:$0x1] =	stream.strided.gather [hbm4b:s3+s8], $0x2000, s9, s8, $0x38;
	[tilespmem:$0x3980] =	vst v63  }
0x10: {  	_ =	swait.ge [sflag:s10], $0x2000  }
0x11: {  	[sflag:s10] =	ssyncset.done $0x0  }
0x12: {  	[sflag:s10] =	ssyncadd.s32 $0xFFFFE000  }
0x13: {  	[tilespmem:s11], [sflag:$0x1] =	stream.strided.gather [hbm4b:s4+s8], $0x880, s9, s8, $0x38;
	[tilespmem:$0x3980] =	vst v63  }
0x14: {  	_ =	swait.ge [sflag:s10], $0x880  }
0x15: {  	[sflag:s10] =	ssyncset.done $0x0  }
0x16: {  	s15 =	simm.s32 $0x0;
	[sflag:s10] =	ssyncadd.s32 $0xFFFFF780  }
0x17: {  	v0 =	vld [tilespmem:s15+$0x2000];
	_ =	sdelay $0x4  }
0x18: {  	v1 =	vshll.u32 v0, $0x1;
	_ =	sdelay $0x4  }
0x19: {  	v0 =	vld.idx.msk [tilespmem:v1+s2+$0x0], $0xffff  }
0x1a: {  	v1 =	vor.u32 $0x1, v1  }
0x1b: {  	s16 =	simm.s32 $0x10;
	s17 =	simm.s32 $0x80  }
.LBB2_2:
0x1c: {  	p0 =	sne.s32 s17, $0x21C0;
	v2 =	vld [tilespmem:s16+$0x2000];
	_ =	sdelay $0x1  }
0x1d: {  	[tilespmem:s15+$0x2880] =	vst v0  }
0x1e: {  	v0 =	vld.idx.msk [tilespmem:v1+s2+$0x0], $0xffff;
	_ =	sdelay $0x1  }
0x1f: {  	v1 =	vshll.u32 v2, $0x1;
	_ =	sdelay $0x3  }
.Ltmp0:
0x20: {  	[tilespmem:s15+$0x3100] =	vst v0;
	s15 =	smov.u32 s16;
	(pc) =	sbr.rel @p0 .LBB2_2-.Ltmp0, $3  }
0x21: {  	v0 =	vld.idx.msk [tilespmem:v1+s2+$0x0], $0xffff;
	_ =	sdelay $0x1  }
0x22: {  	v1 =	vor.u32 $0x1, v1  }
0x23: {  	s16 =	sshra.s32 s17, $0x2;
	s17 =	sadd.s32 $0x40, s17  }
0x24: {  	v2 =	vld [tilespmem:s16+$0x2000];
	_ =	sdelay $0x2  }
0x25: {  	[tilespmem:s15+$0x2880] =	vst v0  }
0x26: {  	v0 =	vld.idx.msk [tilespmem:v1+s2+$0x0], $0xffff  }
0x27: {  	v63 =	vshll.u32 v2, $0x1;
	_ =	sdelay $0x3  }
0x28: {  	[tilespmem:s15+$0x3100] =	vst v0  }
0x29: {  	v0 =	vld.idx.msk [tilespmem:v63+s2+$0x0], $0xffff  }
0x2a: {  	v1 =	vor.u32 $0x1, v63;
	_ =	sdelay $0x3  }
0x2b: {  	[tilespmem:s16+$0x2880] =	vst v0  }
0x2c: {  	v0 =	vld.idx.msk [tilespmem:v1+s2+$0x0], $0xffff;
	_ =	sdelay $0x4  }
0x2d: {  	[tilespmem:s16+$0x3100] =	vst v0  }
0x2e: {  	[hbm4b:s5+s8] =	stream.strided.scatter [tilespmem:s12], [sflag:$0x1], $0x880, s9, s8, $0x38;
	[tilespmem:$0x3980] =	vst v63  }
0x2f: {  	s14 =	sadd.s32 $0x1, s14;
	_ =	swait.ge [sflag:s10], $0x880  }
0x30: {  	p0 =	sne.s32 s14, s7;
	[sflag:s10] =	ssyncset.done $0x0  }
.Ltmp1:
0x31: {  	[sflag:s10] =	ssyncadd.s32 $0xFFFFF780;
	(pc) =	sbr.rel @p0 .LBB2_1-.Ltmp1, $4  }
0x32: {  	[hbm4b:s6+s8] =	stream.strided.scatter [tilespmem:s13], [sflag:$0x1], $0x880, s9, s8, $0x38;
	[tilespmem:$0x3980] =	vst v63  }
0x33: {  	_ =	swait.ge [sflag:s10], $0x880  }
0x34: {  	[sflag:s10] =	ssyncset.done $0x0  }
0x35: {  	[sflag:s10] =	ssyncadd.s32 $0xFFFFF780  }
0x36: {  	_ =	sfence.sel $0x180000  }
0x37: {  	[bflag:$0x0] =	sbarrier.arrive $0xFFFF  }
0x38: {  	p0 =	sne.s32 s1, $0x0;
	_ =	strace $0x90000047  }
0x39: {  	s0 =	sadd.s32 @!p0 $0x100000, s0;
	[bflag:$0x2] =	sbarrier.arrive $0xFFFF  }
0x3a: {  	[sflag:s0] =	ssyncadd.tile.s32 @!p0 $0x1;
	_ =	shalt  }
.Lfunc_end2:
_tile_overlayer_lowered:
.L_overlay_start_2:
0x3b: {  	(tag) =	ssettag $0x2  }
0x3c: {  	s0 =	rddreg [dreg:$0x0];
	s2 =	stileid.u32  }
0x3d: {  	s1 =	rddreg [dreg:$0x1];
	p0 =	sne.s32 s2, $0x0  }
0x3e: {  	s3 =	rddreg [dreg:$0x2];
	[bflag:$0x3] =	sbarrier.arrive $0xFFFF;
	s2 =	simm.s32 @!p0 $0x1C01  }
0x3f: {  	[timem:s3], [sflag:s2] =	dma.local @!p0 [hbm:s0], s1  }
0x40: {  	s0 =	simm.s32 @!p0 $0x1  }
0x41: {  	_ =	swait.ge @!p0 [sflag:s0], s1  }
0x42: {  	s1 =	ssub.s32 @!p0 $0x0, s1;
	[sflag:s0] =	ssyncset.done @!p0 $0x0  }
0x43: {  	[sflag:s0] =	ssyncadd.s32 @!p0 s1  }
0x44: {  	[bflag:$0x3] =	sbarrier.arrive $0xFFFF  }
0x45: {  	_ =	shalt  }

// kernel: kernel.8.cloned.1.call-start
scs
__scs_entry_jumppad:
0x0: {  	(pc) =	sbr.rel $0x88, $3  }
0x1: {  	(tag) =	ssettag $0x0;
	lr =	simm.s32 $0x1  }
0x2: {  	[smem:$0x3F93] =	sst lr;
	_ =	strace $0xD0000000  }
0x3: {  	_ = 	snop  }
0x4: {  	_ = 	snop  }
0x5: {  	_ = 	snop  }
0x6: {  	_ = 	snop  }
0x7: {  	_ = 	snop  }
__scs_overlays_trampoline_lowered:
0x8: {  	[smem:$0x3FA2] =	sst s0  }
0x9: {  	[smem:$0x3FA3] =	sst s1  }
0xa: {  	[smem:$0x3FA4] =	sst s2  }
0xb: {  	[smem:$0x3FA5] =	sst s3  }
0xc: {  	[smem:$0x3FA6] =	sst s4  }
0xd: {  	[smem:$0x3FA7] =	sst s5  }
0xe: {  	[smem:$0x3FA8] =	sst s6  }
0xf: {  	[smem:$0x3FA9] =	sst s7  }
0x10: {  	[smem:$0x3FAA] =	sst s8  }
0x11: {  	[smem:$0x3FAB] =	sst s9;
	s0 =	simm.s32 @!p0 $0x0  }
0x12: {  	s1 =	sld [smem:$0x3F91];
	s0 =	simm.s32 @p0 $0x1  }
0x13: {  	[smem:$0x3FAC] =	sst s0;
	s0 =	simm.s32 @!p1 $0x0  }
0x14: {  	s2 =	sld [smem:$0x3F90];
	s0 =	simm.s32 @p1 $0x1  }
0x15: {  	[smem:$0x3FAD] =	sst s0;
	s0 =	simm.s32 @!p2 $0x0  }
0x16: {  	s3 =	sld [smem:$0x3FDB];
	s0 =	simm.s32 @p2 $0x1  }
0x17: {  	s4 =	simm.s32 $0x1BF5;
	[smem:$0x3FAF] =	sst s0  }
0x18: {  	s0 =	sld [smem:$0x3F92];
	_ =	swait.ge [sflag:s4], $0x0  }
0x19: {  	s7 =	sld [smem:$0x3F93]  }
0x1a: {  	s8 =	sadd.s32 $0xFFFFE003, lr  }
0x1b: {  	s9 =	sadd.s32 $0xFFFFFEF7, lr;
	s5 =	simm.s32 $0xFFFFFFFF;
	p2 =	slt.u32 s8, $0xFFFFF086  }
0x1c: {  	p1 =	slt.u32 s9, $0xF7A;
	s5 =	simm.s32 @!p2 $0x0  }
0x1d: {  	s5 =	simm.s32 @p1 $0x1;
	p0 =	seq.s32 s7, s2  }
0x1e: {  	s7 =	smul.u32 @!p0 $0xF7A, s2;
	p2 =	seq.s32 @!p0 s5, $0x0  }
0x1f: {  	s9 =	smul.u32 $0xF7A, s1;
	s8 =	simm.s32 @!p0 $0x1BF5;
	p2 =	por !p2, p0  }
0x20: {  	[sflag:s8] =	ssyncset.s32 @!p0 $0xFFFFF086;
	s6 =	sadd.s32 @!p0 s3, s7;
	s7 =	simm.s32 @!p0 $0x108  }
0x21: {  	s3 =	sadd.s32 s3, s9;
	s6 =	sadd.s32 @!p0 $0x88, s6;
	s7 =	simm.s32 @p2 $0x1082  }
0x22: {  	[simem:s7], [sflag:s8] =	dma.local @!p0 [hbm:s6], $0xF7A  }
0x23: {  	s9 =	sor.u32 $0xD0000000, s2;
	s6 =	simm.s32 $0x108;
	_ =	swait.ge @!p0 [sflag:s8], $0x0  }
0x24: {  	s3 =	sadd.s32 $0x88, s3;
	s6 =	simm.s32 @!p1 $0x1082;
	[sflag:s4] =	ssyncset.s32 $0xFFFFF086  }
0x25: {  	[simem:s6], [sflag:s4] =	dma.local [hbm:s3], $0xF7A  }
0x26: {  	[smem:$0x3F93] =	sst s1;
	(tag) =	ssettag s2;
	_ =	strace s9  }
0x27: {  	s1 =	sld [smem:$0x3FA3]  }
0x28: {  	s2 =	sld [smem:$0x3FA4]  }
0x29: {  	s4 =	sld [smem:$0x3FA6]  }
0x2a: {  	p0 =	seq.s32 s5, $0x0;
	s5 =	sld [smem:$0x3FA7]  }
0x2b: {  	s6 =	sld [smem:$0x3FA8]  }
0x2c: {  	s7 =	sld [smem:$0x3FA9]  }
0x2d: {  	s3 =	simm.s32 $0x108;
	s8 =	sld [smem:$0x3FAA]  }
0x2e: {  	s3 =	simm.s32 @!p0 $0x1082;
	s9 =	sld [smem:$0x3FAB]  }
0x2f: {  	lr =	sadd.s32 s0, s3;
	s0 =	sld [smem:$0x3FA2]  }
0x30: {  	s3 =	sld [smem:$0x3FA5]  }
0x31: {  	[smem:$0x3FAE] =	sst s10  }
0x32: {  	s10 =	sld [smem:$0x3FAC];
	_ =	sdelay $0x3  }
0x33: {  	p0 =	seq.s32 s10, $0x1;
	s10 =	sld [smem:$0x3FAE];
	_ =	sdelay $0x3  }
0x34: {  	[smem:$0x3FAE] =	sst s10  }
0x35: {  	s10 =	sld [smem:$0x3FAD];
	_ =	sdelay $0x3  }
0x36: {  	p1 =	seq.s32 s10, $0x1;
	s10 =	sld [smem:$0x3FAE];
	_ =	sdelay $0x3  }
0x37: {  	[smem:$0x3FAE] =	sst s10  }
0x38: {  	s10 =	sld [smem:$0x3FAF]  }
0x39: {  	_ = 	snop;
	(pc) =	sbr.ind lr, $3  }
0x3a: {  	_ = 	snop  }
0x3b: {  	_ = 	snop  }
0x3c: {  	p2 =	seq.s32 s10, $0x1;
	s10 =	sld [smem:$0x3FAE]  }
0x3d: {  	_ =	shalt  }
0x3e: {  	_ =	shalt  }
0x3f: {  	_ =	shalt  }
0x40: {  	_ =	shalt  }
0x41: {  	_ =	shalt  }
0x42: {  	_ =	shalt  }
0x43: {  	_ =	shalt  }
0x44: {  	_ =	shalt  }
0x45: {  	_ =	shalt  }
0x46: {  	_ =	shalt  }
0x47: {  	_ =	shalt  }
0x48: {  	_ =	shalt  }
0x49: {  	_ =	shalt  }
0x4a: {  	_ =	shalt  }
0x4b: {  	_ =	shalt  }
0x4c: {  	_ =	shalt  }
0x4d: {  	_ =	shalt  }
0x4e: {  	_ =	shalt  }
0x4f: {  	_ =	shalt  }
0x50: {  	_ =	shalt  }
0x51: {  	_ =	shalt  }
0x52: {  	_ =	shalt  }
0x53: {  	_ =	shalt  }
0x54: {  	_ =	shalt  }
0x55: {  	_ =	shalt  }
0x56: {  	_ =	shalt  }
0x57: {  	_ =	shalt  }
0x58: {  	_ =	shalt  }
0x59: {  	_ =	shalt  }
0x5a: {  	_ =	shalt  }
0x5b: {  	_ =	shalt  }
0x5c: {  	_ =	shalt  }
0x5d: {  	_ =	shalt  }
0x5e: {  	_ =	shalt  }
0x5f: {  	_ =	shalt  }
0x60: {  	_ =	shalt  }
0x61: {  	_ =	shalt  }
0x62: {  	_ =	shalt  }
0x63: {  	_ =	shalt  }
0x64: {  	_ =	shalt  }
0x65: {  	_ =	shalt  }
0x66: {  	_ =	shalt  }
0x67: {  	_ =	shalt  }
0x68: {  	_ =	shalt  }
0x69: {  	_ =	shalt  }
0x6a: {  	_ =	shalt  }
0x6b: {  	_ =	shalt  }
0x6c: {  	_ =	shalt  }
0x6d: {  	_ =	shalt  }
0x6e: {  	_ =	shalt  }
0x6f: {  	_ =	shalt  }
0x70: {  	_ =	shalt  }
0x71: {  	_ =	shalt  }
0x72: {  	_ =	shalt  }
0x73: {  	_ =	shalt  }
0x74: {  	_ =	shalt  }
0x75: {  	_ =	shalt  }
0x76: {  	_ =	shalt  }
0x77: {  	_ =	shalt  }
0x78: {  	_ =	shalt  }
0x79: {  	_ =	shalt  }
0x7a: {  	_ =	shalt  }
0x7b: {  	_ =	shalt  }
0x7c: {  	_ =	shalt  }
0x7d: {  	_ =	shalt  }
0x7e: {  	_ =	shalt  }
0x7f: {  	_ =	shalt  }
0x80: {  	_ =	shalt  }
0x81: {  	_ =	shalt  }
0x82: {  	_ =	shalt  }
0x83: {  	_ =	shalt  }
0x84: {  	_ =	shalt  }
0x85: {  	_ =	shalt  }
0x86: {  	_ =	shalt  }
0x87: {  	_ =	shalt  }
.Lfunc_end0:
.L_simem_size_0:
called_computation.1_lowered:
.L_overlay_start_0:
0x88: {  	s2 =	sld [smem:$0x3FD9]  }
0x89: {  	s3 =	sld [smem:$0x3FFE];
	_ =	sdelay $0x1  }
0x8a: {  	s1 =	srdreg.scid  }
0x8b: {  	s0 =	sand.u32 $0x1, s1  }
0x8c: {  	s14 =	sshll.u32 s0, $0xA;
	s2 =	sadd.s32 s3, s2  }
0x8d: {  	s2 =	sadd.s32 s2, s14  }
0x8e: {  	[smem:$0x3FBA] =	sst s2  }
0x8f: {  	_ = 	snop  }
0x90: {  	s2 =	sld [smem:$0x3FD0];
	_ =	sdelay $0x2  }
0x91: {  	s4 =	simm.s32 $0xA;
	s5 =	simm.s32 $0x10;
	s15 =	sld [smem:$0x3FC7]  }
0x92: {  	[smem:s5], [sflag:s4] =	dma.local [hbm:s2], $0x1  }
0x93: {  	_ =	swait.eq [sflag:s4], $0x1  }
0x94: {  	[sflag:s4] =	ssyncset.done $0x0  }
0x95: {  	[sflag:s4] =	ssyncadd.s32 $0xFFFFFFFF  }
0x96: {  	s16 =	sld [smem:$0x10];
	(tm) =	ssettm $0x1  }
0x97: {  	s17 =	sld [smem:$0x3FFB];
	_ =	sdelay $0x3  }
0x98: {  	_ =	strace s17  }
0x99: {  	s4 =	sld [smem:$0x3FFC];
	_ =	sdelay $0x3  }
0x9a: {  	_ =	strace s4  }
0x9b: {  	s4 =	sld [smem:$0x3FFD];
	_ =	sdelay $0x3  }
0x9c: {  	_ =	strace s4  }
0x9d: {  	_ =	strace $0x8FFFFFFF  }
0x9e: {  	s18 =	sld [smem:$0x3FDB];
	_ =	sdelay $0x1  }
0x9f: {  	s19 =	simm.s32 $_scs_section_size  }
0xa0: {  	s6 =	simm.s32 $_size__tile_overlayer_lowered;
	s7 =	simm.s32 $_tile_overlayer_lowered  }
0xa1: {  	s22 =	simm.s32 $0x1BFF;
	s21 =	sshll.u32 s7, $0x1;
	s4 =	sadd.s32 s19, s18  }
0xa2: {  	s8 =	simm.s32 $0x0;
	s20 =	sshll.u32 s6, $0x1;
	s6 =	sadd.s32 s21, s4  }
0xa3: {  	[timem:s8], [sflag:s22] =	dma.local [hbm:s6], s20  }
0xa4: {  	_ =	swait.ge [sflag:s22], s20  }
0xa5: {  	s5 =	ssub.s32 $0x0, s20;
	[sflag:s22] =	ssyncset.done $0x0  }
0xa6: {  	[sflag:s22] =	ssyncadd.s32 s5;
	_ =	sdelay $0x1  }
0xa7: {  	s23 =	simm.s32 $0x1B8B  }
0xa8: {  	_ =	swait.ge [sflag:s23], $0x1  }
0xa9: {  	[sflag:s23] =	ssyncset.done $0x0  }
0xaa: {  	s25 =	simm.s32 $0x1B8E;
	s24 =	sld [smem:$0x3FFE];
	[sflag:s23] =	ssyncadd.s32 $0xFFFFFFFF  }
0xab: {  	s26 =	simm.s32 $execute0_lowered;
	[smem:$0x3FD2] =	sst s25  }
0xac: {  	s6 =	sshll.u32 s26, $0x1;
	_ =	strace $0x80000049;
	[dreg:$0x1] =	wrdreg $0xFFFFFFFF  }
0xad: {  	s28 =	simm.s32 $_size_execute0_lowered;
	s4 =	sadd.s32 s4, s6;
	[dreg:$0x0] =	wrdreg $0x0  }
0xae: {  	s6 =	sshll.u32 s28, $0x1;
	[dreg:$0x2] =	wrdreg s4  }
0xaf: {  	[dreg:$0x3] =	wrdreg s6  }
0xb0: {  	[dreg:$0x4] =	wrdreg $0xC0  }
0xb1: {  	_ =	task [dreg:s8], $0x5FFFF  }
0xb2: {  	[dreg:$0x1] =	wrdreg $0xFFFFFFFF  }
0xb3: {  	[dreg:$0x0] =	wrdreg $0x60  }
0xb4: {  	[dreg:$0x2] =	wrdreg s24  }
0xb5: {  	[dreg:$0x3] =	wrdreg s15  }
0xb6: {  	[dreg:$0x4] =	wrdreg s16  }
0xb7: {  	[dreg:$0x5] =	wrdreg $0x9  }
0xb8: {  	_ =	task.clear_ibuf [dreg:s8], $0x6FFFF;
	_ =	strace $0x90000049  }
0xb9: {  	s29 =	simm.s32 $0x9;
	_ =	strace $0x8000004B  }
0xba: {  	_ =	swait.ge [sflag:s29], $0x1  }
0xbb: {  	[sflag:s29] =	ssyncadd.s32 $0xFFFFFFFF  }
0xbc: {  	_ =	strace $0x9000004B  }
0xbd: {  	_ =	sfence  }
0xbe: {  	s30 =	sld [smem:$0x0];
	_ =	sdelay $0x2  }
0xbf: {  	s31 =	sshll.u32 s1, $0xD;
	s1 =	sshrl.u32 s1, $0x2  }
0xc0: {  	s3 =	sand.u32 $0x4000, s31;
	s1 =	sadd.s32 s1, s30  }
0xc1: {  	s0 =	sor.u32 s3, s0;
	s1 =	sshll.u32 s1, $0x11  }
0xc2: {  	s0 =	sor.u32 s1, s0  }
0xc3: {  	s0 =	sadd.s32 $0x8F2B, s0  }
0xc4: {  	[sflag:s0] =	ssyncadd.remote.s32 $0x1  }
0xc5: {  	_ =	sfence.sel $0xFFFF  }
0xc6: {  	[dreg:$0x0] =	wrdreg $0xFFFFFFFF;
	(pc) =	sbr.abs _section_cstart, $3  }
0xc7: {  	[dreg:$0x1] =	wrdreg $0xFFFFFFFF  }
0xc8: {  	_ =	task.clear_ibuf [dreg:s8], $0x2FFFF;
	_ =	strace $0x9FFFFFFF  }
0xc9: {  	(tm) =	ssettm $0x7FFFFFFF  }
tec
execute0_lowered:
.L_overlay_start_1:
0x0: {  	(tag) =	ssettag $0x1  }
0x1: {  	s3 =	rddreg [dreg:$0x0]  }
0x2: {  	s4 =	rddreg [dreg:$0x1]  }
0x3: {  	s5 =	rddreg [dreg:$0x2]  }
0x4: {  	s0 =	rddreg [dreg:$0x3];
	s6 =	srdreg.scid  }
0x5: {  	s1 =	stileid.u32;
	s2 =	simm.s32 $0x0;
	s11 =	simm.s32 $0x1080  }
0x6: {  	s12 =	simm.s32 $0x0;
	s6 =	sand.u32 $0x1, s6;
	s7 =	sshll.u32 s1, $0x8  }
0x7: {  	s8 =	sshrl.u32 s1, $0x2;
	[smem:$0x7FF] =	sst s2;
	s9 =	sshll.u32 s6, $0x7  }
0x8: {  	s7 =	sand.u32 $0x300, s7;
	s30 =	sshll.u32 s8, $0xE;
	_ =	strace $0x8000004A  }
0x9: {  	s6 =	ssub.s32 $0x2, s6;
	s8 =	sshll.u32 s8, $0xF;
	s7 =	sor.u32 s9, s7  }
0xa: {  	s31 =	sshrl.u32 s6, $0x1;
	s9 =	sor.u32 s30, s7;
	s7 =	sor.u32 s8, s7  }
0xb: {  	s6 =	ssub.s32 s6, s31;
	s8 =	simm.s32 $0x400;
	s9 =	sshrl.u32 s9, $0x3  }
0xc: {  	s7 =	sshrl.u32 s7, $0x3;
	s6 =	smax.u32 s6, $0x1;
	s10 =	sadd.s32 s9, s3  }
0xd: {  	s3 =	sadd.s32 s4, s9;
	s5 =	sadd.s32 s5, s7;
	s7 =	simm.s32 $0x80  }
0xe: {  	v0 =	vimm.s32 $0xFFFFFFFF;
	v1 =	vimm.f32 $0.0e+00;
	v2 =	vlaneseq.u32;
	s9 =	simm.s32 $0x1;
	s4 =	sadd.s32 $0x1800, s10;
	s10 =	simm.s32 $0x880  }
.LBB2_1:
0xf: {  	[tilespmem:s2], [sflag:$0x1] =	stream.strided.gather [hbm4b:s3+s7], $0x800, s8, s7, $0x38;
	[tilespmem:$0x2080] =	vst v63  }
0x10: {  	_ =	swait.ge [sflag:s9], $0x800  }
0x11: {  	[sflag:s9] =	ssyncset.done $0x0  }
0x12: {  	[sflag:s9] =	ssyncadd.s32 $0xFFFFF800  }
0x13: {  	[tilespmem:$0x800] =	vst v0  }
0x14: {  	[tilespmem:s10], [sflag:$0x1] =	stream.strided.gather [hbm4b:s4+s7], $0x800, s8, s7, $0x38;
	[tilespmem:$0x2080] =	vst v63  }
0x15: {  	_ =	swait.ge [sflag:s9], $0x800  }
0x16: {  	[sflag:s9] =	ssyncset.done $0x0  }
0x17: {  	s13 =	simm.s32 $0x0;
	[sflag:s9] =	ssyncadd.s32 $0xFFFFF800  }
.LBB2_2:
0x18: {  	p0 =	sne.s32 s13, $0x3FC0  }
.Ltmp0:
0x19: {  	_ = 	snop;
	(pc) =	sbr.rel @p0 .LBB2_2-.Ltmp0, $3  }
0x1a: {  	_ =	sdelay $0x1  }
0x1b: {  	s14 =	sshra.s32 s13, $0x2  }
0x1c: {  	s13 =	sadd.s32 $0x40, s13;
	[tilespmem:s14+$0x1080] =	vst v1  }
0x1d: {  	s13 =	simm.s32 $0x1  }
0x1e: {  	v3 =	vadd.s32 s13, v2;
	_ =	sdelay $0x4  }
0x1f: {  	s13 =	simm.s32 $0x0;
	v4 =	vld.idx.msk [tilespmem:v3+s2+$0x0], $0xffff  }
0x20: {  	v3 =	vld [tilespmem:s13+$0x0];
	_ =	sdelay $0x4  }
0x21: {  	s14 =	simm.s32 $0x880;
	vm0 =	vne.s32 v3, v4  }
0x22: {  	s15 =	simm.s32 $0x11;
	v4 =	vld [tilespmem:s14+$0x0]  }
0x23: {  	v5 =	vadd.s32 s15, v2;
	s15 =	simm.s32 $0x21  }
.LBB2_4:
0x24: {  	p0 =	sne.s32 s15, $0x7F1;
	_ =	sdelay $0x2  }
0x25: {  	[tilespmem:v3+s11+$0x0] =	vst.idx.msk vm0, v4  }
0x26: {  	s13 =	sadd.s32 $0x10, s13;
	v4 =	vld.idx.msk [tilespmem:v5+s2+$0x0], $0xffff  }
0x27: {  	v3 =	vld [tilespmem:s13+$0x0];
	_ =	sdelay $0x2  }
.Ltmp1:
0x28: {  	(pc) =	sbr.rel @p0 .LBB2_4-.Ltmp1, $4  }
0x29: {  	_ = 	snop  }
0x2a: {  	s14 =	sadd.s32 $0x10, s14;
	vm0 =	vne.s32 v3, v4  }
0x2b: {  	v4 =	vld [tilespmem:s14+$0x0]  }
0x2c: {  	v5 =	vadd.s32 s15, v2;
	s15 =	sadd.s32 $0x10, s15  }
0x2d: {  	_ =	sdelay $0x4  }
0x2e: {  	[tilespmem:v3+s11+$0x0] =	vst.idx.msk vm0, v4  }
0x2f: {  	s13 =	sadd.s32 $0x10, s13;
	v3 =	vld.idx.msk [tilespmem:v5+s2+$0x0], $0xffff  }
0x30: {  	v4 =	vld [tilespmem:s13+$0x0];
	_ =	sdelay $0x4  }
0x31: {  	s31 =	sadd.s32 $0x10, s14;
	vm15 =	vne.s32 v4, v3  }
0x32: {  	v3 =	vld [tilespmem:s31+$0x0];
	_ =	sdelay $0x2  }
0x33: {  	s12 =	sadd.s32 $0x1, s12  }
0x34: {  	p0 =	sne.s32 s12, s6  }
.Ltmp2:
0x35: {  	[tilespmem:v4+s11+$0x0] =	vst.idx.msk vm15, v3;
	(pc) =	sbr.rel @p0 .LBB2_1-.Ltmp2, $4  }
0x36: {  	[hbm4b:s5+s7] =	stream.strided.scatter [tilespmem:s11], [sflag:$0x1], $0x1000, s8, s7, $0x38;
	[tilespmem:$0x2080] =	vst v63  }
0x37: {  	_ =	swait.ge [sflag:s9], $0x1000  }
0x38: {  	[sflag:s9] =	ssyncset.done $0x0  }
0x39: {  	[sflag:s9] =	ssyncadd.s32 $0xFFFFF000  }
0x3a: {  	_ =	sfence.sel $0x180000  }
0x3b: {  	[bflag:$0x0] =	sbarrier.arrive $0xFFFF  }
0x3c: {  	p0 =	sne.s32 s1, $0x0;
	_ =	strace $0x9000004A  }
0x3d: {  	s0 =	sadd.s32 @!p0 $0x100000, s0;
	[bflag:$0x2] =	sbarrier.arrive $0xFFFF  }
0x3e: {  	[sflag:s0] =	ssyncadd.tile.s32 @!p0 $0x1;
	_ =	shalt  }
.Lfunc_end2:
_tile_overlayer_lowered:
.L_overlay_start_2:
0x3f: {  	(tag) =	ssettag $0x2  }
0x40: {  	s0 =	rddreg [dreg:$0x0];
	s2 =	stileid.u32  }
0x41: {  	s1 =	rddreg [dreg:$0x1];
	p0 =	sne.s32 s2, $0x0  }
0x42: {  	s3 =	rddreg [dreg:$0x2];
	[bflag:$0x3] =	sbarrier.arrive $0xFFFF;
	s2 =	simm.s32 @!p0 $0x1C01  }
0x43: {  	[timem:s3], [sflag:s2] =	dma.local @!p0 [hbm:s0], s1  }
0x44: {  	s0 =	simm.s32 @!p0 $0x1  }
0x45: {  	_ =	swait.ge @!p0 [sflag:s0], s1  }
0x46: {  	s1 =	ssub.s32 @!p0 $0x0, s1;
	[sflag:s0] =	ssyncset.done @!p0 $0x0  }
0x47: {  	[sflag:s0] =	ssyncadd.s32 @!p0 s1  }
0x48: {  	[bflag:$0x3] =	sbarrier.arrive $0xFFFF  }
0x49: {  	_ =	shalt  }

</sc_bundles>
